<compile_context>
chip_gen: v7x
topology: tpu7x:2x2x1
jax: 0.10.2.dev20260603
libtpu: 0.0.44.dev20260713+nightly
codegen_flags: <defaults>
</compile_context>

<pallas_src>
import functools

import jax
import jax.numpy as jnp
from jax import lax
from jax.experimental import pallas as pl
from jax.experimental.pallas import tpu as pltpu
from jax.experimental.pallas import tpu_sc as plsc

N = 29440
E = 471040
IN_F = 115
H = 64
G = 256
SEG = 115
NW = 32
EPW = E // NW
CH = 128
NCH = EPW // CH
NPT = N // 16
ZR = 184

_mesh = plsc.VectorSubcoreMesh(core_axis_name="c", subcore_axis_name="s")


@functools.partial(
    pl.kernel,
    out_type=jax.ShapeDtypeStruct((2 * N,), jnp.float32),
    mesh=_mesh,
    scratch_types=[
        pltpu.VMEM_SHARED((N,), jnp.float32),
        pltpu.VMEM((NCH, CH), jnp.int32),
        pltpu.VMEM((NCH, CH), jnp.float32),
        pltpu.VMEM((NPT,), jnp.float32),
    ],
)
def _k1_deg(cidx_hbm, ew_hbm, degp_hbm, deg_sp, cidx_v, ew_v, zbuf):
    cid = lax.axis_index("c")
    sid = lax.axis_index("s")
    wid = sid * 2 + cid

    pltpu.sync_copy(cidx_hbm.at[wid], cidx_v)
    pltpu.sync_copy(ew_hbm.at[wid], ew_v)

    def zf(i, _):
        zbuf[pl.ds(i * 16, 16)] = jnp.zeros((16,), jnp.float32)
        return 0
    lax.fori_loop(0, NPT // 16, zf, 0)
    pltpu.sync_copy(zbuf, deg_sp.at[pl.ds(sid * NPT, NPT)])
    plsc.subcore_barrier()

    def body(j, _):
        pltpu.sync_copy(ew_v.at[j], deg_sp.at[cidx_v.at[j]], add=True)
        return 0
    lax.fori_loop(0, NCH, body, 0)
    plsc.subcore_barrier()

    pltpu.sync_copy(deg_sp.at[pl.ds(sid * NPT, NPT)], zbuf)
    pltpu.sync_copy(zbuf, degp_hbm.at[pl.ds(cid * N + sid * NPT, NPT)])


CB = 80
NCB = EPW // CB
_HALF = NCB // 2
_NZC = NPT // CB
_TL = NPT - _NZC * CB


@functools.partial(
    pl.kernel,
    out_type=jax.ShapeDtypeStruct((2, N, H), jnp.float32),
    mesh=_mesh,
    compiler_params=pltpu.CompilerParams(use_tc_tiling_on_sc=False),
    scratch_types=[
        pltpu.VMEM_SHARED((N, H), jnp.float32),
        pltpu.VMEM((CB,), jnp.int32),
        pltpu.VMEM((CB,), jnp.int32),
        pltpu.VMEM((CB,), jnp.int32),
        pltpu.VMEM((CB,), jnp.int32),
        pltpu.VMEM((CB // 8, 128), jnp.float32),
        pltpu.VMEM((CB // 8, 128), jnp.float32),
        pltpu.VMEM((CB, H), jnp.float32),
        pltpu.VMEM((CB, H), jnp.float32),
        pltpu.SemaphoreType.DMA,
        pltpu.SemaphoreType.DMA,
        pltpu.SemaphoreType.DMA,
        pltpu.SemaphoreType.DMA,
    ],
)
def _k3_msg(y_hbm, eidx_hbm, ew_hbm, accp_hbm,
            acc_sp, ridx0, ridx1, cidx0, cidx1, ew0, ew1, rows0, rows1,
            sem_i0, sem_i1, sem_g0, sem_g1):
    cid = lax.axis_index("c")
    sid = lax.axis_index("s")
    wid = sid * 2 + cid
    base = sid * NPT
    ridx = (ridx0, ridx1)
    cidx = (cidx0, cidx1)
    ew = (ew0, ew1)
    rows = (rows0, rows1)
    sem_i = (sem_i0, sem_i1)
    sem_g = (sem_g0, sem_g1)

    def start_idx(c, s):
        pltpu.async_copy(eidx_hbm.at[0, pl.ds(wid * EPW + c * CB, CB)],
                         ridx[s], sem_i[s])
        pltpu.async_copy(eidx_hbm.at[1, pl.ds(wid * EPW + c * CB, CB)],
                         cidx[s], sem_i[s])
        pltpu.async_copy(
            ew_hbm.at[pl.ds((wid * EPW + c * CB) // 8, CB // 8),
                      pl.ds(0, 128)], ew[s], sem_i[s])

    def wait_idx(c, s):
        pltpu.make_async_copy(eidx_hbm.at[0, pl.ds(wid * EPW + c * CB, CB)],
                              ridx[s], sem_i[s]).wait()
        pltpu.make_async_copy(eidx_hbm.at[1, pl.ds(wid * EPW + c * CB, CB)],
                              cidx[s], sem_i[s]).wait()
        pltpu.make_async_copy(
            ew_hbm.at[pl.ds((wid * EPW + c * CB) // 8, CB // 8),
                      pl.ds(0, 128)], ew[s], sem_i[s]).wait()

    def start_gather(s):
        pltpu.async_copy(y_hbm.at[ridx[s]], rows[s], sem_g[s])

    def wait_gather(s):
        pltpu.make_async_copy(y_hbm.at[ridx[s]], rows[s], sem_g[s]).wait()

    def scale(s):
        def group(g, _):
            for k in range(8):
                r = g * 8 + k
                ewb = ew[s][g, pl.ds(k * 16, 16)]
                rows[s][r, pl.ds(0, 16)] = rows[s][r, pl.ds(0, 16)] * ewb
                rows[s][r, pl.ds(16, 16)] = rows[s][r, pl.ds(16, 16)] * ewb
                rows[s][r, pl.ds(32, 16)] = rows[s][r, pl.ds(32, 16)] * ewb
                rows[s][r, pl.ds(48, 16)] = rows[s][r, pl.ds(48, 16)] * ewb
            return 0
        lax.fori_loop(0, CB // 8, group, 0)

    def zf(i, _):
        rows0[i, pl.ds(0, 16)] = jnp.zeros((16,), jnp.float32)
        rows0[i, pl.ds(16, 16)] = jnp.zeros((16,), jnp.float32)
        rows0[i, pl.ds(32, 16)] = jnp.zeros((16,), jnp.float32)
        rows0[i, pl.ds(48, 16)] = jnp.zeros((16,), jnp.float32)
        return 0
    lax.fori_loop(0, CB, zf, 0)
    def zc(t, _):
        pltpu.sync_copy(rows0, acc_sp.at[pl.ds(base + t * CB, CB)])
        return 0
    lax.fori_loop(0, _NZC, zc, 0)
    if _TL:
        pltpu.sync_copy(rows0.at[pl.ds(0, _TL)],
                        acc_sp.at[pl.ds(base + _NZC * CB, _TL)])
    plsc.subcore_barrier()

    start_idx(0, 0)
    start_idx(1, 1)
    wait_idx(0, 0)
    start_gather(0)

    def iter_t(t, _):
        a = 2 * t
        wait_idx(a + 1, 1)
        start_gather(1)
        wait_gather(0)
        @pl.when(t < _HALF - 1)
        def _():
            pltpu.async_copy(
                eidx_hbm.at[0, pl.ds(wid * EPW + (a + 2) * CB, CB)],
                ridx0, sem_i0)
        scale(0)
        pltpu.sync_copy(rows0, acc_sp.at[cidx0], add=True)
        @pl.when(t < _HALF - 1)
        def _():
            pltpu.async_copy(
                eidx_hbm.at[1, pl.ds(wid * EPW + (a + 2) * CB, CB)],
                cidx0, sem_i0)
            pltpu.async_copy(
                ew_hbm.at[pl.ds((wid * EPW + (a + 2) * CB) // 8, CB // 8),
                          pl.ds(0, 128)], ew0, sem_i0)
        wait_gather(1)
        @pl.when(t < _HALF - 1)
        def _():
            pltpu.async_copy(
                eidx_hbm.at[0, pl.ds(wid * EPW + (a + 3) * CB, CB)],
                ridx1, sem_i1)
        scale(1)
        @pl.when(t < _HALF - 1)
        def _():
            wait_idx(a + 2, 0)
            start_gather(0)
        pltpu.sync_copy(rows1, acc_sp.at[cidx1], add=True)
        @pl.when(t < _HALF - 1)
        def _():
            pltpu.async_copy(
                eidx_hbm.at[1, pl.ds(wid * EPW + (a + 3) * CB, CB)],
                cidx1, sem_i1)
            pltpu.async_copy(
                ew_hbm.at[pl.ds((wid * EPW + (a + 3) * CB) // 8, CB // 8),
                          pl.ds(0, 128)], ew1, sem_i1)
        return 0
    lax.fori_loop(0, _HALF, iter_t, 0)
    plsc.subcore_barrier()

    def out_chunk(t, _):
        pltpu.sync_copy(acc_sp.at[pl.ds(base + t * CB, CB)], rows0)
        pltpu.sync_copy(rows0, accp_hbm.at[cid, pl.ds(base + t * CB, CB)])
        return 0
    lax.fori_loop(0, _NZC, out_chunk, 0)
    if _TL:
        pltpu.sync_copy(acc_sp.at[pl.ds(base + _NZC * CB, _TL)],
                        rows0.at[pl.ds(0, _TL)])
        pltpu.sync_copy(rows0.at[pl.ds(0, _TL)],
                        accp_hbm.at[cid, pl.ds(base + _NZC * CB, _TL)])


def _k2_body(x_ref, w_ref, degp_ref, ew8_ref, y_ref, dis_ref, ewrep_ref):
    deg = degp_ref[0, 0, :] + degp_ref[0, 1, :] + 1.0
    dis = lax.rsqrt(deg)
    xw = jnp.dot(x_ref[...], w_ref[...], preferred_element_type=jnp.float32)
    y_ref[...] = xw * dis[:, None]
    dis_ref[...] = dis[:, None]
    jio = lax.broadcasted_iota(jnp.int32, (8, 128), 0)
    lio = lax.broadcasted_iota(jnp.int32, (8, 128), 1) // 16
    rep = (jio == lio).astype(jnp.float32)
    ewrep_ref[...] = jnp.dot(ew8_ref[...], rep,
                             preferred_element_type=jnp.float32)


def _k2_call(x, w, degp, ew8):
    bn = N // 16
    be = E // 8 // 16
    degpt = degp.reshape(2, 16, bn).transpose(1, 0, 2)
    return pl.pallas_call(
        _k2_body,
        grid=(16,),
        in_specs=[
            pl.BlockSpec((bn, IN_F), lambda i: (i, 0)),
            pl.BlockSpec((IN_F, H), lambda i: (0, 0)),
            pl.BlockSpec((1, 2, bn), lambda i: (i, 0, 0)),
            pl.BlockSpec((be, 8), lambda i: (i, 0)),
        ],
        out_specs=[
            pl.BlockSpec((bn, H), lambda i: (i, 0)),
            pl.BlockSpec((bn, 1), lambda i: (i, 0)),
            pl.BlockSpec((be, 128), lambda i: (i, 0)),
        ],
        out_shape=(jax.ShapeDtypeStruct((N, H), jnp.float32),
                   jax.ShapeDtypeStruct((N, 1), jnp.float32),
                   jax.ShapeDtypeStruct((E // 8, 128), jnp.float32)),
    )(x, w, degpt, ew8)


def _k0_body(w1_ref, w2r_ref, b1_ref, b2_ref, v_ref, c_ref):
    w2r = w2r_ref[...]
    v_ref[...] = jnp.sum(w1_ref[...] * w2r, axis=1, keepdims=True)
    c_ref[...] = (jnp.sum(b1_ref[...] * w2r, axis=1, keepdims=True)
                  + b2_ref[...])


def _k0_call(w1, w2, b1, b2):
    return pl.pallas_call(
        _k0_body,
        out_shape=(jax.ShapeDtypeStruct((SEG * H, 1), jnp.float32),
                   jax.ShapeDtypeStruct((1, 1), jnp.float32)),
    )(w1, w2.reshape(1, -1), b1.reshape(1, -1), b2.reshape(1, 1))


def _k4_body(accp_ref, y_ref, dis_ref, b_ref, vt_ref, c_ref, z_ref):
    gb = z_ref.shape[0]
    rows = gb * SEG
    h = accp_ref[0] + accp_ref[1] + y_ref[...]
    h = jax.nn.relu(h * dis_ref[...] + b_ref[...])
    p = h * vt_ref[...]
    rsum = jnp.sum(p, axis=1, keepdims=True)
    gidx = lax.broadcasted_iota(jnp.int32, (gb, rows), 0)
    ridx = lax.broadcasted_iota(jnp.int32, (gb, rows), 1) // SEG
    sel = (gidx == ridx).astype(jnp.float32)
    z_ref[...] = (jnp.dot(sel, rsum, preferred_element_type=jnp.float32)
                  + c_ref[...])


def _k4_call(accp, y, dis, b, vtile, c):
    gb = 8
    rows = gb * SEG
    grid = G // gb
    return pl.pallas_call(
        _k4_body,
        grid=(grid,),
        in_specs=[
            pl.BlockSpec((2, rows, H), lambda i: (0, i, 0)),
            pl.BlockSpec((rows, H), lambda i: (i, 0)),
            pl.BlockSpec((rows, 1), lambda i: (i, 0)),
            pl.BlockSpec((1, H), lambda i: (0, 0)),
            pl.BlockSpec((rows, H), lambda i: (0, 0)),
            pl.BlockSpec((1, 1), lambda i: (0, 0)),
        ],
        out_specs=pl.BlockSpec((gb, 1), lambda i: (i, 0)),
        out_shape=jax.ShapeDtypeStruct((G, 1), jnp.float32),
    )(accp, y, dis, b, vtile, c)


def kernel(x, edge_index, edge_weight, batch, device, W, b, W1, b1, W2, b2):
    col = edge_index[1]
    cidx3 = col.reshape(NW, NCH, CH)
    ew3 = edge_weight.reshape(NW, NCH, CH)

    degp = _k1_deg(cidx3, ew3)
    y, dis, ewrep = _k2_call(x, W, degp, edge_weight.reshape(E // 8, 8))
    accp = _k3_msg(y, edge_index, ewrep)
    v, c = _k0_call(W1, W2, b1, b2)
    vtile = jnp.tile(v.reshape(SEG, H), (8, 1))
    z = _k4_call(accp, y, dis, b.reshape(1, H), vtile, c)
    return z

# --- scband reference (transcript-rebuilt; emitter-appended) ---
"""Pipeline reference for scband-gcn-29446295781425 (READ-ONLY COPY).

The authoritative reference and input builder live on the scoring server;
editing this copy changes nothing except your own understanding.
"""

import jax, jax.numpy as jnp
import numpy as np

N = 29440
E = 471040
IN = 115
H = 64
G = 256
HC_GCN = 7360
HC2 = 256


def setup_inputs(seed: int = 0) -> dict:
    key = jax.random.key(seed)
    ks = jax.random.split(key, 10)
    x = jax.random.normal(ks[0], (N, IN), dtype=jnp.float32)
    edge_index = jax.random.randint(ks[1], (2, E), 0, N, dtype=jnp.int32)
    edge_weight = jax.random.uniform(ks[2], (E,), dtype=jnp.float32)
    batch = jnp.sort(jax.random.randint(ks[3], (N,), 0, G, dtype=jnp.int32))
    device = jnp.zeros((1,), dtype=jnp.float32)
    W = jax.random.normal(ks[4], (IN, H), dtype=jnp.float32) * (1.0 / np.sqrt(IN))
    b = jnp.zeros((H,), dtype=jnp.float32)
    W1 = jax.random.normal(ks[5], (HC_GCN, HC2), dtype=jnp.float32) * (1.0 / np.sqrt(HC_GCN))
    b1 = jnp.zeros((HC2,), dtype=jnp.float32)
    W2 = jax.random.normal(ks[6], (HC2, 1), dtype=jnp.float32) * (1.0 / np.sqrt(HC2))
    b2 = jnp.zeros((1,), dtype=jnp.float32)
    return {"x": x, "edge_index": edge_index, "edge_weight": edge_weight, "batch": batch, "device": device, "W": W, "b": b, "W1": W1, "b1": b1, "W2": W2, "b2": b2}


def _gcn_conv(x, edge_index, edge_weight, W, b):
    # PyG GCNConv semantics: add self-loops (weight 1), symmetric normalization, scatter-add aggregate at dst.
    row = edge_index[0]
    col = edge_index[1]
    loop = jnp.arange(N, dtype=row.dtype)
    row2 = jnp.concatenate([row, loop])
    col2 = jnp.concatenate([col, loop])
    ew = jnp.concatenate([edge_weight, jnp.ones((N,), dtype=x.dtype)])
    deg = jnp.zeros((N,), dtype=x.dtype).at[col2].add(ew)
    dis = deg ** -0.5  # deg >= 1 always (self-loop weight 1, nonneg edge weights)
    norm = dis[row2] * ew * dis[col2]
    xw = x @ W
    msg = xw[row2] * norm[:, None]
    out = jnp.zeros((N, H), dtype=x.dtype).at[col2].add(msg)
    return out + b


def reference(x, edge_index, edge_weight, batch, device, W, b, W1, b1, W2, b2):
    h = jax.nn.relu(_gcn_conv(x, edge_index, edge_weight, W, b))
    seg = W1.shape[0] // H
    num_graphs = x.shape[0] // seg
    flat = h.reshape(num_graphs, seg * H)  # contiguous row-major flatten, same as torch loop
    # x.to(device) is a no-op numerically; dropout is identity in eval
    z = flat @ W1 + b1
    z = z @ W2 + b2
    return z + (batch[0] - batch[0]).astype(z.dtype)

if __name__ == "__main__":
    import jax
    _d = setup_inputs()
    print(jax.jit(kernel)(*tuple(_d.values())))

</pallas_src>

<mosaic_0001>
#map = affine_map<(d0, d1) -> (0, 0)>
#map1 = affine_map<(d0, d1) -> (0, 0, 0)>
module attributes {stable_mosaic.version = 14 : i64} {
  func.func @_k3_msg(%arg0: i32, %arg1: i32, %arg2: memref<29440x64xf32, #tpu.memory_space<hbm>>, %arg3: memref<2x471040xi32, #tpu.memory_space<hbm>>, %arg4: memref<58880x128xf32, #tpu.memory_space<hbm>>, %arg5: memref<2x29440x64xf32, #tpu.memory_space<hbm>>, %arg6: memref<29440x64xf32, #tpu.memory_space<vmem_shared>>, %arg7: memref<80xi32, #tpu.memory_space<vmem>>, %arg8: memref<80xi32, #tpu.memory_space<vmem>>, %arg9: memref<80xi32, #tpu.memory_space<vmem>>, %arg10: memref<80xi32, #tpu.memory_space<vmem>>, %arg11: memref<10x128xf32, #tpu.memory_space<vmem>>, %arg12: memref<10x128xf32, #tpu.memory_space<vmem>>, %arg13: memref<80x64xf32, #tpu.memory_space<vmem>>, %arg14: memref<80x64xf32, #tpu.memory_space<vmem>>, %arg15: memref<!tpu.dma_semaphore, #tpu.memory_space<semaphore_mem>>, %arg16: memref<!tpu.dma_semaphore, #tpu.memory_space<semaphore_mem>>, %arg17: memref<!tpu.dma_semaphore, #tpu.memory_space<semaphore_mem>>, %arg18: memref<!tpu.dma_semaphore, #tpu.memory_space<semaphore_mem>>) attributes {dimension_semantics = [#tpu.dimension_semantics<core_parallel>, #tpu.dimension_semantics<subcore_parallel>], iteration_bounds = array<i64: 2, 16>, scalar_prefetch = 0 : i64, scratch_operands = 13 : i64, tpu.core_type = #tpu.core_type<sc_vector_subcore>, window_params = [{transform_indices = #map}, {transform_indices = #map}, {transform_indices = #map}, {transform_indices = #map1}]} {
    %mul3A = arith.constant 2 : i32
    %mul3A_0 = arith.muli %arg1, %mul3A : i32
    %add3A = arith.addi %mul3A_0, %arg0 : i32
    %mul3A_1 = arith.constant 1840 : i32
    %mul3A_2 = arith.muli %arg1, %mul3A_1 : i32
    %scan3A = arith.constant 0 : i32
    %scan3A_3 = arith.constant 0 : i32
    %scan3A_4 = arith.constant 80 : i32
    %scan3A_5 = arith.addi %scan3A_3, %scan3A_4 : i32
    %scan3A_6 = arith.constant 1 : i32
    %scan3A_7 = scf.for %scan3A_174 = %scan3A_3 to %scan3A_5 step %scan3A_6 iter_args(%scan3A_175 = %scan3A) -> (i32)  : i32 {
      %broadcast_in_dim3A = arith.constant 0.000000e+00 : f32
      %broadcast_in_dim3A_176 = vector.broadcast %broadcast_in_dim3A : f32 to vector<16xf32>
      %swap3A = arith.index_cast %scan3A_174 : i32 to index
      %swap3A_177 = arith.constant 0 : index
      %swap3A_178 = tpu.vector_load %arg13[%swap3A, %swap3A_177] {strides = array<i32>} : memref<80x64xf32, #tpu.memory_space<vmem>>, vector<1x16xf32>,
      %swap3A_179 = vector.shape_cast %swap3A_178 : vector<1x16xf32> to vector<16xf32>
      %swap3A_180 = vector.shape_cast %broadcast_in_dim3A_176 : vector<16xf32> to vector<1x16xf32>
      tpu.vector_store %arg13[%swap3A, %swap3A_177], %swap3A_180 {strides = array<i32>} : memref<80x64xf32, #tpu.memory_space<vmem>>, vector<1x16xf32>,
      %broadcast_in_dim3A_181 = arith.constant 0.000000e+00 : f32
      %broadcast_in_dim3A_182 = vector.broadcast %broadcast_in_dim3A_181 : f32 to vector<16xf32>
      %swap3A_183 = arith.index_cast %scan3A_174 : i32 to index
      %swap3A_184 = arith.constant 16 : index
      %swap3A_185 = tpu.vector_load %arg13[%swap3A_183, %swap3A_184] {strides = array<i32>} : memref<80x64xf32, #tpu.memory_space<vmem>>, vector<1x16xf32>,
      %swap3A_186 = vector.shape_cast %swap3A_185 : vector<1x16xf32> to vector<16xf32>
      %swap3A_187 = vector.shape_cast %broadcast_in_dim3A_182 : vector<16xf32> to vector<1x16xf32>
      tpu.vector_store %arg13[%swap3A_183, %swap3A_184], %swap3A_187 {strides = array<i32>} : memref<80x64xf32, #tpu.memory_space<vmem>>, vector<1x16xf32>,
      %broadcast_in_dim3A_188 = arith.constant 0.000000e+00 : f32
      %broadcast_in_dim3A_189 = vector.broadcast %broadcast_in_dim3A_188 : f32 to vector<16xf32>
      %swap3A_190 = arith.index_cast %scan3A_174 : i32 to index
      %swap3A_191 = arith.constant 32 : index
      %swap3A_192 = tpu.vector_load %arg13[%swap3A_190, %swap3A_191] {strides = array<i32>} : memref<80x64xf32, #tpu.memory_space<vmem>>, vector<1x16xf32>,
      %swap3A_193 = vector.shape_cast %swap3A_192 : vector<1x16xf32> to vector<16xf32>
      %swap3A_194 = vector.shape_cast %broadcast_in_dim3A_189 : vector<16xf32> to vector<1x16xf32>
      tpu.vector_store %arg13[%swap3A_190, %swap3A_191], %swap3A_194 {strides = array<i32>} : memref<80x64xf32, #tpu.memory_space<vmem>>, vector<1x16xf32>,
      %broadcast_in_dim3A_195 = arith.constant 0.000000e+00 : f32
      %broadcast_in_dim3A_196 = vector.broadcast %broadcast_in_dim3A_195 : f32 to vector<16xf32>
      %swap3A_197 = arith.index_cast %scan3A_174 : i32 to index
      %swap3A_198 = arith.constant 48 : index
      %swap3A_199 = tpu.vector_load %arg13[%swap3A_197, %swap3A_198] {strides = array<i32>} : memref<80x64xf32, #tpu.memory_space<vmem>>, vector<1x16xf32>,
      %swap3A_200 = vector.shape_cast %swap3A_199 : vector<1x16xf32> to vector<16xf32>
      %swap3A_201 = vector.shape_cast %broadcast_in_dim3A_196 : vector<16xf32> to vector<1x16xf32>
      tpu.vector_store %arg13[%swap3A_197, %swap3A_198], %swap3A_201 {strides = array<i32>} : memref<80x64xf32, #tpu.memory_space<vmem>>, vector<1x16xf32>,
      %scan3A_202 = arith.constant 0 : i32
      scf.yield %scan3A_202 : i32
    }
    %scan3A_8 = arith.constant 80 : i32
    %scan3A_9 = arith.constant 0 : i32
    %scan3A_10 = arith.constant 0 : i32
    %scan3A_11 = arith.constant 23 : i32
    %scan3A_12 = arith.addi %scan3A_10, %scan3A_11 : i32
    %scan3A_13 = arith.constant 1 : i32
    %scan3A_14 = scf.for %scan3A_174 = %scan3A_10 to %scan3A_12 step %scan3A_13 iter_args(%scan3A_175 = %scan3A_9) -> (i32)  : i32 {
      %mul3A_176 = arith.constant 80 : i32
      %mul3A_177 = arith.muli %scan3A_174, %mul3A_176 : i32
      %add3A_178 = arith.addi %mul3A_2, %mul3A_177 : i32
      "tpu.region"() ({
        %run_scoped3A = tpu.sem_alloc : memref<!tpu.dma_semaphore, #tpu.memory_space<semaphore_mem>>
        %dma_start3A_180 = arith.constant 0 : i32
        %dma_start3A_181 = tpu.memref_slice %arg6[%add3A_178, %dma_start3A_180] : memref<29440x64xf32, #tpu.memory_space<vmem_shared>> -> memref<80x64xf32, #tpu.memory_space<vmem_shared>>
        %dma_start3A_182 = arith.constant 0 : i32
        %dma_start3A_183 = tpu.memref_slice %arg6[%add3A_178, %dma_start3A_182] : memref<29440x64xf32, #tpu.memory_space<vmem_shared>> -> memref<80x64xf32, #tpu.memory_space<vmem_shared>>
        tpu.enqueue_dma source(%arg13 : memref<80x64xf32, #tpu.memory_space<vmem>>) target(%dma_start3A_183 : memref<80x64xf32, #tpu.memory_space<vmem_shared>>) target_semaphore(%run_scoped3A : memref<!tpu.dma_semaphore, #tpu.memory_space<semaphore_mem>>)
        %dma_wait3A_184 = arith.constant 0 : i32
        %dma_wait3A_185 = tpu.memref_slice %arg6[%add3A_178, %dma_wait3A_184] : memref<29440x64xf32, #tpu.memory_space<vmem_shared>> -> memref<80x64xf32, #tpu.memory_space<vmem_shared>>
        %dma_wait3A_186 = arith.constant 0 : i32
        %dma_wait3A_187 = tpu.memref_slice %arg6[%add3A_178, %dma_wait3A_186] : memref<29440x64xf32, #tpu.memory_space<vmem_shared>> -> memref<80x64xf32, #tpu.memory_space<vmem_shared>>
        tpu.wait_dma2 semaphore(%run_scoped3A : memref<!tpu.dma_semaphore, #tpu.memory_space<semaphore_mem>>) src(%arg13 : memref<80x64xf32, #tpu.memory_space<vmem>>) dst(%dma_wait3A_187 : memref<80x64xf32, #tpu.memory_space<vmem_shared>>)
        tpu.yield
      }) : () -> ()
      %scan3A_179 = arith.constant 0 : i32
      scf.yield %scan3A_179 : i32
    }
    %scan3A_15 = arith.constant 23 : i32
    %barrier3A = arith.constant 0 : index
    tpu.barrier barrier_id(%barrier3A)
    %mul3A_16 = arith.constant 14720 : i32
    %mul3A_17 = arith.muli %add3A, %mul3A_16 : i32
    %add3A_18 = arith.constant 0 : i32
    %add3A_19 = arith.addi %mul3A_17, %add3A_18 : i32
    %dma_start3A = arith.constant 0 : i32
    %dma_start3A_20 = tpu.memref_slice %arg3[%dma_start3A, %add3A_19] : memref<2x471040xi32, #tpu.memory_space<hbm>> -> memref<1x80xi32, #tpu.memory_space<hbm>>
    %dma_start3A_21 = tpu.memref_squeeze %dma_start3A_20 : memref<1x80xi32, #tpu.memory_space<hbm>> -> memref<80xi32, #tpu.memory_space<hbm>>
    %dma_start3A_22 = tpu.memref_slice %arg3[%dma_start3A, %add3A_19] : memref<2x471040xi32, #tpu.memory_space<hbm>> -> memref<1x80xi32, #tpu.memory_space<hbm>>
    %dma_start3A_23 = tpu.memref_squeeze %dma_start3A_22 : memref<1x80xi32, #tpu.memory_space<hbm>> -> memref<80xi32, #tpu.memory_space<hbm>>
    tpu.enqueue_dma source(%dma_start3A_23 : memref<80xi32, #tpu.memory_space<hbm>>) target(%arg7 : memref<80xi32, #tpu.memory_space<vmem>>) target_semaphore(%arg15 : memref<!tpu.dma_semaphore, #tpu.memory_space<semaphore_mem>>)
    %mul3A_24 = arith.constant 14720 : i32
    %mul3A_25 = arith.muli %add3A, %mul3A_24 : i32
    %add3A_26 = arith.constant 0 : i32
    %add3A_27 = arith.addi %mul3A_25, %add3A_26 : i32
    %dma_start3A_28 = arith.constant 1 : i32
    %dma_start3A_29 = tpu.memref_slice %arg3[%dma_start3A_28, %add3A_27] : memref<2x471040xi32, #tpu.memory_space<hbm>> -> memref<1x80xi32, #tpu.memory_space<hbm>>
    %dma_start3A_30 = tpu.memref_squeeze %dma_start3A_29 : memref<1x80xi32, #tpu.memory_space<hbm>> -> memref<80xi32, #tpu.memory_space<hbm>>
    %dma_start3A_31 = tpu.memref_slice %arg3[%dma_start3A_28, %add3A_27] : memref<2x471040xi32, #tpu.memory_space<hbm>> -> memref<1x80xi32, #tpu.memory_space<hbm>>
    %dma_start3A_32 = tpu.memref_squeeze %dma_start3A_31 : memref<1x80xi32, #tpu.memory_space<hbm>> -> memref<80xi32, #tpu.memory_space<hbm>>
    tpu.enqueue_dma source(%dma_start3A_32 : memref<80xi32, #tpu.memory_space<hbm>>) target(%arg9 : memref<80xi32, #tpu.memory_space<vmem>>) target_semaphore(%arg15 : memref<!tpu.dma_semaphore, #tpu.memory_space<semaphore_mem>>)
    %mul3A_33 = arith.constant 14720 : i32
    %mul3A_34 = arith.muli %add3A, %mul3A_33 : i32
    %add3A_35 = arith.constant 0 : i32
    %add3A_36 = arith.addi %mul3A_34, %add3A_35 : i32
    %jit3A = arith.constant 8 : i32
    %div3A = arith.divsi %add3A_36, %jit3A : i32
    %sign3A = arith.constant 0 : i32
    %sign3A_37 = arith.cmpi sgt, %add3A_36, %sign3A : i32
    %sign3A_38 = arith.extui %sign3A_37 : i1 to i32
    %sign3A_39 = arith.constant 0 : i32
    %sign3A_40 = arith.cmpi slt, %add3A_36, %sign3A_39 : i32
    %sign3A_41 = arith.extui %sign3A_40 : i1 to i32
    %sign3A_42 = arith.subi %sign3A_38, %sign3A_41 : i32
    %sign3A_43 = arith.constant 0 : i32
    %sign3A_44 = arith.cmpi sgt, %jit3A, %sign3A_43 : i32
    %sign3A_45 = arith.extui %sign3A_44 : i1 to i32
    %sign3A_46 = arith.constant 0 : i32
    %sign3A_47 = arith.cmpi slt, %jit3A, %sign3A_46 : i32
    %sign3A_48 = arith.extui %sign3A_47 : i1 to i32
    %sign3A_49 = arith.subi %sign3A_45, %sign3A_48 : i32
    %ne3A = arith.cmpi ne, %sign3A_42, %sign3A_49 : i32
    %rem3A = arith.remsi %add3A_36, %jit3A : i32
    %ne3A_50 = arith.constant 0 : i32
    %ne3A_51 = arith.cmpi ne, %rem3A, %ne3A_50 : i32
    %and3A = arith.andi %ne3A, %ne3A_51 : i1
    %sub3A = arith.constant 1 : i32
    %sub3A_52 = arith.subi %div3A, %sub3A : i32
    %select_n3A = arith.select %and3A, %sub3A_52, %div3A : i32
    %dma_start3A_53 = arith.constant 0 : i32
    %dma_start3A_54 = tpu.memref_slice %arg4[%select_n3A, %dma_start3A_53] : memref<58880x128xf32, #tpu.memory_space<hbm>> -> memref<10x128xf32, #tpu.memory_space<hbm>>
    %dma_start3A_55 = arith.constant 0 : i32
    %dma_start3A_56 = tpu.memref_slice %arg4[%select_n3A, %dma_start3A_55] : memref<58880x128xf32, #tpu.memory_space<hbm>> -> memref<10x128xf32, #tpu.memory_space<hbm>>
    tpu.enqueue_dma source(%dma_start3A_56 : memref<10x128xf32, #tpu.memory_space<hbm>>) target(%arg11 : memref<10x128xf32, #tpu.memory_space<vmem>>) target_semaphore(%arg15 : memref<!tpu.dma_semaphore, #tpu.memory_space<semaphore_mem>>)
    %mul3A_57 = arith.constant 14720 : i32
    %mul3A_58 = arith.muli %add3A, %mul3A_57 : i32
    %add3A_59 = arith.constant 80 : i32
    %add3A_60 = arith.addi %mul3A_58, %add3A_59 : i32
    %dma_start3A_61 = arith.constant 0 : i32
    %dma_start3A_62 = tpu.memref_slice %arg3[%dma_start3A_61, %add3A_60] : memref<2x471040xi32, #tpu.memory_space<hbm>> -> memref<1x80xi32, #tpu.memory_space<hbm>>
    %dma_start3A_63 = tpu.memref_squeeze %dma_start3A_62 : memref<1x80xi32, #tpu.memory_space<hbm>> -> memref<80xi32, #tpu.memory_space<hbm>>
    %dma_start3A_64 = tpu.memref_slice %arg3[%dma_start3A_61, %add3A_60] : memref<2x471040xi32, #tpu.memory_space<hbm>> -> memref<1x80xi32, #tpu.memory_space<hbm>>
    %dma_start3A_65 = tpu.memref_squeeze %dma_start3A_64 : memref<1x80xi32, #tpu.memory_space<hbm>> -> memref<80xi32, #tpu.memory_space<hbm>>
    tpu.enqueue_dma source(%dma_start3A_65 : memref<80xi32, #tpu.memory_space<hbm>>) target(%arg8 : memref<80xi32, #tpu.memory_space<vmem>>) target_semaphore(%arg16 : memref<!tpu.dma_semaphore, #tpu.memory_space<semaphore_mem>>)
    %mul3A_66 = arith.constant 14720 : i32
    %mul3A_67 = arith.muli %add3A, %mul3A_66 : i32
    %add3A_68 = arith.constant 80 : i32
    %add3A_69 = arith.addi %mul3A_67, %add3A_68 : i32
    %dma_start3A_70 = arith.constant 1 : i32
    %dma_start3A_71 = tpu.memref_slice %arg3[%dma_start3A_70, %add3A_69] : memref<2x471040xi32, #tpu.memory_space<hbm>> -> memref<1x80xi32, #tpu.memory_space<hbm>>
    %dma_start3A_72 = tpu.memref_squeeze %dma_start3A_71 : memref<1x80xi32, #tpu.memory_space<hbm>> -> memref<80xi32, #tpu.memory_space<hbm>>
    %dma_start3A_73 = tpu.memref_slice %arg3[%dma_start3A_70, %add3A_69] : memref<2x471040xi32, #tpu.memory_space<hbm>> -> memref<1x80xi32, #tpu.memory_space<hbm>>
    %dma_start3A_74 = tpu.memref_squeeze %dma_start3A_73 : memref<1x80xi32, #tpu.memory_space<hbm>> -> memref<80xi32, #tpu.memory_space<hbm>>
    tpu.enqueue_dma source(%dma_start3A_74 : memref<80xi32, #tpu.memory_space<hbm>>) target(%arg10 : memref<80xi32, #tpu.memory_space<vmem>>) target_semaphore(%arg16 : memref<!tpu.dma_semaphore, #tpu.memory_space<semaphore_mem>>)
    %mul3A_75 = arith.constant 14720 : i32
    %mul3A_76 = arith.muli %add3A, %mul3A_75 : i32
    %add3A_77 = arith.constant 80 : i32
    %add3A_78 = arith.addi %mul3A_76, %add3A_77 : i32
    %jit3A_79 = arith.constant 8 : i32
    %div3A_80 = arith.divsi %add3A_78, %jit3A_79 : i32
    %sign3A_81 = arith.constant 0 : i32
    %sign3A_82 = arith.cmpi sgt, %add3A_78, %sign3A_81 : i32
    %sign3A_83 = arith.extui %sign3A_82 : i1 to i32
    %sign3A_84 = arith.constant 0 : i32
    %sign3A_85 = arith.cmpi slt, %add3A_78, %sign3A_84 : i32
    %sign3A_86 = arith.extui %sign3A_85 : i1 to i32
    %sign3A_87 = arith.subi %sign3A_83, %sign3A_86 : i32
    %sign3A_88 = arith.constant 0 : i32
    %sign3A_89 = arith.cmpi sgt, %jit3A_79, %sign3A_88 : i32
    %sign3A_90 = arith.extui %sign3A_89 : i1 to i32
    %sign3A_91 = arith.constant 0 : i32
    %sign3A_92 = arith.cmpi slt, %jit3A_79, %sign3A_91 : i32
    %sign3A_93 = arith.extui %sign3A_92 : i1 to i32
    %sign3A_94 = arith.subi %sign3A_90, %sign3A_93 : i32
    %ne3A_95 = arith.cmpi ne, %sign3A_87, %sign3A_94 : i32
    %rem3A_96 = arith.remsi %add3A_78, %jit3A_79 : i32
    %ne3A_97 = arith.constant 0 : i32
    %ne3A_98 = arith.cmpi ne, %rem3A_96, %ne3A_97 : i32
    %and3A_99 = arith.andi %ne3A_95, %ne3A_98 : i1
    %sub3A_100 = arith.constant 1 : i32
    %sub3A_101 = arith.subi %div3A_80, %sub3A_100 : i32
    %select_n3A_102 = arith.select %and3A_99, %sub3A_101, %div3A_80 : i32
    %dma_start3A_103 = arith.constant 0 : i32
    %dma_start3A_104 = tpu.memref_slice %arg4[%select_n3A_102, %dma_start3A_103] : memref<58880x128xf32, #tpu.memory_space<hbm>> -> memref<10x128xf32, #tpu.memory_space<hbm>>
    %dma_start3A_105 = arith.constant 0 : i32
    %dma_start3A_106 = tpu.memref_slice %arg4[%select_n3A_102, %dma_start3A_105] : memref<58880x128xf32, #tpu.memory_space<hbm>> -> memref<10x128xf32, #tpu.memory_space<hbm>>
    tpu.enqueue_dma source(%dma_start3A_106 : memref<10x128xf32, #tpu.memory_space<hbm>>) target(%arg12 : memref<10x128xf32, #tpu.memory_space<vmem>>) target_semaphore(%arg16 : memref<!tpu.dma_semaphore, #tpu.memory_space<semaphore_mem>>)
    %mul3A_107 = arith.constant 14720 : i32
    %mul3A_108 = arith.muli %add3A, %mul3A_107 : i32
    %add3A_109 = arith.constant 0 : i32
    %add3A_110 = arith.addi %mul3A_108, %add3A_109 : i32
    %dma_wait3A = arith.constant 0 : i32
    %dma_wait3A_111 = tpu.memref_slice %arg3[%dma_wait3A, %add3A_110] : memref<2x471040xi32, #tpu.memory_space<hbm>> -> memref<1x80xi32, #tpu.memory_space<hbm>>
    %dma_wait3A_112 = tpu.memref_squeeze %dma_wait3A_111 : memref<1x80xi32, #tpu.memory_space<hbm>> -> memref<80xi32, #tpu.memory_space<hbm>>
    %dma_wait3A_113 = tpu.memref_slice %arg3[%dma_wait3A, %add3A_110] : memref<2x471040xi32, #tpu.memory_space<hbm>> -> memref<1x80xi32, #tpu.memory_space<hbm>>
    %dma_wait3A_114 = tpu.memref_squeeze %dma_wait3A_113 : memref<1x80xi32, #tpu.memory_space<hbm>> -> memref<80xi32, #tpu.memory_space<hbm>>
    tpu.wait_dma2 semaphore(%arg15 : memref<!tpu.dma_semaphore, #tpu.memory_space<semaphore_mem>>) src(%dma_wait3A_114 : memref<80xi32, #tpu.memory_space<hbm>>) dst(%arg7 : memref<80xi32, #tpu.memory_space<vmem>>)
    %mul3A_115 = arith.constant 14720 : i32
    %mul3A_116 = arith.muli %add3A, %mul3A_115 : i32
    %add3A_117 = arith.constant 0 : i32
    %add3A_118 = arith.addi %mul3A_116, %add3A_117 : i32
    %dma_wait3A_119 = arith.constant 1 : i32
    %dma_wait3A_120 = tpu.memref_slice %arg3[%dma_wait3A_119, %add3A_118] : memref<2x471040xi32, #tpu.memory_space<hbm>> -> memref<1x80xi32, #tpu.memory_space<hbm>>
    %dma_wait3A_121 = tpu.memref_squeeze %dma_wait3A_120 : memref<1x80xi32, #tpu.memory_space<hbm>> -> memref<80xi32, #tpu.memory_space<hbm>>
    %dma_wait3A_122 = tpu.memref_slice %arg3[%dma_wait3A_119, %add3A_118] : memref<2x471040xi32, #tpu.memory_space<hbm>> -> memref<1x80xi32, #tpu.memory_space<hbm>>
    %dma_wait3A_123 = tpu.memref_squeeze %dma_wait3A_122 : memref<1x80xi32, #tpu.memory_space<hbm>> -> memref<80xi32, #tpu.memory_space<hbm>>
    tpu.wait_dma2 semaphore(%arg15 : memref<!tpu.dma_semaphore, #tpu.memory_space<semaphore_mem>>) src(%dma_wait3A_123 : memref<80xi32, #tpu.memory_space<hbm>>) dst(%arg9 : memref<80xi32, #tpu.memory_space<vmem>>)
    %mul3A_124 = arith.constant 14720 : i32
    %mul3A_125 = arith.muli %add3A, %mul3A_124 : i32
    %add3A_126 = arith.constant 0 : i32
    %add3A_127 = arith.addi %mul3A_125, %add3A_126 : i32
    %jit3A_128 = arith.constant 8 : i32
    %div3A_129 = arith.divsi %add3A_127, %jit3A_128 : i32
    %sign3A_130 = arith.constant 0 : i32
    %sign3A_131 = arith.cmpi sgt, %add3A_127, %sign3A_130 : i32
    %sign3A_132 = arith.extui %sign3A_131 : i1 to i32
    %sign3A_133 = arith.constant 0 : i32
    %sign3A_134 = arith.cmpi slt, %add3A_127, %sign3A_133 : i32
    %sign3A_135 = arith.extui %sign3A_134 : i1 to i32
    %sign3A_136 = arith.subi %sign3A_132, %sign3A_135 : i32
    %sign3A_137 = arith.constant 0 : i32
    %sign3A_138 = arith.cmpi sgt, %jit3A_128, %sign3A_137 : i32
    %sign3A_139 = arith.extui %sign3A_138 : i1 to i32
    %sign3A_140 = arith.constant 0 : i32
    %sign3A_141 = arith.cmpi slt, %jit3A_128, %sign3A_140 : i32
    %sign3A_142 = arith.extui %sign3A_141 : i1 to i32
    %sign3A_143 = arith.subi %sign3A_139, %sign3A_142 : i32
    %ne3A_144 = arith.cmpi ne, %sign3A_136, %sign3A_143 : i32
    %rem3A_145 = arith.remsi %add3A_127, %jit3A_128 : i32
    %ne3A_146 = arith.constant 0 : i32
    %ne3A_147 = arith.cmpi ne, %rem3A_145, %ne3A_146 : i32
    %and3A_148 = arith.andi %ne3A_144, %ne3A_147 : i1
    %sub3A_149 = arith.constant 1 : i32
    %sub3A_150 = arith.subi %div3A_129, %sub3A_149 : i32
    %select_n3A_151 = arith.select %and3A_148, %sub3A_150, %div3A_129 : i32
    %dma_wait3A_152 = arith.constant 0 : i32
    %dma_wait3A_153 = tpu.memref_slice %arg4[%select_n3A_151, %dma_wait3A_152] : memref<58880x128xf32, #tpu.memory_space<hbm>> -> memref<10x128xf32, #tpu.memory_space<hbm>>
    %dma_wait3A_154 = arith.constant 0 : i32
    %dma_wait3A_155 = tpu.memref_slice %arg4[%select_n3A_151, %dma_wait3A_154] : memref<58880x128xf32, #tpu.memory_space<hbm>> -> memref<10x128xf32, #tpu.memory_space<hbm>>
    tpu.wait_dma2 semaphore(%arg15 : memref<!tpu.dma_semaphore, #tpu.memory_space<semaphore_mem>>) src(%dma_wait3A_155 : memref<10x128xf32, #tpu.memory_space<hbm>>) dst(%arg11 : memref<10x128xf32, #tpu.memory_space<vmem>>)
    %dma_start3A_156 = arith.constant 0 : i32
    %dma_start3A_157 = arith.constant 0 : i32
    %dma_start3A_158 = tpu.memref_slice %arg2[%dma_start3A_156, %dma_start3A_157] : memref<29440x64xf32, #tpu.memory_space<hbm>> -> memref<29440x64xf32, #tpu.memory_space<hbm>>
    tpu.enqueue_indirect_dma source(%dma_start3A_158 : memref<29440x64xf32, #tpu.memory_space<hbm>>) target(%arg13 : memref<80x64xf32, #tpu.memory_space<vmem>>) offsets(%arg7 : memref<80xi32, #tpu.memory_space<vmem>>) semaphore(%arg17 : memref<!tpu.dma_semaphore, #tpu.memory_space<semaphore_mem>>)
    %scan3A_159 = arith.constant 0 : i32
    %scan3A_160 = arith.constant 0 : i32
    %scan3A_161 = arith.constant 92 : i32
    %scan3A_162 = arith.addi %scan3A_160, %scan3A_161 : i32
    %scan3A_163 = arith.constant 1 : i32
    %scan3A_164 = scf.for %scan3A_174 = %scan3A_160 to %scan3A_162 step %scan3A_163 iter_args(%scan3A_175 = %scan3A_159) -> (i32)  : i32 {
      %mul3A_176 = arith.constant 2 : i32
      %mul3A_177 = arith.muli %mul3A_176, %scan3A_174 : i32
      %add3A_178 = arith.constant 1 : i32
      %add3A_179 = arith.addi %mul3A_177, %add3A_178 : i32
      %mul3A_180 = arith.constant 14720 : i32
      %mul3A_181 = arith.muli %add3A, %mul3A_180 : i32
      %mul3A_182 = arith.constant 80 : i32
      %mul3A_183 = arith.muli %add3A_179, %mul3A_182 : i32
      %add3A_184 = arith.addi %mul3A_181, %mul3A_183 : i32
      %dma_wait3A_185 = arith.constant 0 : i32
      %dma_wait3A_186 = tpu.memref_slice %arg3[%dma_wait3A_185, %add3A_184] : memref<2x471040xi32, #tpu.memory_space<hbm>> -> memref<1x80xi32, #tpu.memory_space<hbm>>
      %dma_wait3A_187 = tpu.memref_squeeze %dma_wait3A_186 : memref<1x80xi32, #tpu.memory_space<hbm>> -> memref<80xi32, #tpu.memory_space<hbm>>
      %dma_wait3A_188 = tpu.memref_slice %arg3[%dma_wait3A_185, %add3A_184] : memref<2x471040xi32, #tpu.memory_space<hbm>> -> memref<1x80xi32, #tpu.memory_space<hbm>>
      %dma_wait3A_189 = tpu.memref_squeeze %dma_wait3A_188 : memref<1x80xi32, #tpu.memory_space<hbm>> -> memref<80xi32, #tpu.memory_space<hbm>>
      tpu.wait_dma2 semaphore(%arg16 : memref<!tpu.dma_semaphore, #tpu.memory_space<semaphore_mem>>) src(%dma_wait3A_189 : memref<80xi32, #tpu.memory_space<hbm>>) dst(%arg8 : memref<80xi32, #tpu.memory_space<vmem>>)
      %mul3A_190 = arith.constant 14720 : i32
      %mul3A_191 = arith.muli %add3A, %mul3A_190 : i32
      %mul3A_192 = arith.constant 80 : i32
      %mul3A_193 = arith.muli %add3A_179, %mul3A_192 : i32
      %add3A_194 = arith.addi %mul3A_191, %mul3A_193 : i32
      %dma_wait3A_195 = arith.constant 1 : i32
      %dma_wait3A_196 = tpu.memref_slice %arg3[%dma_wait3A_195, %add3A_194] : memref<2x471040xi32, #tpu.memory_space<hbm>> -> memref<1x80xi32, #tpu.memory_space<hbm>>
      %dma_wait3A_197 = tpu.memref_squeeze %dma_wait3A_196 : memref<1x80xi32, #tpu.memory_space<hbm>> -> memref<80xi32, #tpu.memory_space<hbm>>
      %dma_wait3A_198 = tpu.memref_slice %arg3[%dma_wait3A_195, %add3A_194] : memref<2x471040xi32, #tpu.memory_space<hbm>> -> memref<1x80xi32, #tpu.memory_space<hbm>>
      %dma_wait3A_199 = tpu.memref_squeeze %dma_wait3A_198 : memref<1x80xi32, #tpu.memory_space<hbm>> -> memref<80xi32, #tpu.memory_space<hbm>>
      tpu.wait_dma2 semaphore(%arg16 : memref<!tpu.dma_semaphore, #tpu.memory_space<semaphore_mem>>) src(%dma_wait3A_199 : memref<80xi32, #tpu.memory_space<hbm>>) dst(%arg10 : memref<80xi32, #tpu.memory_space<vmem>>)
      %mul3A_200 = arith.constant 14720 : i32
      %mul3A_201 = arith.muli %add3A, %mul3A_200 : i32
      %mul3A_202 = arith.constant 80 : i32
      %mul3A_203 = arith.muli %add3A_179, %mul3A_202 : i32
      %add3A_204 = arith.addi %mul3A_201, %mul3A_203 : i32
      %jit3A_205 = arith.constant 8 : i32
      %div3A_206 = arith.divsi %add3A_204, %jit3A_205 : i32
      %sign3A_207 = arith.constant 0 : i32
      %sign3A_208 = arith.cmpi sgt, %add3A_204, %sign3A_207 : i32
      %sign3A_209 = arith.extui %sign3A_208 : i1 to i32
      %sign3A_210 = arith.constant 0 : i32
      %sign3A_211 = arith.cmpi slt, %add3A_204, %sign3A_210 : i32
      %sign3A_212 = arith.extui %sign3A_211 : i1 to i32
      %sign3A_213 = arith.subi %sign3A_209, %sign3A_212 : i32
      %sign3A_214 = arith.constant 0 : i32
      %sign3A_215 = arith.cmpi sgt, %jit3A_205, %sign3A_214 : i32
      %sign3A_216 = arith.extui %sign3A_215 : i1 to i32
      %sign3A_217 = arith.constant 0 : i32
      %sign3A_218 = arith.cmpi slt, %jit3A_205, %sign3A_217 : i32
      %sign3A_219 = arith.extui %sign3A_218 : i1 to i32
      %sign3A_220 = arith.subi %sign3A_216, %sign3A_219 : i32
      %ne3A_221 = arith.cmpi ne, %sign3A_213, %sign3A_220 : i32
      %rem3A_222 = arith.remsi %add3A_204, %jit3A_205 : i32
      %ne3A_223 = arith.constant 0 : i32
      %ne3A_224 = arith.cmpi ne, %rem3A_222, %ne3A_223 : i32
      %and3A_225 = arith.andi %ne3A_221, %ne3A_224 : i1
      %sub3A_226 = arith.constant 1 : i32
      %sub3A_227 = arith.subi %div3A_206, %sub3A_226 : i32
      %select_n3A_228 = arith.select %and3A_225, %sub3A_227, %div3A_206 : i32
      %dma_wait3A_229 = arith.constant 0 : i32
      %dma_wait3A_230 = tpu.memref_slice %arg4[%select_n3A_228, %dma_wait3A_229] : memref<58880x128xf32, #tpu.memory_space<hbm>> -> memref<10x128xf32, #tpu.memory_space<hbm>>
      %dma_wait3A_231 = arith.constant 0 : i32
      %dma_wait3A_232 = tpu.memref_slice %arg4[%select_n3A_228, %dma_wait3A_231] : memref<58880x128xf32, #tpu.memory_space<hbm>> -> memref<10x128xf32, #tpu.memory_space<hbm>>
      tpu.wait_dma2 semaphore(%arg16 : memref<!tpu.dma_semaphore, #tpu.memory_space<semaphore_mem>>) src(%dma_wait3A_232 : memref<10x128xf32, #tpu.memory_space<hbm>>) dst(%arg12 : memref<10x128xf32, #tpu.memory_space<vmem>>)
      %dma_start3A_233 = arith.constant 0 : i32
      %dma_start3A_234 = arith.constant 0 : i32
      %dma_start3A_235 = tpu.memref_slice %arg2[%dma_start3A_233, %dma_start3A_234] : memref<29440x64xf32, #tpu.memory_space<hbm>> -> memref<29440x64xf32, #tpu.memory_space<hbm>>
      tpu.enqueue_indirect_dma source(%dma_start3A_235 : memref<29440x64xf32, #tpu.memory_space<hbm>>) target(%arg14 : memref<80x64xf32, #tpu.memory_space<vmem>>) offsets(%arg8 : memref<80xi32, #tpu.memory_space<vmem>>) semaphore(%arg18 : memref<!tpu.dma_semaphore, #tpu.memory_space<semaphore_mem>>)
      %dma_wait3A_236 = arith.constant 0 : i32
      %dma_wait3A_237 = arith.constant 0 : i32
      %dma_wait3A_238 = tpu.memref_slice %arg2[%dma_wait3A_236, %dma_wait3A_237] : memref<29440x64xf32, #tpu.memory_space<hbm>> -> memref<29440x64xf32, #tpu.memory_space<hbm>>
      tpu.wait_indirect_dma semaphore(%arg17 : memref<!tpu.dma_semaphore, #tpu.memory_space<semaphore_mem>>) src(%dma_wait3A_238 : memref<29440x64xf32, #tpu.memory_space<hbm>>) dst(%arg13 : memref<80x64xf32, #tpu.memory_space<vmem>>)
      %lt3A = arith.constant 91 : i32
      %lt3A_239 = arith.cmpi slt, %scan3A_174, %lt3A : i32
      %convert_element_type3A = arith.extui %lt3A_239 : i1 to i32
      %cond3A = arith.constant 0 : i32
      %cond3A_240 = arith.cmpi ne, %convert_element_type3A, %cond3A : i32
      scf.if %cond3A_240 {
        %mul3A_279 = arith.constant 14720 : i32
        %mul3A_280 = arith.muli %add3A, %mul3A_279 : i32
        %add3A_281 = arith.constant 2 : i32
        %add3A_282 = arith.addi %mul3A_177, %add3A_281 : i32
        %mul3A_283 = arith.constant 80 : i32
        %mul3A_284 = arith.muli %add3A_282, %mul3A_283 : i32
        %add3A_285 = arith.addi %mul3A_280, %mul3A_284 : i32
        %dma_start3A_286 = arith.constant 0 : i32
        %dma_start3A_287 = tpu.memref_slice %arg3[%dma_start3A_286, %add3A_285] : memref<2x471040xi32, #tpu.memory_space<hbm>> -> memref<1x80xi32, #tpu.memory_space<hbm>>
        %dma_start3A_288 = tpu.memref_squeeze %dma_start3A_287 : memref<1x80xi32, #tpu.memory_space<hbm>> -> memref<80xi32, #tpu.memory_space<hbm>>
        %dma_start3A_289 = tpu.memref_slice %arg3[%dma_start3A_286, %add3A_285] : memref<2x471040xi32, #tpu.memory_space<hbm>> -> memref<1x80xi32, #tpu.memory_space<hbm>>
        %dma_start3A_290 = tpu.memref_squeeze %dma_start3A_289 : memref<1x80xi32, #tpu.memory_space<hbm>> -> memref<80xi32, #tpu.memory_space<hbm>>
        tpu.enqueue_dma source(%dma_start3A_290 : memref<80xi32, #tpu.memory_space<hbm>>) target(%arg7 : memref<80xi32, #tpu.memory_space<vmem>>) target_semaphore(%arg15 : memref<!tpu.dma_semaphore, #tpu.memory_space<semaphore_mem>>)
      } else {
      }
      %scan3A_241 = arith.constant 0 : i32
      %scan3A_242 = arith.constant 0 : i32
      %scan3A_243 = arith.constant 10 : i32
      %scan3A_244 = arith.addi %scan3A_242, %scan3A_243 : i32
      %scan3A_245 = arith.constant 1 : i32
      %scan3A_246 = scf.for %scan3A_279 = %scan3A_242 to %scan3A_244 step %scan3A_245 iter_args(%scan3A_280 = %scan3A_241) -> (i32)  : i32 {
        %mul3A_281 = arith.constant 8 : i32
        %mul3A_282 = arith.muli %scan3A_279, %mul3A_281 : i32
        %add3A_283 = arith.constant 0 : i32
        %add3A_284 = arith.addi %mul3A_282, %add3A_283 : i32
        %get3A = arith.index_cast %scan3A_279 : i32 to index
        %get3A_285 = arith.constant 0 : index
        %get3A_286 = tpu.vector_load %arg11[%get3A, %get3A_285] {strides = array<i32>} : memref<10x128xf32, #tpu.memory_space<vmem>>, vector<1x16xf32>,
        %get3A_287 = vector.shape_cast %get3A_286 : vector<1x16xf32> to vector<16xf32>
        %get3A_288 = arith.index_cast %add3A_284 : i32 to index
        %get3A_289 = arith.constant 0 : index
        %get3A_290 = tpu.vector_load %arg13[%get3A_288, %get3A_289] {strides = array<i32>} : memref<80x64xf32, #tpu.memory_space<vmem>>, vector<1x16xf32>,
        %get3A_291 = vector.shape_cast %get3A_290 : vector<1x16xf32> to vector<16xf32>
        %mul3A_292 = arith.mulf %get3A_291, %get3A_287 : vector<16xf32>
        %swap3A = arith.index_cast %add3A_284 : i32 to index
        %swap3A_293 = arith.constant 0 : index
        %swap3A_294 = tpu.vector_load %arg13[%swap3A, %swap3A_293] {strides = array<i32>} : memref<80x64xf32, #tpu.memory_space<vmem>>, vector<1x16xf32>,
        %swap3A_295 = vector.shape_cast %swap3A_294 : vector<1x16xf32> to vector<16xf32>
        %swap3A_296 = vector.shape_cast %mul3A_292 : vector<16xf32> to vector<1x16xf32>
        tpu.vector_store %arg13[%swap3A, %swap3A_293], %swap3A_296 {strides = array<i32>} : memref<80x64xf32, #tpu.memory_space<vmem>>, vector<1x16xf32>,
        %get3A_297 = arith.index_cast %add3A_284 : i32 to index
        %get3A_298 = arith.constant 16 : index
        %get3A_299 = tpu.vector_load %arg13[%get3A_297, %get3A_298] {strides = array<i32>} : memref<80x64xf32, #tpu.memory_space<vmem>>, vector<1x16xf32>,
        %get3A_300 = vector.shape_cast %get3A_299 : vector<1x16xf32> to vector<16xf32>
        %mul3A_301 = arith.mulf %get3A_300, %get3A_287 : vector<16xf32>
        %swap3A_302 = arith.index_cast %add3A_284 : i32 to index
        %swap3A_303 = arith.constant 16 : index
        %swap3A_304 = tpu.vector_load %arg13[%swap3A_302, %swap3A_303] {strides = array<i32>} : memref<80x64xf32, #tpu.memory_space<vmem>>, vector<1x16xf32>,
        %swap3A_305 = vector.shape_cast %swap3A_304 : vector<1x16xf32> to vector<16xf32>
        %swap3A_306 = vector.shape_cast %mul3A_301 : vector<16xf32> to vector<1x16xf32>
        tpu.vector_store %arg13[%swap3A_302, %swap3A_303], %swap3A_306 {strides = array<i32>} : memref<80x64xf32, #tpu.memory_space<vmem>>, vector<1x16xf32>,
        %get3A_307 = arith.index_cast %add3A_284 : i32 to index
        %get3A_308 = arith.constant 32 : index
        %get3A_309 = tpu.vector_load %arg13[%get3A_307, %get3A_308] {strides = array<i32>} : memref<80x64xf32, #tpu.memory_space<vmem>>, vector<1x16xf32>,
        %get3A_310 = vector.shape_cast %get3A_309 : vector<1x16xf32> to vector<16xf32>
        %mul3A_311 = arith.mulf %get3A_310, %get3A_287 : vector<16xf32>
        %swap3A_312 = arith.index_cast %add3A_284 : i32 to index
        %swap3A_313 = arith.constant 32 : index
        %swap3A_314 = tpu.vector_load %arg13[%swap3A_312, %swap3A_313] {strides = array<i32>} : memref<80x64xf32, #tpu.memory_space<vmem>>, vector<1x16xf32>,
        %swap3A_315 = vector.shape_cast %swap3A_314 : vector<1x16xf32> to vector<16xf32>
        %swap3A_316 = vector.shape_cast %mul3A_311 : vector<16xf32> to vector<1x16xf32>
        tpu.vector_store %arg13[%swap3A_312, %swap3A_313], %swap3A_316 {strides = array<i32>} : memref<80x64xf32, #tpu.memory_space<vmem>>, vector<1x16xf32>,
        %get3A_317 = arith.index_cast %add3A_284 : i32 to index
        %get3A_318 = arith.constant 48 : index
        %get3A_319 = tpu.vector_load %arg13[%get3A_317, %get3A_318] {strides = array<i32>} : memref<80x64xf32, #tpu.memory_space<vmem>>, vector<1x16xf32>,
        %get3A_320 = vector.shape_cast %get3A_319 : vector<1x16xf32> to vector<16xf32>
        %mul3A_321 = arith.mulf %get3A_320, %get3A_287 : vector<16xf32>
        %swap3A_322 = arith.index_cast %add3A_284 : i32 to index
        %swap3A_323 = arith.constant 48 : index
        %swap3A_324 = tpu.vector_load %arg13[%swap3A_322, %swap3A_323] {strides = array<i32>} : memref<80x64xf32, #tpu.memory_space<vmem>>, vector<1x16xf32>,
        %swap3A_325 = vector.shape_cast %swap3A_324 : vector<1x16xf32> to vector<16xf32>
        %swap3A_326 = vector.shape_cast %mul3A_321 : vector<16xf32> to vector<1x16xf32>
        tpu.vector_store %arg13[%swap3A_322, %swap3A_323], %swap3A_326 {strides = array<i32>} : memref<80x64xf32, #tpu.memory_space<vmem>>, vector<1x16xf32>,
        %mul3A_327 = arith.constant 8 : i32
        %mul3A_328 = arith.muli %scan3A_279, %mul3A_327 : i32
        %add3A_329 = arith.constant 1 : i32
        %add3A_330 = arith.addi %mul3A_328, %add3A_329 : i32
        %get3A_331 = arith.index_cast %scan3A_279 : i32 to index
        %get3A_332 = arith.constant 16 : index
        %get3A_333 = tpu.vector_load %arg11[%get3A_331, %get3A_332] {strides = array<i32>} : memref<10x128xf32, #tpu.memory_space<vmem>>, vector<1x16xf32>,
        %get3A_334 = vector.shape_cast %get3A_333 : vector<1x16xf32> to vector<16xf32>
        %get3A_335 = arith.index_cast %add3A_330 : i32 to index
        %get3A_336 = arith.constant 0 : index
        %get3A_337 = tpu.vector_load %arg13[%get3A_335, %get3A_336] {strides = array<i32>} : memref<80x64xf32, #tpu.memory_space<vmem>>, vector<1x16xf32>,
        %get3A_338 = vector.shape_cast %get3A_337 : vector<1x16xf32> to vector<16xf32>
        %mul3A_339 = arith.mulf %get3A_338, %get3A_334 : vector<16xf32>
        %swap3A_340 = arith.index_cast %add3A_330 : i32 to index
        %swap3A_341 = arith.constant 0 : index
        %swap3A_342 = tpu.vector_load %arg13[%swap3A_340, %swap3A_341] {strides = array<i32>} : memref<80x64xf32, #tpu.memory_space<vmem>>, vector<1x16xf32>,
        %swap3A_343 = vector.shape_cast %swap3A_342 : vector<1x16xf32> to vector<16xf32>
        %swap3A_344 = vector.shape_cast %mul3A_339 : vector<16xf32> to vector<1x16xf32>
        tpu.vector_store %arg13[%swap3A_340, %swap3A_341], %swap3A_344 {strides = array<i32>} : memref<80x64xf32, #tpu.memory_space<vmem>>, vector<1x16xf32>,
        %get3A_345 = arith.index_cast %add3A_330 : i32 to index
        %get3A_346 = arith.constant 16 : index
        %get3A_347 = tpu.vector_load %arg13[%get3A_345, %get3A_346] {strides = array<i32>} : memref<80x64xf32, #tpu.memory_space<vmem>>, vector<1x16xf32>,
        %get3A_348 = vector.shape_cast %get3A_347 : vector<1x16xf32> to vector<16xf32>
        %mul3A_349 = arith.mulf %get3A_348, %get3A_334 : vector<16xf32>
        %swap3A_350 = arith.index_cast %add3A_330 : i32 to index
        %swap3A_351 = arith.constant 16 : index
        %swap3A_352 = tpu.vector_load %arg13[%swap3A_350, %swap3A_351] {strides = array<i32>} : memref<80x64xf32, #tpu.memory_space<vmem>>, vector<1x16xf32>,
        %swap3A_353 = vector.shape_cast %swap3A_352 : vector<1x16xf32> to vector<16xf32>
        %swap3A_354 = vector.shape_cast %mul3A_349 : vector<16xf32> to vector<1x16xf32>
        tpu.vector_store %arg13[%swap3A_350, %swap3A_351], %swap3A_354 {strides = array<i32>} : memref<80x64xf32, #tpu.memory_space<vmem>>, vector<1x16xf32>,
        %get3A_355 = arith.index_cast %add3A_330 : i32 to index
        %get3A_356 = arith.constant 32 : index
        %get3A_357 = tpu.vector_load %arg13[%get3A_355, %get3A_356] {strides = array<i32>} : memref<80x64xf32, #tpu.memory_space<vmem>>, vector<1x16xf32>,
        %get3A_358 = vector.shape_cast %get3A_357 : vector<1x16xf32> to vector<16xf32>
        %mul3A_359 = arith.mulf %get3A_358, %get3A_334 : vector<16xf32>
        %swap3A_360 = arith.index_cast %add3A_330 : i32 to index
        %swap3A_361 = arith.constant 32 : index
        %swap3A_362 = tpu.vector_load %arg13[%swap3A_360, %swap3A_361] {strides = array<i32>} : memref<80x64xf32, #tpu.memory_space<vmem>>, vector<1x16xf32>,
        %swap3A_363 = vector.shape_cast %swap3A_362 : vector<1x16xf32> to vector<16xf32>
        %swap3A_364 = vector.shape_cast %mul3A_359 : vector<16xf32> to vector<1x16xf32>
        tpu.vector_store %arg13[%swap3A_360, %swap3A_361], %swap3A_364 {strides = array<i32>} : memref<80x64xf32, #tpu.memory_space<vmem>>, vector<1x16xf32>,
        %get3A_365 = arith.index_cast %add3A_330 : i32 to index
        %get3A_366 = arith.constant 48 : index
        %get3A_367 = tpu.vector_load %arg13[%get3A_365, %get3A_366] {strides = array<i32>} : memref<80x64xf32, #tpu.memory_space<vmem>>, vector<1x16xf32>,
        %get3A_368 = vector.shape_cast %get3A_367 : vector<1x16xf32> to vector<16xf32>
        %mul3A_369 = arith.mulf %get3A_368, %get3A_334 : vector<16xf32>
        %swap3A_370 = arith.index_cast %add3A_330 : i32 to index
        %swap3A_371 = arith.constant 48 : index
        %swap3A_372 = tpu.vector_load %arg13[%swap3A_370, %swap3A_371] {strides = array<i32>} : memref<80x64xf32, #tpu.memory_space<vmem>>, vector<1x16xf32>,
        %swap3A_373 = vector.shape_cast %swap3A_372 : vector<1x16xf32> to vector<16xf32>
        %swap3A_374 = vector.shape_cast %mul3A_369 : vector<16xf32> to vector<1x16xf32>
        tpu.vector_store %arg13[%swap3A_370, %swap3A_371], %swap3A_374 {strides = array<i32>} : memref<80x64xf32, #tpu.memory_space<vmem>>, vector<1x16xf32>,
        %mul3A_375 = arith.constant 8 : i32
        %mul3A_376 = arith.muli %scan3A_279, %mul3A_375 : i32
        %add3A_377 = arith.constant 2 : i32
        %add3A_378 = arith.addi %mul3A_376, %add3A_377 : i32
        %get3A_379 = arith.index_cast %scan3A_279 : i32 to index
        %get3A_380 = arith.constant 32 : index
        %get3A_381 = tpu.vector_load %arg11[%get3A_379, %get3A_380] {strides = array<i32>} : memref<10x128xf32, #tpu.memory_space<vmem>>, vector<1x16xf32>,
        %get3A_382 = vector.shape_cast %get3A_381 : vector<1x16xf32> to vector<16xf32>
        %get3A_383 = arith.index_cast %add3A_378 : i32 to index
        %get3A_384 = arith.constant 0 : index
        %get3A_385 = tpu.vector_load %arg13[%get3A_383, %get3A_384] {strides = array<i32>} : memref<80x64xf32, #tpu.memory_space<vmem>>, vector<1x16xf32>,
        %get3A_386 = vector.shape_cast %get3A_385 : vector<1x16xf32> to vector<16xf32>
        %mul3A_387 = arith.mulf %get3A_386, %get3A_382 : vector<16xf32>
        %swap3A_388 = arith.index_cast %add3A_378 : i32 to index
        %swap3A_389 = arith.constant 0 : index
        %swap3A_390 = tpu.vector_load %arg13[%swap3A_388, %swap3A_389] {strides = array<i32>} : memref<80x64xf32, #tpu.memory_space<vmem>>, vector<1x16xf32>,
        %swap3A_391 = vector.shape_cast %swap3A_390 : vector<1x16xf32> to vector<16xf32>
        %swap3A_392 = vector.shape_cast %mul3A_387 : vector<16xf32> to vector<1x16xf32>
        tpu.vector_store %arg13[%swap3A_388, %swap3A_389], %swap3A_392 {strides = array<i32>} : memref<80x64xf32, #tpu.memory_space<vmem>>, vector<1x16xf32>,
        %get3A_393 = arith.index_cast %add3A_378 : i32 to index
        %get3A_394 = arith.constant 16 : index
        %get3A_395 = tpu.vector_load %arg13[%get3A_393, %get3A_394] {strides = array<i32>} : memref<80x64xf32, #tpu.memory_space<vmem>>, vector<1x16xf32>,
        %get3A_396 = vector.shape_cast %get3A_395 : vector<1x16xf32> to vector<16xf32>
        %mul3A_397 = arith.mulf %get3A_396, %get3A_382 : vector<16xf32>
        %swap3A_398 = arith.index_cast %add3A_378 : i32 to index
        %swap3A_399 = arith.constant 16 : index
        %swap3A_400 = tpu.vector_load %arg13[%swap3A_398, %swap3A_399] {strides = array<i32>} : memref<80x64xf32, #tpu.memory_space<vmem>>, vector<1x16xf32>,
        %swap3A_401 = vector.shape_cast %swap3A_400 : vector<1x16xf32> to vector<16xf32>
        %swap3A_402 = vector.shape_cast %mul3A_397 : vector<16xf32> to vector<1x16xf32>
        tpu.vector_store %arg13[%swap3A_398, %swap3A_399], %swap3A_402 {strides = array<i32>} : memref<80x64xf32, #tpu.memory_space<vmem>>, vector<1x16xf32>,
        %get3A_403 = arith.index_cast %add3A_378 : i32 to index
        %get3A_404 = arith.constant 32 : index
        %get3A_405 = tpu.vector_load %arg13[%get3A_403, %get3A_404] {strides = array<i32>} : memref<80x64xf32, #tpu.memory_space<vmem>>, vector<1x16xf32>,
        %get3A_406 = vector.shape_cast %get3A_405 : vector<1x16xf32> to vector<16xf32>
        %mul3A_407 = arith.mulf %get3A_406, %get3A_382 : vector<16xf32>
        %swap3A_408 = arith.index_cast %add3A_378 : i32 to index
        %swap3A_409 = arith.constant 32 : index
        %swap3A_410 = tpu.vector_load %arg13[%swap3A_408, %swap3A_409] {strides = array<i32>} : memref<80x64xf32, #tpu.memory_space<vmem>>, vector<1x16xf32>,
        %swap3A_411 = vector.shape_cast %swap3A_410 : vector<1x16xf32> to vector<16xf32>
        %swap3A_412 = vector.shape_cast %mul3A_407 : vector<16xf32> to vector<1x16xf32>
        tpu.vector_store %arg13[%swap3A_408, %swap3A_409], %swap3A_412 {strides = array<i32>} : memref<80x64xf32, #tpu.memory_space<vmem>>, vector<1x16xf32>,
        %get3A_413 = arith.index_cast %add3A_378 : i32 to index
        %get3A_414 = arith.constant 48 : index
        %get3A_415 = tpu.vector_load %arg13[%get3A_413, %get3A_414] {strides = array<i32>} : memref<80x64xf32, #tpu.memory_space<vmem>>, vector<1x16xf32>,
        %get3A_416 = vector.shape_cast %get3A_415 : vector<1x16xf32> to vector<16xf32>
        %mul3A_417 = arith.mulf %get3A_416, %get3A_382 : vector<16xf32>
        %swap3A_418 = arith.index_cast %add3A_378 : i32 to index
        %swap3A_419 = arith.constant 48 : index
        %swap3A_420 = tpu.vector_load %arg13[%swap3A_418, %swap3A_419] {strides = array<i32>} : memref<80x64xf32, #tpu.memory_space<vmem>>, vector<1x16xf32>,
        %swap3A_421 = vector.shape_cast %swap3A_420 : vector<1x16xf32> to vector<16xf32>
        %swap3A_422 = vector.shape_cast %mul3A_417 : vector<16xf32> to vector<1x16xf32>
        tpu.vector_store %arg13[%swap3A_418, %swap3A_419], %swap3A_422 {strides = array<i32>} : memref<80x64xf32, #tpu.memory_space<vmem>>, vector<1x16xf32>,
        %mul3A_423 = arith.constant 8 : i32
        %mul3A_424 = arith.muli %scan3A_279, %mul3A_423 : i32
        %add3A_425 = arith.constant 3 : i32
        %add3A_426 = arith.addi %mul3A_424, %add3A_425 : i32
        %get3A_427 = arith.index_cast %scan3A_279 : i32 to index
        %get3A_428 = arith.constant 48 : index
        %get3A_429 = tpu.vector_load %arg11[%get3A_427, %get3A_428] {strides = array<i32>} : memref<10x128xf32, #tpu.memory_space<vmem>>, vector<1x16xf32>,
        %get3A_430 = vector.shape_cast %get3A_429 : vector<1x16xf32> to vector<16xf32>
        %get3A_431 = arith.index_cast %add3A_426 : i32 to index
        %get3A_432 = arith.constant 0 : index
        %get3A_433 = tpu.vector_load %arg13[%get3A_431, %get3A_432] {strides = array<i32>} : memref<80x64xf32, #tpu.memory_space<vmem>>, vector<1x16xf32>,
        %get3A_434 = vector.shape_cast %get3A_433 : vector<1x16xf32> to vector<16xf32>
        %mul3A_435 = arith.mulf %get3A_434, %get3A_430 : vector<16xf32>
        %swap3A_436 = arith.index_cast %add3A_426 : i32 to index
        %swap3A_437 = arith.constant 0 : index
        %swap3A_438 = tpu.vector_load %arg13[%swap3A_436, %swap3A_437] {strides = array<i32>} : memref<80x64xf32, #tpu.memory_space<vmem>>, vector<1x16xf32>,
        %swap3A_439 = vector.shape_cast %swap3A_438 : vector<1x16xf32> to vector<16xf32>
        %swap3A_440 = vector.shape_cast %mul3A_435 : vector<16xf32> to vector<1x16xf32>
        tpu.vector_store %arg13[%swap3A_436, %swap3A_437], %swap3A_440 {strides = array<i32>} : memref<80x64xf32, #tpu.memory_space<vmem>>, vector<1x16xf32>,
        %get3A_441 = arith.index_cast %add3A_426 : i32 to index
        %get3A_442 = arith.constant 16 : index
        %get3A_443 = tpu.vector_load %arg13[%get3A_441, %get3A_442] {strides = array<i32>} : memref<80x64xf32, #tpu.memory_space<vmem>>, vector<1x16xf32>,
        %get3A_444 = vector.shape_cast %get3A_443 : vector<1x16xf32> to vector<16xf32>
        %mul3A_445 = arith.mulf %get3A_444, %get3A_430 : vector<16xf32>
        %swap3A_446 = arith.index_cast %add3A_426 : i32 to index
        %swap3A_447 = arith.constant 16 : index
        %swap3A_448 = tpu.vector_load %arg13[%swap3A_446, %swap3A_447] {strides = array<i32>} : memref<80x64xf32, #tpu.memory_space<vmem>>, vector<1x16xf32>,
        %swap3A_449 = vector.shape_cast %swap3A_448 : vector<1x16xf32> to vector<16xf32>
        %swap3A_450 = vector.shape_cast %mul3A_445 : vector<16xf32> to vector<1x16xf32>
        tpu.vector_store %arg13[%swap3A_446, %swap3A_447], %swap3A_450 {strides = array<i32>} : memref<80x64xf32, #tpu.memory_space<vmem>>, vector<1x16xf32>,
        %get3A_451 = arith.index_cast %add3A_426 : i32 to index
        %get3A_452 = arith.constant 32 : index
        %get3A_453 = tpu.vector_load %arg13[%get3A_451, %get3A_452] {strides = array<i32>} : memref<80x64xf32, #tpu.memory_space<vmem>>, vector<1x16xf32>,
        %get3A_454 = vector.shape_cast %get3A_453 : vector<1x16xf32> to vector<16xf32>
        %mul3A_455 = arith.mulf %get3A_454, %get3A_430 : vector<16xf32>
        %swap3A_456 = arith.index_cast %add3A_426 : i32 to index
        %swap3A_457 = arith.constant 32 : index
        %swap3A_458 = tpu.vector_load %arg13[%swap3A_456, %swap3A_457] {strides = array<i32>} : memref<80x64xf32, #tpu.memory_space<vmem>>, vector<1x16xf32>,
        %swap3A_459 = vector.shape_cast %swap3A_458 : vector<1x16xf32> to vector<16xf32>
        %swap3A_460 = vector.shape_cast %mul3A_455 : vector<16xf32> to vector<1x16xf32>
        tpu.vector_store %arg13[%swap3A_456, %swap3A_457], %swap3A_460 {strides = array<i32>} : memref<80x64xf32, #tpu.memory_space<vmem>>, vector<1x16xf32>,
        %get3A_461 = arith.index_cast %add3A_426 : i32 to index
        %get3A_462 = arith.constant 48 : index
        %get3A_463 = tpu.vector_load %arg13[%get3A_461, %get3A_462] {strides = array<i32>} : memref<80x64xf32, #tpu.memory_space<vmem>>, vector<1x16xf32>,
        %get3A_464 = vector.shape_cast %get3A_463 : vector<1x16xf32> to vector<16xf32>
        %mul3A_465 = arith.mulf %get3A_464, %get3A_430 : vector<16xf32>
        %swap3A_466 = arith.index_cast %add3A_426 : i32 to index
        %swap3A_467 = arith.constant 48 : index
        %swap3A_468 = tpu.vector_load %arg13[%swap3A_466, %swap3A_467] {strides = array<i32>} : memref<80x64xf32, #tpu.memory_space<vmem>>, vector<1x16xf32>,
        %swap3A_469 = vector.shape_cast %swap3A_468 : vector<1x16xf32> to vector<16xf32>
        %swap3A_470 = vector.shape_cast %mul3A_465 : vector<16xf32> to vector<1x16xf32>
        tpu.vector_store %arg13[%swap3A_466, %swap3A_467], %swap3A_470 {strides = array<i32>} : memref<80x64xf32, #tpu.memory_space<vmem>>, vector<1x16xf32>,
        %mul3A_471 = arith.constant 8 : i32
        %mul3A_472 = arith.muli %scan3A_279, %mul3A_471 : i32
        %add3A_473 = arith.constant 4 : i32
        %add3A_474 = arith.addi %mul3A_472, %add3A_473 : i32
        %get3A_475 = arith.index_cast %scan3A_279 : i32 to index
        %get3A_476 = arith.constant 64 : index
        %get3A_477 = tpu.vector_load %arg11[%get3A_475, %get3A_476] {strides = array<i32>} : memref<10x128xf32, #tpu.memory_space<vmem>>, vector<1x16xf32>,
        %get3A_478 = vector.shape_cast %get3A_477 : vector<1x16xf32> to vector<16xf32>
        %get3A_479 = arith.index_cast %add3A_474 : i32 to index
        %get3A_480 = arith.constant 0 : index
        %get3A_481 = tpu.vector_load %arg13[%get3A_479, %get3A_480] {strides = array<i32>} : memref<80x64xf32, #tpu.memory_space<vmem>>, vector<1x16xf32>,
        %get3A_482 = vector.shape_cast %get3A_481 : vector<1x16xf32> to vector<16xf32>
        %mul3A_483 = arith.mulf %get3A_482, %get3A_478 : vector<16xf32>
        %swap3A_484 = arith.index_cast %add3A_474 : i32 to index
        %swap3A_485 = arith.constant 0 : index
        %swap3A_486 = tpu.vector_load %arg13[%swap3A_484, %swap3A_485] {strides = array<i32>} : memref<80x64xf32, #tpu.memory_space<vmem>>, vector<1x16xf32>,
        %swap3A_487 = vector.shape_cast %swap3A_486 : vector<1x16xf32> to vector<16xf32>
        %swap3A_488 = vector.shape_cast %mul3A_483 : vector<16xf32> to vector<1x16xf32>
        tpu.vector_store %arg13[%swap3A_484, %swap3A_485], %swap3A_488 {strides = array<i32>} : memref<80x64xf32, #tpu.memory_space<vmem>>, vector<1x16xf32>,
        %get3A_489 = arith.index_cast %add3A_474 : i32 to index
        %get3A_490 = arith.constant 16 : index
        %get3A_491 = tpu.vector_load %arg13[%get3A_489, %get3A_490] {strides = array<i32>} : memref<80x64xf32, #tpu.memory_space<vmem>>, vector<1x16xf32>,
        %get3A_492 = vector.shape_cast %get3A_491 : vector<1x16xf32> to vector<16xf32>
        %mul3A_493 = arith.mulf %get3A_492, %get3A_478 : vector<16xf32>
        %swap3A_494 = arith.index_cast %add3A_474 : i32 to index
        %swap3A_495 = arith.constant 16 : index
        %swap3A_496 = tpu.vector_load %arg13[%swap3A_494, %swap3A_495] {strides = array<i32>} : memref<80x64xf32, #tpu.memory_space<vmem>>, vector<1x16xf32>,
        %swap3A_497 = vector.shape_cast %swap3A_496 : vector<1x16xf32> to vector<16xf32>
        %swap3A_498 = vector.shape_cast %mul3A_493 : vector<16xf32> to vector<1x16xf32>
        tpu.vector_store %arg13[%swap3A_494, %swap3A_495], %swap3A_498 {strides = array<i32>} : memref<80x64xf32, #tpu.memory_space<vmem>>, vector<1x16xf32>,
        %get3A_499 = arith.index_cast %add3A_474 : i32 to index
        %get3A_500 = arith.constant 32 : index
        %get3A_501 = tpu.vector_load %arg13[%get3A_499, %get3A_500] {strides = array<i32>} : memref<80x64xf32, #tpu.memory_space<vmem>>, vector<1x16xf32>,
        %get3A_502 = vector.shape_cast %get3A_501 : vector<1x16xf32> to vector<16xf32>
        %mul3A_503 = arith.mulf %get3A_502, %get3A_478 : vector<16xf32>
        %swap3A_504 = arith.index_cast %add3A_474 : i32 to index
        %swap3A_505 = arith.constant 32 : index
        %swap3A_506 = tpu.vector_load %arg13[%swap3A_504, %swap3A_505] {strides = array<i32>} : memref<80x64xf32, #tpu.memory_space<vmem>>, vector<1x16xf32>,
        %swap3A_507 = vector.shape_cast %swap3A_506 : vector<1x16xf32> to vector<16xf32>
        %swap3A_508 = vector.shape_cast %mul3A_503 : vector<16xf32> to vector<1x16xf32>
        tpu.vector_store %arg13[%swap3A_504, %swap3A_505], %swap3A_508 {strides = array<i32>} : memref<80x64xf32, #tpu.memory_space<vmem>>, vector<1x16xf32>,
        %get3A_509 = arith.index_cast %add3A_474 : i32 to index
        %get3A_510 = arith.constant 48 : index
        %get3A_511 = tpu.vector_load %arg13[%get3A_509, %get3A_510] {strides = array<i32>} : memref<80x64xf32, #tpu.memory_space<vmem>>, vector<1x16xf32>,
        %get3A_512 = vector.shape_cast %get3A_511 : vector<1x16xf32> to vector<16xf32>
        %mul3A_513 = arith.mulf %get3A_512, %get3A_478 : vector<16xf32>
        %swap3A_514 = arith.index_cast %add3A_474 : i32 to index
        %swap3A_515 = arith.constant 48 : index
        %swap3A_516 = tpu.vector_load %arg13[%swap3A_514, %swap3A_515] {strides = array<i32>} : memref<80x64xf32, #tpu.memory_space<vmem>>, vector<1x16xf32>,
        %swap3A_517 = vector.shape_cast %swap3A_516 : vector<1x16xf32> to vector<16xf32>
        %swap3A_518 = vector.shape_cast %mul3A_513 : vector<16xf32> to vector<1x16xf32>
        tpu.vector_store %arg13[%swap3A_514, %swap3A_515], %swap3A_518 {strides = array<i32>} : memref<80x64xf32, #tpu.memory_space<vmem>>, vector<1x16xf32>,
        %mul3A_519 = arith.constant 8 : i32
        %mul3A_520 = arith.muli %scan3A_279, %mul3A_519 : i32
        %add3A_521 = arith.constant 5 : i32
        %add3A_522 = arith.addi %mul3A_520, %add3A_521 : i32
        %get3A_523 = arith.index_cast %scan3A_279 : i32 to index
        %get3A_524 = arith.constant 80 : index
        %get3A_525 = tpu.vector_load %arg11[%get3A_523, %get3A_524] {strides = array<i32>} : memref<10x128xf32, #tpu.memory_space<vmem>>, vector<1x16xf32>,
        %get3A_526 = vector.shape_cast %get3A_525 : vector<1x16xf32> to vector<16xf32>
        %get3A_527 = arith.index_cast %add3A_522 : i32 to index
        %get3A_528 = arith.constant 0 : index
        %get3A_529 = tpu.vector_load %arg13[%get3A_527, %get3A_528] {strides = array<i32>} : memref<80x64xf32, #tpu.memory_space<vmem>>, vector<1x16xf32>,
        %get3A_530 = vector.shape_cast %get3A_529 : vector<1x16xf32> to vector<16xf32>
        %mul3A_531 = arith.mulf %get3A_530, %get3A_526 : vector<16xf32>
        %swap3A_532 = arith.index_cast %add3A_522 : i32 to index
        %swap3A_533 = arith.constant 0 : index
        %swap3A_534 = tpu.vector_load %arg13[%swap3A_532, %swap3A_533] {strides = array<i32>} : memref<80x64xf32, #tpu.memory_space<vmem>>, vector<1x16xf32>,
        %swap3A_535 = vector.shape_cast %swap3A_534 : vector<1x16xf32> to vector<16xf32>
        %swap3A_536 = vector.shape_cast %mul3A_531 : vector<16xf32> to vector<1x16xf32>
        tpu.vector_store %arg13[%swap3A_532, %swap3A_533], %swap3A_536 {strides = array<i32>} : memref<80x64xf32, #tpu.memory_space<vmem>>, vector<1x16xf32>,
        %get3A_537 = arith.index_cast %add3A_522 : i32 to index
        %get3A_538 = arith.constant 16 : index
        %get3A_539 = tpu.vector_load %arg13[%get3A_537, %get3A_538] {strides = array<i32>} : memref<80x64xf32, #tpu.memory_space<vmem>>, vector<1x16xf32>,
        %get3A_540 = vector.shape_cast %get3A_539 : vector<1x16xf32> to vector<16xf32>
        %mul3A_541 = arith.mulf %get3A_540, %get3A_526 : vector<16xf32>
        %swap3A_542 = arith.index_cast %add3A_522 : i32 to index
        %swap3A_543 = arith.constant 16 : index
        %swap3A_544 = tpu.vector_load %arg13[%swap3A_542, %swap3A_543] {strides = array<i32>} : memref<80x64xf32, #tpu.memory_space<vmem>>, vector<1x16xf32>,
        %swap3A_545 = vector.shape_cast %swap3A_544 : vector<1x16xf32> to vector<16xf32>
        %swap3A_546 = vector.shape_cast %mul3A_541 : vector<16xf32> to vector<1x16xf32>
        tpu.vector_store %arg13[%swap3A_542, %swap3A_543], %swap3A_546 {strides = array<i32>} : memref<80x64xf32, #tpu.memory_space<vmem>>, vector<1x16xf32>,
        %get3A_547 = arith.index_cast %add3A_522 : i32 to index
        %get3A_548 = arith.constant 32 : index
        %get3A_549 = tpu.vector_load %arg13[%get3A_547, %get3A_548] {strides = array<i32>} : memref<80x64xf32, #tpu.memory_space<vmem>>, vector<1x16xf32>,
        %get3A_550 = vector.shape_cast %get3A_549 : vector<1x16xf32> to vector<16xf32>
        %mul3A_551 = arith.mulf %get3A_550, %get3A_526 : vector<16xf32>
        %swap3A_552 = arith.index_cast %add3A_522 : i32 to index
        %swap3A_553 = arith.constant 32 : index
        %swap3A_554 = tpu.vector_load %arg13[%swap3A_552, %swap3A_553] {strides = array<i32>} : memref<80x64xf32, #tpu.memory_space<vmem>>, vector<1x16xf32>,
        %swap3A_555 = vector.shape_cast %swap3A_554 : vector<1x16xf32> to vector<16xf32>
        %swap3A_556 = vector.shape_cast %mul3A_551 : vector<16xf32> to vector<1x16xf32>
        tpu.vector_store %arg13[%swap3A_552, %swap3A_553], %swap3A_556 {strides = array<i32>} : memref<80x64xf32, #tpu.memory_space<vmem>>, vector<1x16xf32>,
        %get3A_557 = arith.index_cast %add3A_522 : i32 to index
        %get3A_558 = arith.constant 48 : index
        %get3A_559 = tpu.vector_load %arg13[%get3A_557, %get3A_558] {strides = array<i32>} : memref<80x64xf32, #tpu.memory_space<vmem>>, vector<1x16xf32>,
        %get3A_560 = vector.shape_cast %get3A_559 : vector<1x16xf32> to vector<16xf32>
        %mul3A_561 = arith.mulf %get3A_560, %get3A_526 : vector<16xf32>
        %swap3A_562 = arith.index_cast %add3A_522 : i32 to index
        %swap3A_563 = arith.constant 48 : index
        %swap3A_564 = tpu.vector_load %arg13[%swap3A_562, %swap3A_563] {strides = array<i32>} : memref<80x64xf32, #tpu.memory_space<vmem>>, vector<1x16xf32>,
        %swap3A_565 = vector.shape_cast %swap3A_564 : vector<1x16xf32> to vector<16xf32>
        %swap3A_566 = vector.shape_cast %mul3A_561 : vector<16xf32> to vector<1x16xf32>
        tpu.vector_store %arg13[%swap3A_562, %swap3A_563], %swap3A_566 {strides = array<i32>} : memref<80x64xf32, #tpu.memory_space<vmem>>, vector<1x16xf32>,
        %mul3A_567 = arith.constant 8 : i32
        %mul3A_568 = arith.muli %scan3A_279, %mul3A_567 : i32
        %add3A_569 = arith.constant 6 : i32
        %add3A_570 = arith.addi %mul3A_568, %add3A_569 : i32
        %get3A_571 = arith.index_cast %scan3A_279 : i32 to index
        %get3A_572 = arith.constant 96 : index
        %get3A_573 = tpu.vector_load %arg11[%get3A_571, %get3A_572] {strides = array<i32>} : memref<10x128xf32, #tpu.memory_space<vmem>>, vector<1x16xf32>,
        %get3A_574 = vector.shape_cast %get3A_573 : vector<1x16xf32> to vector<16xf32>
        %get3A_575 = arith.index_cast %add3A_570 : i32 to index
        %get3A_576 = arith.constant 0 : index
        %get3A_577 = tpu.vector_load %arg13[%get3A_575, %get3A_576] {strides = array<i32>} : memref<80x64xf32, #tpu.memory_space<vmem>>, vector<1x16xf32>,
        %get3A_578 = vector.shape_cast %get3A_577 : vector<1x16xf32> to vector<16xf32>
        %mul3A_579 = arith.mulf %get3A_578, %get3A_574 : vector<16xf32>
        %swap3A_580 = arith.index_cast %add3A_570 : i32 to index
        %swap3A_581 = arith.constant 0 : index
        %swap3A_582 = tpu.vector_load %arg13[%swap3A_580, %swap3A_581] {strides = array<i32>} : memref<80x64xf32, #tpu.memory_space<vmem>>, vector<1x16xf32>,
        %swap3A_583 = vector.shape_cast %swap3A_582 : vector<1x16xf32> to vector<16xf32>
        %swap3A_584 = vector.shape_cast %mul3A_579 : vector<16xf32> to vector<1x16xf32>
        tpu.vector_store %arg13[%swap3A_580, %swap3A_581], %swap3A_584 {strides = array<i32>} : memref<80x64xf32, #tpu.memory_space<vmem>>, vector<1x16xf32>,
        %get3A_585 = arith.index_cast %add3A_570 : i32 to index
        %get3A_586 = arith.constant 16 : index
        %get3A_587 = tpu.vector_load %arg13[%get3A_585, %get3A_586] {strides = array<i32>} : memref<80x64xf32, #tpu.memory_space<vmem>>, vector<1x16xf32>,
        %get3A_588 = vector.shape_cast %get3A_587 : vector<1x16xf32> to vector<16xf32>
        %mul3A_589 = arith.mulf %get3A_588, %get3A_574 : vector<16xf32>
        %swap3A_590 = arith.index_cast %add3A_570 : i32 to index
        %swap3A_591 = arith.constant 16 : index
        %swap3A_592 = tpu.vector_load %arg13[%swap3A_590, %swap3A_591] {strides = array<i32>} : memref<80x64xf32, #tpu.memory_space<vmem>>, vector<1x16xf32>,
        %swap3A_593 = vector.shape_cast %swap3A_592 : vector<1x16xf32> to vector<16xf32>
        %swap3A_594 = vector.shape_cast %mul3A_589 : vector<16xf32> to vector<1x16xf32>
        tpu.vector_store %arg13[%swap3A_590, %swap3A_591], %swap3A_594 {strides = array<i32>} : memref<80x64xf32, #tpu.memory_space<vmem>>, vector<1x16xf32>,
        %get3A_595 = arith.index_cast %add3A_570 : i32 to index
        %get3A_596 = arith.constant 32 : index
        %get3A_597 = tpu.vector_load %arg13[%get3A_595, %get3A_596] {strides = array<i32>} : memref<80x64xf32, #tpu.memory_space<vmem>>, vector<1x16xf32>,
        %get3A_598 = vector.shape_cast %get3A_597 : vector<1x16xf32> to vector<16xf32>
        %mul3A_599 = arith.mulf %get3A_598, %get3A_574 : vector<16xf32>
        %swap3A_600 = arith.index_cast %add3A_570 : i32 to index
        %swap3A_601 = arith.constant 32 : index
        %swap3A_602 = tpu.vector_load %arg13[%swap3A_600, %swap3A_601] {strides = array<i32>} : memref<80x64xf32, #tpu.memory_space<vmem>>, vector<1x16xf32>,
        %swap3A_603 = vector.shape_cast %swap3A_602 : vector<1x16xf32> to vector<16xf32>
        %swap3A_604 = vector.shape_cast %mul3A_599 : vector<16xf32> to vector<1x16xf32>
        tpu.vector_store %arg13[%swap3A_600, %swap3A_601], %swap3A_604 {strides = array<i32>} : memref<80x64xf32, #tpu.memory_space<vmem>>, vector<1x16xf32>,
        %get3A_605 = arith.index_cast %add3A_570 : i32 to index
        %get3A_606 = arith.constant 48 : index
        %get3A_607 = tpu.vector_load %arg13[%get3A_605, %get3A_606] {strides = array<i32>} : memref<80x64xf32, #tpu.memory_space<vmem>>, vector<1x16xf32>,
        %get3A_608 = vector.shape_cast %get3A_607 : vector<1x16xf32> to vector<16xf32>
        %mul3A_609 = arith.mulf %get3A_608, %get3A_574 : vector<16xf32>
        %swap3A_610 = arith.index_cast %add3A_570 : i32 to index
        %swap3A_611 = arith.constant 48 : index
        %swap3A_612 = tpu.vector_load %arg13[%swap3A_610, %swap3A_611] {strides = array<i32>} : memref<80x64xf32, #tpu.memory_space<vmem>>, vector<1x16xf32>,
        %swap3A_613 = vector.shape_cast %swap3A_612 : vector<1x16xf32> to vector<16xf32>
        %swap3A_614 = vector.shape_cast %mul3A_609 : vector<16xf32> to vector<1x16xf32>
        tpu.vector_store %arg13[%swap3A_610, %swap3A_611], %swap3A_614 {strides = array<i32>} : memref<80x64xf32, #tpu.memory_space<vmem>>, vector<1x16xf32>,
        %mul3A_615 = arith.constant 8 : i32
        %mul3A_616 = arith.muli %scan3A_279, %mul3A_615 : i32
        %add3A_617 = arith.constant 7 : i32
        %add3A_618 = arith.addi %mul3A_616, %add3A_617 : i32
        %get3A_619 = arith.index_cast %scan3A_279 : i32 to index
        %get3A_620 = arith.constant 112 : index
        %get3A_621 = tpu.vector_load %arg11[%get3A_619, %get3A_620] {strides = array<i32>} : memref<10x128xf32, #tpu.memory_space<vmem>>, vector<1x16xf32>,
        %get3A_622 = vector.shape_cast %get3A_621 : vector<1x16xf32> to vector<16xf32>
        %get3A_623 = arith.index_cast %add3A_618 : i32 to index
        %get3A_624 = arith.constant 0 : index
        %get3A_625 = tpu.vector_load %arg13[%get3A_623, %get3A_624] {strides = array<i32>} : memref<80x64xf32, #tpu.memory_space<vmem>>, vector<1x16xf32>,
        %get3A_626 = vector.shape_cast %get3A_625 : vector<1x16xf32> to vector<16xf32>
        %mul3A_627 = arith.mulf %get3A_626, %get3A_622 : vector<16xf32>
        %swap3A_628 = arith.index_cast %add3A_618 : i32 to index
        %swap3A_629 = arith.constant 0 : index
        %swap3A_630 = tpu.vector_load %arg13[%swap3A_628, %swap3A_629] {strides = array<i32>} : memref<80x64xf32, #tpu.memory_space<vmem>>, vector<1x16xf32>,
        %swap3A_631 = vector.shape_cast %swap3A_630 : vector<1x16xf32> to vector<16xf32>
        %swap3A_632 = vector.shape_cast %mul3A_627 : vector<16xf32> to vector<1x16xf32>
        tpu.vector_store %arg13[%swap3A_628, %swap3A_629], %swap3A_632 {strides = array<i32>} : memref<80x64xf32, #tpu.memory_space<vmem>>, vector<1x16xf32>,
        %get3A_633 = arith.index_cast %add3A_618 : i32 to index
        %get3A_634 = arith.constant 16 : index
        %get3A_635 = tpu.vector_load %arg13[%get3A_633, %get3A_634] {strides = array<i32>} : memref<80x64xf32, #tpu.memory_space<vmem>>, vector<1x16xf32>,
        %get3A_636 = vector.shape_cast %get3A_635 : vector<1x16xf32> to vector<16xf32>
        %mul3A_637 = arith.mulf %get3A_636, %get3A_622 : vector<16xf32>
        %swap3A_638 = arith.index_cast %add3A_618 : i32 to index
        %swap3A_639 = arith.constant 16 : index
        %swap3A_640 = tpu.vector_load %arg13[%swap3A_638, %swap3A_639] {strides = array<i32>} : memref<80x64xf32, #tpu.memory_space<vmem>>, vector<1x16xf32>,
        %swap3A_641 = vector.shape_cast %swap3A_640 : vector<1x16xf32> to vector<16xf32>
        %swap3A_642 = vector.shape_cast %mul3A_637 : vector<16xf32> to vector<1x16xf32>
        tpu.vector_store %arg13[%swap3A_638, %swap3A_639], %swap3A_642 {strides = array<i32>} : memref<80x64xf32, #tpu.memory_space<vmem>>, vector<1x16xf32>,
        %get3A_643 = arith.index_cast %add3A_618 : i32 to index
        %get3A_644 = arith.constant 32 : index
        %get3A_645 = tpu.vector_load %arg13[%get3A_643, %get3A_644] {strides = array<i32>} : memref<80x64xf32, #tpu.memory_space<vmem>>, vector<1x16xf32>,
        %get3A_646 = vector.shape_cast %get3A_645 : vector<1x16xf32> to vector<16xf32>
        %mul3A_647 = arith.mulf %get3A_646, %get3A_622 : vector<16xf32>
        %swap3A_648 = arith.index_cast %add3A_618 : i32 to index
        %swap3A_649 = arith.constant 32 : index
        %swap3A_650 = tpu.vector_load %arg13[%swap3A_648, %swap3A_649] {strides = array<i32>} : memref<80x64xf32, #tpu.memory_space<vmem>>, vector<1x16xf32>,
        %swap3A_651 = vector.shape_cast %swap3A_650 : vector<1x16xf32> to vector<16xf32>
        %swap3A_652 = vector.shape_cast %mul3A_647 : vector<16xf32> to vector<1x16xf32>
        tpu.vector_store %arg13[%swap3A_648, %swap3A_649], %swap3A_652 {strides = array<i32>} : memref<80x64xf32, #tpu.memory_space<vmem>>, vector<1x16xf32>,
        %get3A_653 = arith.index_cast %add3A_618 : i32 to index
        %get3A_654 = arith.constant 48 : index
        %get3A_655 = tpu.vector_load %arg13[%get3A_653, %get3A_654] {strides = array<i32>} : memref<80x64xf32, #tpu.memory_space<vmem>>, vector<1x16xf32>,
        %get3A_656 = vector.shape_cast %get3A_655 : vector<1x16xf32> to vector<16xf32>
        %mul3A_657 = arith.mulf %get3A_656, %get3A_622 : vector<16xf32>
        %swap3A_658 = arith.index_cast %add3A_618 : i32 to index
        %swap3A_659 = arith.constant 48 : index
        %swap3A_660 = tpu.vector_load %arg13[%swap3A_658, %swap3A_659] {strides = array<i32>} : memref<80x64xf32, #tpu.memory_space<vmem>>, vector<1x16xf32>,
        %swap3A_661 = vector.shape_cast %swap3A_660 : vector<1x16xf32> to vector<16xf32>
        %swap3A_662 = vector.shape_cast %mul3A_657 : vector<16xf32> to vector<1x16xf32>
        tpu.vector_store %arg13[%swap3A_658, %swap3A_659], %swap3A_662 {strides = array<i32>} : memref<80x64xf32, #tpu.memory_space<vmem>>, vector<1x16xf32>,
        %scan3A_663 = arith.constant 0 : i32
        scf.yield %scan3A_663 : i32
      }
      %scan3A_247 = arith.constant 10 : i32
      "tpu.region"() ({
        %run_scoped3A = tpu.sem_alloc : memref<!tpu.dma_semaphore, #tpu.memory_space<semaphore_mem>>
        %dma_start3A_279 = arith.constant 0 : i32
        %dma_start3A_280 = arith.constant 0 : i32
        %dma_start3A_281 = tpu.memref_slice %arg6[%dma_start3A_279, %dma_start3A_280] : memref<29440x64xf32, #tpu.memory_space<vmem_shared>> -> memref<29440x64xf32, #tpu.memory_space<vmem_shared>>
        tpu.enqueue_indirect_dma source(%arg13 : memref<80x64xf32, #tpu.memory_space<vmem>>) target(%dma_start3A_281 : memref<29440x64xf32, #tpu.memory_space<vmem_shared>>) offsets(%arg9 : memref<80xi32, #tpu.memory_space<vmem>>) semaphore(%run_scoped3A : memref<!tpu.dma_semaphore, #tpu.memory_space<semaphore_mem>>) {add = true}
        %dma_wait3A_282 = arith.constant 0 : i32
        %dma_wait3A_283 = arith.constant 0 : i32
        %dma_wait3A_284 = tpu.memref_slice %arg6[%dma_wait3A_282, %dma_wait3A_283] : memref<29440x64xf32, #tpu.memory_space<vmem_shared>> -> memref<29440x64xf32, #tpu.memory_space<vmem_shared>>
        tpu.wait_indirect_dma semaphore(%run_scoped3A : memref<!tpu.dma_semaphore, #tpu.memory_space<semaphore_mem>>) src(%arg13 : memref<80x64xf32, #tpu.memory_space<vmem>>) dst(%dma_wait3A_284 : memref<29440x64xf32, #tpu.memory_space<vmem_shared>>)
        tpu.yield
      }) : () -> ()
      %lt3A_248 = arith.constant 91 : i32
      %lt3A_249 = arith.cmpi slt, %scan3A_174, %lt3A_248 : i32
      %convert_element_type3A_250 = arith.extui %lt3A_249 : i1 to i32
      %cond3A_251 = arith.constant 0 : i32
      %cond3A_252 = arith.cmpi ne, %convert_element_type3A_250, %cond3A_251 : i32
      scf.if %cond3A_252 {
        %mul3A_279 = arith.constant 14720 : i32
        %mul3A_280 = arith.muli %add3A, %mul3A_279 : i32
        %add3A_281 = arith.constant 2 : i32
        %add3A_282 = arith.addi %mul3A_177, %add3A_281 : i32
        %mul3A_283 = arith.constant 80 : i32
        %mul3A_284 = arith.muli %add3A_282, %mul3A_283 : i32
        %add3A_285 = arith.addi %mul3A_280, %mul3A_284 : i32
        %dma_start3A_286 = arith.constant 1 : i32
        %dma_start3A_287 = tpu.memref_slice %arg3[%dma_start3A_286, %add3A_285] : memref<2x471040xi32, #tpu.memory_space<hbm>> -> memref<1x80xi32, #tpu.memory_space<hbm>>
        %dma_start3A_288 = tpu.memref_squeeze %dma_start3A_287 : memref<1x80xi32, #tpu.memory_space<hbm>> -> memref<80xi32, #tpu.memory_space<hbm>>
        %dma_start3A_289 = tpu.memref_slice %arg3[%dma_start3A_286, %add3A_285] : memref<2x471040xi32, #tpu.memory_space<hbm>> -> memref<1x80xi32, #tpu.memory_space<hbm>>
        %dma_start3A_290 = tpu.memref_squeeze %dma_start3A_289 : memref<1x80xi32, #tpu.memory_space<hbm>> -> memref<80xi32, #tpu.memory_space<hbm>>
        tpu.enqueue_dma source(%dma_start3A_290 : memref<80xi32, #tpu.memory_space<hbm>>) target(%arg9 : memref<80xi32, #tpu.memory_space<vmem>>) target_semaphore(%arg15 : memref<!tpu.dma_semaphore, #tpu.memory_space<semaphore_mem>>)
        %mul3A_291 = arith.constant 14720 : i32
        %mul3A_292 = arith.muli %add3A, %mul3A_291 : i32
        %add3A_293 = arith.constant 2 : i32
        %add3A_294 = arith.addi %mul3A_177, %add3A_293 : i32
        %mul3A_295 = arith.constant 80 : i32
        %mul3A_296 = arith.muli %add3A_294, %mul3A_295 : i32
        %add3A_297 = arith.addi %mul3A_292, %mul3A_296 : i32
        %jit3A_298 = arith.constant 8 : i32
        %div3A_299 = arith.divsi %add3A_297, %jit3A_298 : i32
        %sign3A_300 = arith.constant 0 : i32
        %sign3A_301 = arith.cmpi sgt, %add3A_297, %sign3A_300 : i32
        %sign3A_302 = arith.extui %sign3A_301 : i1 to i32
        %sign3A_303 = arith.constant 0 : i32
        %sign3A_304 = arith.cmpi slt, %add3A_297, %sign3A_303 : i32
        %sign3A_305 = arith.extui %sign3A_304 : i1 to i32
        %sign3A_306 = arith.subi %sign3A_302, %sign3A_305 : i32
        %sign3A_307 = arith.constant 0 : i32
        %sign3A_308 = arith.cmpi sgt, %jit3A_298, %sign3A_307 : i32
        %sign3A_309 = arith.extui %sign3A_308 : i1 to i32
        %sign3A_310 = arith.constant 0 : i32
        %sign3A_311 = arith.cmpi slt, %jit3A_298, %sign3A_310 : i32
        %sign3A_312 = arith.extui %sign3A_311 : i1 to i32
        %sign3A_313 = arith.subi %sign3A_309, %sign3A_312 : i32
        %ne3A_314 = arith.cmpi ne, %sign3A_306, %sign3A_313 : i32
        %rem3A_315 = arith.remsi %add3A_297, %jit3A_298 : i32
        %ne3A_316 = arith.constant 0 : i32
        %ne3A_317 = arith.cmpi ne, %rem3A_315, %ne3A_316 : i32
        %and3A_318 = arith.andi %ne3A_314, %ne3A_317 : i1
        %sub3A_319 = arith.constant 1 : i32
        %sub3A_320 = arith.subi %div3A_299, %sub3A_319 : i32
        %select_n3A_321 = arith.select %and3A_318, %sub3A_320, %div3A_299 : i32
        %dma_start3A_322 = arith.constant 0 : i32
        %dma_start3A_323 = tpu.memref_slice %arg4[%select_n3A_321, %dma_start3A_322] : memref<58880x128xf32, #tpu.memory_space<hbm>> -> memref<10x128xf32, #tpu.memory_space<hbm>>
        %dma_start3A_324 = arith.constant 0 : i32
        %dma_start3A_325 = tpu.memref_slice %arg4[%select_n3A_321, %dma_start3A_324] : memref<58880x128xf32, #tpu.memory_space<hbm>> -> memref<10x128xf32, #tpu.memory_space<hbm>>
        tpu.enqueue_dma source(%dma_start3A_325 : memref<10x128xf32, #tpu.memory_space<hbm>>) target(%arg11 : memref<10x128xf32, #tpu.memory_space<vmem>>) target_semaphore(%arg15 : memref<!tpu.dma_semaphore, #tpu.memory_space<semaphore_mem>>)
      } else {
      }
      %dma_wait3A_253 = arith.constant 0 : i32
      %dma_wait3A_254 = arith.constant 0 : i32
      %dma_wait3A_255 = tpu.memref_slice %arg2[%dma_wait3A_253, %dma_wait3A_254] : memref<29440x64xf32, #tpu.memory_space<hbm>> -> memref<29440x64xf32, #tpu.memory_space<hbm>>
      tpu.wait_indirect_dma semaphore(%arg18 : memref<!tpu.dma_semaphore, #tpu.memory_space<semaphore_mem>>) src(%dma_wait3A_255 : memref<29440x64xf32, #tpu.memory_space<hbm>>) dst(%arg14 : memref<80x64xf32, #tpu.memory_space<vmem>>)
      %lt3A_256 = arith.constant 91 : i32
      %lt3A_257 = arith.cmpi slt, %scan3A_174, %lt3A_256 : i32
      %convert_element_type3A_258 = arith.extui %lt3A_257 : i1 to i32
      %cond3A_259 = arith.constant 0 : i32
      %cond3A_260 = arith.cmpi ne, %convert_element_type3A_258, %cond3A_259 : i32
      scf.if %cond3A_260 {
        %mul3A_279 = arith.constant 14720 : i32
        %mul3A_280 = arith.muli %add3A, %mul3A_279 : i32
        %add3A_281 = arith.constant 3 : i32
        %add3A_282 = arith.addi %mul3A_177, %add3A_281 : i32
        %mul3A_283 = arith.constant 80 : i32
        %mul3A_284 = arith.muli %add3A_282, %mul3A_283 : i32
        %add3A_285 = arith.addi %mul3A_280, %mul3A_284 : i32
        %dma_start3A_286 = arith.constant 0 : i32
        %dma_start3A_287 = tpu.memref_slice %arg3[%dma_start3A_286, %add3A_285] : memref<2x471040xi32, #tpu.memory_space<hbm>> -> memref<1x80xi32, #tpu.memory_space<hbm>>
        %dma_start3A_288 = tpu.memref_squeeze %dma_start3A_287 : memref<1x80xi32, #tpu.memory_space<hbm>> -> memref<80xi32, #tpu.memory_space<hbm>>
        %dma_start3A_289 = tpu.memref_slice %arg3[%dma_start3A_286, %add3A_285] : memref<2x471040xi32, #tpu.memory_space<hbm>> -> memref<1x80xi32, #tpu.memory_space<hbm>>
        %dma_start3A_290 = tpu.memref_squeeze %dma_start3A_289 : memref<1x80xi32, #tpu.memory_space<hbm>> -> memref<80xi32, #tpu.memory_space<hbm>>
        tpu.enqueue_dma source(%dma_start3A_290 : memref<80xi32, #tpu.memory_space<hbm>>) target(%arg8 : memref<80xi32, #tpu.memory_space<vmem>>) target_semaphore(%arg16 : memref<!tpu.dma_semaphore, #tpu.memory_space<semaphore_mem>>)
      } else {
      }
      %scan3A_261 = arith.constant 0 : i32
      %scan3A_262 = arith.constant 0 : i32
      %scan3A_263 = arith.constant 10 : i32
      %scan3A_264 = arith.addi %scan3A_262, %scan3A_263 : i32
      %scan3A_265 = arith.constant 1 : i32
      %scan3A_266 = scf.for %scan3A_279 = %scan3A_262 to %scan3A_264 step %scan3A_265 iter_args(%scan3A_280 = %scan3A_261) -> (i32)  : i32 {
        %mul3A_281 = arith.constant 8 : i32
        %mul3A_282 = arith.muli %scan3A_279, %mul3A_281 : i32
        %add3A_283 = arith.constant 0 : i32
        %add3A_284 = arith.addi %mul3A_282, %add3A_283 : i32
        %get3A = arith.index_cast %scan3A_279 : i32 to index
        %get3A_285 = arith.constant 0 : index
        %get3A_286 = tpu.vector_load %arg12[%get3A, %get3A_285] {strides = array<i32>} : memref<10x128xf32, #tpu.memory_space<vmem>>, vector<1x16xf32>,
        %get3A_287 = vector.shape_cast %get3A_286 : vector<1x16xf32> to vector<16xf32>
        %get3A_288 = arith.index_cast %add3A_284 : i32 to index
        %get3A_289 = arith.constant 0 : index
        %get3A_290 = tpu.vector_load %arg14[%get3A_288, %get3A_289] {strides = array<i32>} : memref<80x64xf32, #tpu.memory_space<vmem>>, vector<1x16xf32>,
        %get3A_291 = vector.shape_cast %get3A_290 : vector<1x16xf32> to vector<16xf32>
        %mul3A_292 = arith.mulf %get3A_291, %get3A_287 : vector<16xf32>
        %swap3A = arith.index_cast %add3A_284 : i32 to index
        %swap3A_293 = arith.constant 0 : index
        %swap3A_294 = tpu.vector_load %arg14[%swap3A, %swap3A_293] {strides = array<i32>} : memref<80x64xf32, #tpu.memory_space<vmem>>, vector<1x16xf32>,
        %swap3A_295 = vector.shape_cast %swap3A_294 : vector<1x16xf32> to vector<16xf32>
        %swap3A_296 = vector.shape_cast %mul3A_292 : vector<16xf32> to vector<1x16xf32>
        tpu.vector_store %arg14[%swap3A, %swap3A_293], %swap3A_296 {strides = array<i32>} : memref<80x64xf32, #tpu.memory_space<vmem>>, vector<1x16xf32>,
        %get3A_297 = arith.index_cast %add3A_284 : i32 to index
        %get3A_298 = arith.constant 16 : index
        %get3A_299 = tpu.vector_load %arg14[%get3A_297, %get3A_298] {strides = array<i32>} : memref<80x64xf32, #tpu.memory_space<vmem>>, vector<1x16xf32>,
        %get3A_300 = vector.shape_cast %get3A_299 : vector<1x16xf32> to vector<16xf32>
        %mul3A_301 = arith.mulf %get3A_300, %get3A_287 : vector<16xf32>
        %swap3A_302 = arith.index_cast %add3A_284 : i32 to index
        %swap3A_303 = arith.constant 16 : index
        %swap3A_304 = tpu.vector_load %arg14[%swap3A_302, %swap3A_303] {strides = array<i32>} : memref<80x64xf32, #tpu.memory_space<vmem>>, vector<1x16xf32>,
        %swap3A_305 = vector.shape_cast %swap3A_304 : vector<1x16xf32> to vector<16xf32>
        %swap3A_306 = vector.shape_cast %mul3A_301 : vector<16xf32> to vector<1x16xf32>
        tpu.vector_store %arg14[%swap3A_302, %swap3A_303], %swap3A_306 {strides = array<i32>} : memref<80x64xf32, #tpu.memory_space<vmem>>, vector<1x16xf32>,
        %get3A_307 = arith.index_cast %add3A_284 : i32 to index
        %get3A_308 = arith.constant 32 : index
        %get3A_309 = tpu.vector_load %arg14[%get3A_307, %get3A_308] {strides = array<i32>} : memref<80x64xf32, #tpu.memory_space<vmem>>, vector<1x16xf32>,
        %get3A_310 = vector.shape_cast %get3A_309 : vector<1x16xf32> to vector<16xf32>
        %mul3A_311 = arith.mulf %get3A_310, %get3A_287 : vector<16xf32>
        %swap3A_312 = arith.index_cast %add3A_284 : i32 to index
        %swap3A_313 = arith.constant 32 : index
        %swap3A_314 = tpu.vector_load %arg14[%swap3A_312, %swap3A_313] {strides = array<i32>} : memref<80x64xf32, #tpu.memory_space<vmem>>, vector<1x16xf32>,
        %swap3A_315 = vector.shape_cast %swap3A_314 : vector<1x16xf32> to vector<16xf32>
        %swap3A_316 = vector.shape_cast %mul3A_311 : vector<16xf32> to vector<1x16xf32>
        tpu.vector_store %arg14[%swap3A_312, %swap3A_313], %swap3A_316 {strides = array<i32>} : memref<80x64xf32, #tpu.memory_space<vmem>>, vector<1x16xf32>,
        %get3A_317 = arith.index_cast %add3A_284 : i32 to index
        %get3A_318 = arith.constant 48 : index
        %get3A_319 = tpu.vector_load %arg14[%get3A_317, %get3A_318] {strides = array<i32>} : memref<80x64xf32, #tpu.memory_space<vmem>>, vector<1x16xf32>,
        %get3A_320 = vector.shape_cast %get3A_319 : vector<1x16xf32> to vector<16xf32>
        %mul3A_321 = arith.mulf %get3A_320, %get3A_287 : vector<16xf32>
        %swap3A_322 = arith.index_cast %add3A_284 : i32 to index
        %swap3A_323 = arith.constant 48 : index
        %swap3A_324 = tpu.vector_load %arg14[%swap3A_322, %swap3A_323] {strides = array<i32>} : memref<80x64xf32, #tpu.memory_space<vmem>>, vector<1x16xf32>,
        %swap3A_325 = vector.shape_cast %swap3A_324 : vector<1x16xf32> to vector<16xf32>
        %swap3A_326 = vector.shape_cast %mul3A_321 : vector<16xf32> to vector<1x16xf32>
        tpu.vector_store %arg14[%swap3A_322, %swap3A_323], %swap3A_326 {strides = array<i32>} : memref<80x64xf32, #tpu.memory_space<vmem>>, vector<1x16xf32>,
        %mul3A_327 = arith.constant 8 : i32
        %mul3A_328 = arith.muli %scan3A_279, %mul3A_327 : i32
        %add3A_329 = arith.constant 1 : i32
        %add3A_330 = arith.addi %mul3A_328, %add3A_329 : i32
        %get3A_331 = arith.index_cast %scan3A_279 : i32 to index
        %get3A_332 = arith.constant 16 : index
        %get3A_333 = tpu.vector_load %arg12[%get3A_331, %get3A_332] {strides = array<i32>} : memref<10x128xf32, #tpu.memory_space<vmem>>, vector<1x16xf32>,
        %get3A_334 = vector.shape_cast %get3A_333 : vector<1x16xf32> to vector<16xf32>
        %get3A_335 = arith.index_cast %add3A_330 : i32 to index
        %get3A_336 = arith.constant 0 : index
        %get3A_337 = tpu.vector_load %arg14[%get3A_335, %get3A_336] {strides = array<i32>} : memref<80x64xf32, #tpu.memory_space<vmem>>, vector<1x16xf32>,
        %get3A_338 = vector.shape_cast %get3A_337 : vector<1x16xf32> to vector<16xf32>
        %mul3A_339 = arith.mulf %get3A_338, %get3A_334 : vector<16xf32>
        %swap3A_340 = arith.index_cast %add3A_330 : i32 to index
        %swap3A_341 = arith.constant 0 : index
        %swap3A_342 = tpu.vector_load %arg14[%swap3A_340, %swap3A_341] {strides = array<i32>} : memref<80x64xf32, #tpu.memory_space<vmem>>, vector<1x16xf32>,
        %swap3A_343 = vector.shape_cast %swap3A_342 : vector<1x16xf32> to vector<16xf32>
        %swap3A_344 = vector.shape_cast %mul3A_339 : vector<16xf32> to vector<1x16xf32>
        tpu.vector_store %arg14[%swap3A_340, %swap3A_341], %swap3A_344 {strides = array<i32>} : memref<80x64xf32, #tpu.memory_space<vmem>>, vector<1x16xf32>,
        %get3A_345 = arith.index_cast %add3A_330 : i32 to index
        %get3A_346 = arith.constant 16 : index
        %get3A_347 = tpu.vector_load %arg14[%get3A_345, %get3A_346] {strides = array<i32>} : memref<80x64xf32, #tpu.memory_space<vmem>>, vector<1x16xf32>,
        %get3A_348 = vector.shape_cast %get3A_347 : vector<1x16xf32> to vector<16xf32>
        %mul3A_349 = arith.mulf %get3A_348, %get3A_334 : vector<16xf32>
        %swap3A_350 = arith.index_cast %add3A_330 : i32 to index
        %swap3A_351 = arith.constant 16 : index
        %swap3A_352 = tpu.vector_load %arg14[%swap3A_350, %swap3A_351] {strides = array<i32>} : memref<80x64xf32, #tpu.memory_space<vmem>>, vector<1x16xf32>,
        %swap3A_353 = vector.shape_cast %swap3A_352 : vector<1x16xf32> to vector<16xf32>
        %swap3A_354 = vector.shape_cast %mul3A_349 : vector<16xf32> to vector<1x16xf32>
        tpu.vector_store %arg14[%swap3A_350, %swap3A_351], %swap3A_354 {strides = array<i32>} : memref<80x64xf32, #tpu.memory_space<vmem>>, vector<1x16xf32>,
        %get3A_355 = arith.index_cast %add3A_330 : i32 to index
        %get3A_356 = arith.constant 32 : index
        %get3A_357 = tpu.vector_load %arg14[%get3A_355, %get3A_356] {strides = array<i32>} : memref<80x64xf32, #tpu.memory_space<vmem>>, vector<1x16xf32>,
        %get3A_358 = vector.shape_cast %get3A_357 : vector<1x16xf32> to vector<16xf32>
        %mul3A_359 = arith.mulf %get3A_358, %get3A_334 : vector<16xf32>
        %swap3A_360 = arith.index_cast %add3A_330 : i32 to index
        %swap3A_361 = arith.constant 32 : index
        %swap3A_362 = tpu.vector_load %arg14[%swap3A_360, %swap3A_361] {strides = array<i32>} : memref<80x64xf32, #tpu.memory_space<vmem>>, vector<1x16xf32>,
        %swap3A_363 = vector.shape_cast %swap3A_362 : vector<1x16xf32> to vector<16xf32>
        %swap3A_364 = vector.shape_cast %mul3A_359 : vector<16xf32> to vector<1x16xf32>
        tpu.vector_store %arg14[%swap3A_360, %swap3A_361], %swap3A_364 {strides = array<i32>} : memref<80x64xf32, #tpu.memory_space<vmem>>, vector<1x16xf32>,
        %get3A_365 = arith.index_cast %add3A_330 : i32 to index
        %get3A_366 = arith.constant 48 : index
        %get3A_367 = tpu.vector_load %arg14[%get3A_365, %get3A_366] {strides = array<i32>} : memref<80x64xf32, #tpu.memory_space<vmem>>, vector<1x16xf32>,
        %get3A_368 = vector.shape_cast %get3A_367 : vector<1x16xf32> to vector<16xf32>
        %mul3A_369 = arith.mulf %get3A_368, %get3A_334 : vector<16xf32>
        %swap3A_370 = arith.index_cast %add3A_330 : i32 to index
        %swap3A_371 = arith.constant 48 : index
        %swap3A_372 = tpu.vector_load %arg14[%swap3A_370, %swap3A_371] {strides = array<i32>} : memref<80x64xf32, #tpu.memory_space<vmem>>, vector<1x16xf32>,
        %swap3A_373 = vector.shape_cast %swap3A_372 : vector<1x16xf32> to vector<16xf32>
        %swap3A_374 = vector.shape_cast %mul3A_369 : vector<16xf32> to vector<1x16xf32>
        tpu.vector_store %arg14[%swap3A_370, %swap3A_371], %swap3A_374 {strides = array<i32>} : memref<80x64xf32, #tpu.memory_space<vmem>>, vector<1x16xf32>,
        %mul3A_375 = arith.constant 8 : i32
        %mul3A_376 = arith.muli %scan3A_279, %mul3A_375 : i32
        %add3A_377 = arith.constant 2 : i32
        %add3A_378 = arith.addi %mul3A_376, %add3A_377 : i32
        %get3A_379 = arith.index_cast %scan3A_279 : i32 to index
        %get3A_380 = arith.constant 32 : index
        %get3A_381 = tpu.vector_load %arg12[%get3A_379, %get3A_380] {strides = array<i32>} : memref<10x128xf32, #tpu.memory_space<vmem>>, vector<1x16xf32>,
        %get3A_382 = vector.shape_cast %get3A_381 : vector<1x16xf32> to vector<16xf32>
        %get3A_383 = arith.index_cast %add3A_378 : i32 to index
        %get3A_384 = arith.constant 0 : index
        %get3A_385 = tpu.vector_load %arg14[%get3A_383, %get3A_384] {strides = array<i32>} : memref<80x64xf32, #tpu.memory_space<vmem>>, vector<1x16xf32>,
        %get3A_386 = vector.shape_cast %get3A_385 : vector<1x16xf32> to vector<16xf32>
        %mul3A_387 = arith.mulf %get3A_386, %get3A_382 : vector<16xf32>
        %swap3A_388 = arith.index_cast %add3A_378 : i32 to index
        %swap3A_389 = arith.constant 0 : index
        %swap3A_390 = tpu.vector_load %arg14[%swap3A_388, %swap3A_389] {strides = array<i32>} : memref<80x64xf32, #tpu.memory_space<vmem>>, vector<1x16xf32>,
        %swap3A_391 = vector.shape_cast %swap3A_390 : vector<1x16xf32> to vector<16xf32>
        %swap3A_392 = vector.shape_cast %mul3A_387 : vector<16xf32> to vector<1x16xf32>
        tpu.vector_store %arg14[%swap3A_388, %swap3A_389], %swap3A_392 {strides = array<i32>} : memref<80x64xf32, #tpu.memory_space<vmem>>, vector<1x16xf32>,
        %get3A_393 = arith.index_cast %add3A_378 : i32 to index
        %get3A_394 = arith.constant 16 : index
        %get3A_395 = tpu.vector_load %arg14[%get3A_393, %get3A_394] {strides = array<i32>} : memref<80x64xf32, #tpu.memory_space<vmem>>, vector<1x16xf32>,
        %get3A_396 = vector.shape_cast %get3A_395 : vector<1x16xf32> to vector<16xf32>
        %mul3A_397 = arith.mulf %get3A_396, %get3A_382 : vector<16xf32>
        %swap3A_398 = arith.index_cast %add3A_378 : i32 to index
        %swap3A_399 = arith.constant 16 : index
        %swap3A_400 = tpu.vector_load %arg14[%swap3A_398, %swap3A_399] {strides = array<i32>} : memref<80x64xf32, #tpu.memory_space<vmem>>, vector<1x16xf32>,
        %swap3A_401 = vector.shape_cast %swap3A_400 : vector<1x16xf32> to vector<16xf32>
        %swap3A_402 = vector.shape_cast %mul3A_397 : vector<16xf32> to vector<1x16xf32>
        tpu.vector_store %arg14[%swap3A_398, %swap3A_399], %swap3A_402 {strides = array<i32>} : memref<80x64xf32, #tpu.memory_space<vmem>>, vector<1x16xf32>,
        %get3A_403 = arith.index_cast %add3A_378 : i32 to index
        %get3A_404 = arith.constant 32 : index
        %get3A_405 = tpu.vector_load %arg14[%get3A_403, %get3A_404] {strides = array<i32>} : memref<80x64xf32, #tpu.memory_space<vmem>>, vector<1x16xf32>,
        %get3A_406 = vector.shape_cast %get3A_405 : vector<1x16xf32> to vector<16xf32>
        %mul3A_407 = arith.mulf %get3A_406, %get3A_382 : vector<16xf32>
        %swap3A_408 = arith.index_cast %add3A_378 : i32 to index
        %swap3A_409 = arith.constant 32 : index
        %swap3A_410 = tpu.vector_load %arg14[%swap3A_408, %swap3A_409] {strides = array<i32>} : memref<80x64xf32, #tpu.memory_space<vmem>>, vector<1x16xf32>,
        %swap3A_411 = vector.shape_cast %swap3A_410 : vector<1x16xf32> to vector<16xf32>
        %swap3A_412 = vector.shape_cast %mul3A_407 : vector<16xf32> to vector<1x16xf32>
        tpu.vector_store %arg14[%swap3A_408, %swap3A_409], %swap3A_412 {strides = array<i32>} : memref<80x64xf32, #tpu.memory_space<vmem>>, vector<1x16xf32>,
        %get3A_413 = arith.index_cast %add3A_378 : i32 to index
        %get3A_414 = arith.constant 48 : index
        %get3A_415 = tpu.vector_load %arg14[%get3A_413, %get3A_414] {strides = array<i32>} : memref<80x64xf32, #tpu.memory_space<vmem>>, vector<1x16xf32>,
        %get3A_416 = vector.shape_cast %get3A_415 : vector<1x16xf32> to vector<16xf32>
        %mul3A_417 = arith.mulf %get3A_416, %get3A_382 : vector<16xf32>
        %swap3A_418 = arith.index_cast %add3A_378 : i32 to index
        %swap3A_419 = arith.constant 48 : index
        %swap3A_420 = tpu.vector_load %arg14[%swap3A_418, %swap3A_419] {strides = array<i32>} : memref<80x64xf32, #tpu.memory_space<vmem>>, vector<1x16xf32>,
        %swap3A_421 = vector.shape_cast %swap3A_420 : vector<1x16xf32> to vector<16xf32>
        %swap3A_422 = vector.shape_cast %mul3A_417 : vector<16xf32> to vector<1x16xf32>
        tpu.vector_store %arg14[%swap3A_418, %swap3A_419], %swap3A_422 {strides = array<i32>} : memref<80x64xf32, #tpu.memory_space<vmem>>, vector<1x16xf32>,
        %mul3A_423 = arith.constant 8 : i32
        %mul3A_424 = arith.muli %scan3A_279, %mul3A_423 : i32
        %add3A_425 = arith.constant 3 : i32
        %add3A_426 = arith.addi %mul3A_424, %add3A_425 : i32
        %get3A_427 = arith.index_cast %scan3A_279 : i32 to index
        %get3A_428 = arith.constant 48 : index
        %get3A_429 = tpu.vector_load %arg12[%get3A_427, %get3A_428] {strides = array<i32>} : memref<10x128xf32, #tpu.memory_space<vmem>>, vector<1x16xf32>,
        %get3A_430 = vector.shape_cast %get3A_429 : vector<1x16xf32> to vector<16xf32>
        %get3A_431 = arith.index_cast %add3A_426 : i32 to index
        %get3A_432 = arith.constant 0 : index
        %get3A_433 = tpu.vector_load %arg14[%get3A_431, %get3A_432] {strides = array<i32>} : memref<80x64xf32, #tpu.memory_space<vmem>>, vector<1x16xf32>,
        %get3A_434 = vector.shape_cast %get3A_433 : vector<1x16xf32> to vector<16xf32>
        %mul3A_435 = arith.mulf %get3A_434, %get3A_430 : vector<16xf32>
        %swap3A_436 = arith.index_cast %add3A_426 : i32 to index
        %swap3A_437 = arith.constant 0 : index
        %swap3A_438 = tpu.vector_load %arg14[%swap3A_436, %swap3A_437] {strides = array<i32>} : memref<80x64xf32, #tpu.memory_space<vmem>>, vector<1x16xf32>,
        %swap3A_439 = vector.shape_cast %swap3A_438 : vector<1x16xf32> to vector<16xf32>
        %swap3A_440 = vector.shape_cast %mul3A_435 : vector<16xf32> to vector<1x16xf32>
        tpu.vector_store %arg14[%swap3A_436, %swap3A_437], %swap3A_440 {strides = array<i32>} : memref<80x64xf32, #tpu.memory_space<vmem>>, vector<1x16xf32>,
        %get3A_441 = arith.index_cast %add3A_426 : i32 to index
        %get3A_442 = arith.constant 16 : index
        %get3A_443 = tpu.vector_load %arg14[%get3A_441, %get3A_442] {strides = array<i32>} : memref<80x64xf32, #tpu.memory_space<vmem>>, vector<1x16xf32>,
        %get3A_444 = vector.shape_cast %get3A_443 : vector<1x16xf32> to vector<16xf32>
        %mul3A_445 = arith.mulf %get3A_444, %get3A_430 : vector<16xf32>
        %swap3A_446 = arith.index_cast %add3A_426 : i32 to index
        %swap3A_447 = arith.constant 16 : index
        %swap3A_448 = tpu.vector_load %arg14[%swap3A_446, %swap3A_447] {strides = array<i32>} : memref<80x64xf32, #tpu.memory_space<vmem>>, vector<1x16xf32>,
        %swap3A_449 = vector.shape_cast %swap3A_448 : vector<1x16xf32> to vector<16xf32>
        %swap3A_450 = vector.shape_cast %mul3A_445 : vector<16xf32> to vector<1x16xf32>
        tpu.vector_store %arg14[%swap3A_446, %swap3A_447], %swap3A_450 {strides = array<i32>} : memref<80x64xf32, #tpu.memory_space<vmem>>, vector<1x16xf32>,
        %get3A_451 = arith.index_cast %add3A_426 : i32 to index
        %get3A_452 = arith.constant 32 : index
        %get3A_453 = tpu.vector_load %arg14[%get3A_451, %get3A_452] {strides = array<i32>} : memref<80x64xf32, #tpu.memory_space<vmem>>, vector<1x16xf32>,
        %get3A_454 = vector.shape_cast %get3A_453 : vector<1x16xf32> to vector<16xf32>
        %mul3A_455 = arith.mulf %get3A_454, %get3A_430 : vector<16xf32>
        %swap3A_456 = arith.index_cast %add3A_426 : i32 to index
        %swap3A_457 = arith.constant 32 : index
        %swap3A_458 = tpu.vector_load %arg14[%swap3A_456, %swap3A_457] {strides = array<i32>} : memref<80x64xf32, #tpu.memory_space<vmem>>, vector<1x16xf32>,
        %swap3A_459 = vector.shape_cast %swap3A_458 : vector<1x16xf32> to vector<16xf32>
        %swap3A_460 = vector.shape_cast %mul3A_455 : vector<16xf32> to vector<1x16xf32>
        tpu.vector_store %arg14[%swap3A_456, %swap3A_457], %swap3A_460 {strides = array<i32>} : memref<80x64xf32, #tpu.memory_space<vmem>>, vector<1x16xf32>,
        %get3A_461 = arith.index_cast %add3A_426 : i32 to index
        %get3A_462 = arith.constant 48 : index
        %get3A_463 = tpu.vector_load %arg14[%get3A_461, %get3A_462] {strides = array<i32>} : memref<80x64xf32, #tpu.memory_space<vmem>>, vector<1x16xf32>,
        %get3A_464 = vector.shape_cast %get3A_463 : vector<1x16xf32> to vector<16xf32>
        %mul3A_465 = arith.mulf %get3A_464, %get3A_430 : vector<16xf32>
        %swap3A_466 = arith.index_cast %add3A_426 : i32 to index
        %swap3A_467 = arith.constant 48 : index
        %swap3A_468 = tpu.vector_load %arg14[%swap3A_466, %swap3A_467] {strides = array<i32>} : memref<80x64xf32, #tpu.memory_space<vmem>>, vector<1x16xf32>,
        %swap3A_469 = vector.shape_cast %swap3A_468 : vector<1x16xf32> to vector<16xf32>
        %swap3A_470 = vector.shape_cast %mul3A_465 : vector<16xf32> to vector<1x16xf32>
        tpu.vector_store %arg14[%swap3A_466, %swap3A_467], %swap3A_470 {strides = array<i32>} : memref<80x64xf32, #tpu.memory_space<vmem>>, vector<1x16xf32>,
        %mul3A_471 = arith.constant 8 : i32
        %mul3A_472 = arith.muli %scan3A_279, %mul3A_471 : i32
        %add3A_473 = arith.constant 4 : i32
        %add3A_474 = arith.addi %mul3A_472, %add3A_473 : i32
        %get3A_475 = arith.index_cast %scan3A_279 : i32 to index
        %get3A_476 = arith.constant 64 : index
        %get3A_477 = tpu.vector_load %arg12[%get3A_475, %get3A_476] {strides = array<i32>} : memref<10x128xf32, #tpu.memory_space<vmem>>, vector<1x16xf32>,
        %get3A_478 = vector.shape_cast %get3A_477 : vector<1x16xf32> to vector<16xf32>
        %get3A_479 = arith.index_cast %add3A_474 : i32 to index
        %get3A_480 = arith.constant 0 : index
        %get3A_481 = tpu.vector_load %arg14[%get3A_479, %get3A_480] {strides = array<i32>} : memref<80x64xf32, #tpu.memory_space<vmem>>, vector<1x16xf32>,
        %get3A_482 = vector.shape_cast %get3A_481 : vector<1x16xf32> to vector<16xf32>
        %mul3A_483 = arith.mulf %get3A_482, %get3A_478 : vector<16xf32>
        %swap3A_484 = arith.index_cast %add3A_474 : i32 to index
        %swap3A_485 = arith.constant 0 : index
        %swap3A_486 = tpu.vector_load %arg14[%swap3A_484, %swap3A_485] {strides = array<i32>} : memref<80x64xf32, #tpu.memory_space<vmem>>, vector<1x16xf32>,
        %swap3A_487 = vector.shape_cast %swap3A_486 : vector<1x16xf32> to vector<16xf32>
        %swap3A_488 = vector.shape_cast %mul3A_483 : vector<16xf32> to vector<1x16xf32>
        tpu.vector_store %arg14[%swap3A_484, %swap3A_485], %swap3A_488 {strides = array<i32>} : memref<80x64xf32, #tpu.memory_space<vmem>>, vector<1x16xf32>,
        %get3A_489 = arith.index_cast %add3A_474 : i32 to index
        %get3A_490 = arith.constant 16 : index
        %get3A_491 = tpu.vector_load %arg14[%get3A_489, %get3A_490] {strides = array<i32>} : memref<80x64xf32, #tpu.memory_space<vmem>>, vector<1x16xf32>,
        %get3A_492 = vector.shape_cast %get3A_491 : vector<1x16xf32> to vector<16xf32>
        %mul3A_493 = arith.mulf %get3A_492, %get3A_478 : vector<16xf32>
        %swap3A_494 = arith.index_cast %add3A_474 : i32 to index
        %swap3A_495 = arith.constant 16 : index
        %swap3A_496 = tpu.vector_load %arg14[%swap3A_494, %swap3A_495] {strides = array<i32>} : memref<80x64xf32, #tpu.memory_space<vmem>>, vector<1x16xf32>,
        %swap3A_497 = vector.shape_cast %swap3A_496 : vector<1x16xf32> to vector<16xf32>
        %swap3A_498 = vector.shape_cast %mul3A_493 : vector<16xf32> to vector<1x16xf32>
        tpu.vector_store %arg14[%swap3A_494, %swap3A_495], %swap3A_498 {strides = array<i32>} : memref<80x64xf32, #tpu.memory_space<vmem>>, vector<1x16xf32>,
        %get3A_499 = arith.index_cast %add3A_474 : i32 to index
        %get3A_500 = arith.constant 32 : index
        %get3A_501 = tpu.vector_load %arg14[%get3A_499, %get3A_500] {strides = array<i32>} : memref<80x64xf32, #tpu.memory_space<vmem>>, vector<1x16xf32>,
        %get3A_502 = vector.shape_cast %get3A_501 : vector<1x16xf32> to vector<16xf32>
        %mul3A_503 = arith.mulf %get3A_502, %get3A_478 : vector<16xf32>
        %swap3A_504 = arith.index_cast %add3A_474 : i32 to index
        %swap3A_505 = arith.constant 32 : index
        %swap3A_506 = tpu.vector_load %arg14[%swap3A_504, %swap3A_505] {strides = array<i32>} : memref<80x64xf32, #tpu.memory_space<vmem>>, vector<1x16xf32>,
        %swap3A_507 = vector.shape_cast %swap3A_506 : vector<1x16xf32> to vector<16xf32>
        %swap3A_508 = vector.shape_cast %mul3A_503 : vector<16xf32> to vector<1x16xf32>
        tpu.vector_store %arg14[%swap3A_504, %swap3A_505], %swap3A_508 {strides = array<i32>} : memref<80x64xf32, #tpu.memory_space<vmem>>, vector<1x16xf32>,
        %get3A_509 = arith.index_cast %add3A_474 : i32 to index
        %get3A_510 = arith.constant 48 : index
        %get3A_511 = tpu.vector_load %arg14[%get3A_509, %get3A_510] {strides = array<i32>} : memref<80x64xf32, #tpu.memory_space<vmem>>, vector<1x16xf32>,
        %get3A_512 = vector.shape_cast %get3A_511 : vector<1x16xf32> to vector<16xf32>
        %mul3A_513 = arith.mulf %get3A_512, %get3A_478 : vector<16xf32>
        %swap3A_514 = arith.index_cast %add3A_474 : i32 to index
        %swap3A_515 = arith.constant 48 : index
        %swap3A_516 = tpu.vector_load %arg14[%swap3A_514, %swap3A_515] {strides = array<i32>} : memref<80x64xf32, #tpu.memory_space<vmem>>, vector<1x16xf32>,
        %swap3A_517 = vector.shape_cast %swap3A_516 : vector<1x16xf32> to vector<16xf32>
        %swap3A_518 = vector.shape_cast %mul3A_513 : vector<16xf32> to vector<1x16xf32>
        tpu.vector_store %arg14[%swap3A_514, %swap3A_515], %swap3A_518 {strides = array<i32>} : memref<80x64xf32, #tpu.memory_space<vmem>>, vector<1x16xf32>,
        %mul3A_519 = arith.constant 8 : i32
        %mul3A_520 = arith.muli %scan3A_279, %mul3A_519 : i32
        %add3A_521 = arith.constant 5 : i32
        %add3A_522 = arith.addi %mul3A_520, %add3A_521 : i32
        %get3A_523 = arith.index_cast %scan3A_279 : i32 to index
        %get3A_524 = arith.constant 80 : index
        %get3A_525 = tpu.vector_load %arg12[%get3A_523, %get3A_524] {strides = array<i32>} : memref<10x128xf32, #tpu.memory_space<vmem>>, vector<1x16xf32>,
        %get3A_526 = vector.shape_cast %get3A_525 : vector<1x16xf32> to vector<16xf32>
        %get3A_527 = arith.index_cast %add3A_522 : i32 to index
        %get3A_528 = arith.constant 0 : index
        %get3A_529 = tpu.vector_load %arg14[%get3A_527, %get3A_528] {strides = array<i32>} : memref<80x64xf32, #tpu.memory_space<vmem>>, vector<1x16xf32>,
        %get3A_530 = vector.shape_cast %get3A_529 : vector<1x16xf32> to vector<16xf32>
        %mul3A_531 = arith.mulf %get3A_530, %get3A_526 : vector<16xf32>
        %swap3A_532 = arith.index_cast %add3A_522 : i32 to index
        %swap3A_533 = arith.constant 0 : index
        %swap3A_534 = tpu.vector_load %arg14[%swap3A_532, %swap3A_533] {strides = array<i32>} : memref<80x64xf32, #tpu.memory_space<vmem>>, vector<1x16xf32>,
        %swap3A_535 = vector.shape_cast %swap3A_534 : vector<1x16xf32> to vector<16xf32>
        %swap3A_536 = vector.shape_cast %mul3A_531 : vector<16xf32> to vector<1x16xf32>
        tpu.vector_store %arg14[%swap3A_532, %swap3A_533], %swap3A_536 {strides = array<i32>} : memref<80x64xf32, #tpu.memory_space<vmem>>, vector<1x16xf32>,
        %get3A_537 = arith.index_cast %add3A_522 : i32 to index
        %get3A_538 = arith.constant 16 : index
        %get3A_539 = tpu.vector_load %arg14[%get3A_537, %get3A_538] {strides = array<i32>} : memref<80x64xf32, #tpu.memory_space<vmem>>, vector<1x16xf32>,
        %get3A_540 = vector.shape_cast %get3A_539 : vector<1x16xf32> to vector<16xf32>
        %mul3A_541 = arith.mulf %get3A_540, %get3A_526 : vector<16xf32>
        %swap3A_542 = arith.index_cast %add3A_522 : i32 to index
        %swap3A_543 = arith.constant 16 : index
        %swap3A_544 = tpu.vector_load %arg14[%swap3A_542, %swap3A_543] {strides = array<i32>} : memref<80x64xf32, #tpu.memory_space<vmem>>, vector<1x16xf32>,
        %swap3A_545 = vector.shape_cast %swap3A_544 : vector<1x16xf32> to vector<16xf32>
        %swap3A_546 = vector.shape_cast %mul3A_541 : vector<16xf32> to vector<1x16xf32>
        tpu.vector_store %arg14[%swap3A_542, %swap3A_543], %swap3A_546 {strides = array<i32>} : memref<80x64xf32, #tpu.memory_space<vmem>>, vector<1x16xf32>,
        %get3A_547 = arith.index_cast %add3A_522 : i32 to index
        %get3A_548 = arith.constant 32 : index
        %get3A_549 = tpu.vector_load %arg14[%get3A_547, %get3A_548] {strides = array<i32>} : memref<80x64xf32, #tpu.memory_space<vmem>>, vector<1x16xf32>,
        %get3A_550 = vector.shape_cast %get3A_549 : vector<1x16xf32> to vector<16xf32>
        %mul3A_551 = arith.mulf %get3A_550, %get3A_526 : vector<16xf32>
        %swap3A_552 = arith.index_cast %add3A_522 : i32 to index
        %swap3A_553 = arith.constant 32 : index
        %swap3A_554 = tpu.vector_load %arg14[%swap3A_552, %swap3A_553] {strides = array<i32>} : memref<80x64xf32, #tpu.memory_space<vmem>>, vector<1x16xf32>,
        %swap3A_555 = vector.shape_cast %swap3A_554 : vector<1x16xf32> to vector<16xf32>
        %swap3A_556 = vector.shape_cast %mul3A_551 : vector<16xf32> to vector<1x16xf32>
        tpu.vector_store %arg14[%swap3A_552, %swap3A_553], %swap3A_556 {strides = array<i32>} : memref<80x64xf32, #tpu.memory_space<vmem>>, vector<1x16xf32>,
        %get3A_557 = arith.index_cast %add3A_522 : i32 to index
        %get3A_558 = arith.constant 48 : index
        %get3A_559 = tpu.vector_load %arg14[%get3A_557, %get3A_558] {strides = array<i32>} : memref<80x64xf32, #tpu.memory_space<vmem>>, vector<1x16xf32>,
        %get3A_560 = vector.shape_cast %get3A_559 : vector<1x16xf32> to vector<16xf32>
        %mul3A_561 = arith.mulf %get3A_560, %get3A_526 : vector<16xf32>
        %swap3A_562 = arith.index_cast %add3A_522 : i32 to index
        %swap3A_563 = arith.constant 48 : index
        %swap3A_564 = tpu.vector_load %arg14[%swap3A_562, %swap3A_563] {strides = array<i32>} : memref<80x64xf32, #tpu.memory_space<vmem>>, vector<1x16xf32>,
        %swap3A_565 = vector.shape_cast %swap3A_564 : vector<1x16xf32> to vector<16xf32>
        %swap3A_566 = vector.shape_cast %mul3A_561 : vector<16xf32> to vector<1x16xf32>
        tpu.vector_store %arg14[%swap3A_562, %swap3A_563], %swap3A_566 {strides = array<i32>} : memref<80x64xf32, #tpu.memory_space<vmem>>, vector<1x16xf32>,
        %mul3A_567 = arith.constant 8 : i32
        %mul3A_568 = arith.muli %scan3A_279, %mul3A_567 : i32
        %add3A_569 = arith.constant 6 : i32
        %add3A_570 = arith.addi %mul3A_568, %add3A_569 : i32
        %get3A_571 = arith.index_cast %scan3A_279 : i32 to index
        %get3A_572 = arith.constant 96 : index
        %get3A_573 = tpu.vector_load %arg12[%get3A_571, %get3A_572] {strides = array<i32>} : memref<10x128xf32, #tpu.memory_space<vmem>>, vector<1x16xf32>,
        %get3A_574 = vector.shape_cast %get3A_573 : vector<1x16xf32> to vector<16xf32>
        %get3A_575 = arith.index_cast %add3A_570 : i32 to index
        %get3A_576 = arith.constant 0 : index
        %get3A_577 = tpu.vector_load %arg14[%get3A_575, %get3A_576] {strides = array<i32>} : memref<80x64xf32, #tpu.memory_space<vmem>>, vector<1x16xf32>,
        %get3A_578 = vector.shape_cast %get3A_577 : vector<1x16xf32> to vector<16xf32>
        %mul3A_579 = arith.mulf %get3A_578, %get3A_574 : vector<16xf32>
        %swap3A_580 = arith.index_cast %add3A_570 : i32 to index
        %swap3A_581 = arith.constant 0 : index
        %swap3A_582 = tpu.vector_load %arg14[%swap3A_580, %swap3A_581] {strides = array<i32>} : memref<80x64xf32, #tpu.memory_space<vmem>>, vector<1x16xf32>,
        %swap3A_583 = vector.shape_cast %swap3A_582 : vector<1x16xf32> to vector<16xf32>
        %swap3A_584 = vector.shape_cast %mul3A_579 : vector<16xf32> to vector<1x16xf32>
        tpu.vector_store %arg14[%swap3A_580, %swap3A_581], %swap3A_584 {strides = array<i32>} : memref<80x64xf32, #tpu.memory_space<vmem>>, vector<1x16xf32>,
        %get3A_585 = arith.index_cast %add3A_570 : i32 to index
        %get3A_586 = arith.constant 16 : index
        %get3A_587 = tpu.vector_load %arg14[%get3A_585, %get3A_586] {strides = array<i32>} : memref<80x64xf32, #tpu.memory_space<vmem>>, vector<1x16xf32>,
        %get3A_588 = vector.shape_cast %get3A_587 : vector<1x16xf32> to vector<16xf32>
        %mul3A_589 = arith.mulf %get3A_588, %get3A_574 : vector<16xf32>
        %swap3A_590 = arith.index_cast %add3A_570 : i32 to index
        %swap3A_591 = arith.constant 16 : index
        %swap3A_592 = tpu.vector_load %arg14[%swap3A_590, %swap3A_591] {strides = array<i32>} : memref<80x64xf32, #tpu.memory_space<vmem>>, vector<1x16xf32>,
        %swap3A_593 = vector.shape_cast %swap3A_592 : vector<1x16xf32> to vector<16xf32>
        %swap3A_594 = vector.shape_cast %mul3A_589 : vector<16xf32> to vector<1x16xf32>
        tpu.vector_store %arg14[%swap3A_590, %swap3A_591], %swap3A_594 {strides = array<i32>} : memref<80x64xf32, #tpu.memory_space<vmem>>, vector<1x16xf32>,
        %get3A_595 = arith.index_cast %add3A_570 : i32 to index
        %get3A_596 = arith.constant 32 : index
        %get3A_597 = tpu.vector_load %arg14[%get3A_595, %get3A_596] {strides = array<i32>} : memref<80x64xf32, #tpu.memory_space<vmem>>, vector<1x16xf32>,
        %get3A_598 = vector.shape_cast %get3A_597 : vector<1x16xf32> to vector<16xf32>
        %mul3A_599 = arith.mulf %get3A_598, %get3A_574 : vector<16xf32>
        %swap3A_600 = arith.index_cast %add3A_570 : i32 to index
        %swap3A_601 = arith.constant 32 : index
        %swap3A_602 = tpu.vector_load %arg14[%swap3A_600, %swap3A_601] {strides = array<i32>} : memref<80x64xf32, #tpu.memory_space<vmem>>, vector<1x16xf32>,
        %swap3A_603 = vector.shape_cast %swap3A_602 : vector<1x16xf32> to vector<16xf32>
        %swap3A_604 = vector.shape_cast %mul3A_599 : vector<16xf32> to vector<1x16xf32>
        tpu.vector_store %arg14[%swap3A_600, %swap3A_601], %swap3A_604 {strides = array<i32>} : memref<80x64xf32, #tpu.memory_space<vmem>>, vector<1x16xf32>,
        %get3A_605 = arith.index_cast %add3A_570 : i32 to index
        %get3A_606 = arith.constant 48 : index
        %get3A_607 = tpu.vector_load %arg14[%get3A_605, %get3A_606] {strides = array<i32>} : memref<80x64xf32, #tpu.memory_space<vmem>>, vector<1x16xf32>,
        %get3A_608 = vector.shape_cast %get3A_607 : vector<1x16xf32> to vector<16xf32>
        %mul3A_609 = arith.mulf %get3A_608, %get3A_574 : vector<16xf32>
        %swap3A_610 = arith.index_cast %add3A_570 : i32 to index
        %swap3A_611 = arith.constant 48 : index
        %swap3A_612 = tpu.vector_load %arg14[%swap3A_610, %swap3A_611] {strides = array<i32>} : memref<80x64xf32, #tpu.memory_space<vmem>>, vector<1x16xf32>,
        %swap3A_613 = vector.shape_cast %swap3A_612 : vector<1x16xf32> to vector<16xf32>
        %swap3A_614 = vector.shape_cast %mul3A_609 : vector<16xf32> to vector<1x16xf32>
        tpu.vector_store %arg14[%swap3A_610, %swap3A_611], %swap3A_614 {strides = array<i32>} : memref<80x64xf32, #tpu.memory_space<vmem>>, vector<1x16xf32>,
        %mul3A_615 = arith.constant 8 : i32
        %mul3A_616 = arith.muli %scan3A_279, %mul3A_615 : i32
        %add3A_617 = arith.constant 7 : i32
        %add3A_618 = arith.addi %mul3A_616, %add3A_617 : i32
        %get3A_619 = arith.index_cast %scan3A_279 : i32 to index
        %get3A_620 = arith.constant 112 : index
        %get3A_621 = tpu.vector_load %arg12[%get3A_619, %get3A_620] {strides = array<i32>} : memref<10x128xf32, #tpu.memory_space<vmem>>, vector<1x16xf32>,
        %get3A_622 = vector.shape_cast %get3A_621 : vector<1x16xf32> to vector<16xf32>
        %get3A_623 = arith.index_cast %add3A_618 : i32 to index
        %get3A_624 = arith.constant 0 : index
        %get3A_625 = tpu.vector_load %arg14[%get3A_623, %get3A_624] {strides = array<i32>} : memref<80x64xf32, #tpu.memory_space<vmem>>, vector<1x16xf32>,
        %get3A_626 = vector.shape_cast %get3A_625 : vector<1x16xf32> to vector<16xf32>
        %mul3A_627 = arith.mulf %get3A_626, %get3A_622 : vector<16xf32>
        %swap3A_628 = arith.index_cast %add3A_618 : i32 to index
        %swap3A_629 = arith.constant 0 : index
        %swap3A_630 = tpu.vector_load %arg14[%swap3A_628, %swap3A_629] {strides = array<i32>} : memref<80x64xf32, #tpu.memory_space<vmem>>, vector<1x16xf32>,
        %swap3A_631 = vector.shape_cast %swap3A_630 : vector<1x16xf32> to vector<16xf32>
        %swap3A_632 = vector.shape_cast %mul3A_627 : vector<16xf32> to vector<1x16xf32>
        tpu.vector_store %arg14[%swap3A_628, %swap3A_629], %swap3A_632 {strides = array<i32>} : memref<80x64xf32, #tpu.memory_space<vmem>>, vector<1x16xf32>,
        %get3A_633 = arith.index_cast %add3A_618 : i32 to index
        %get3A_634 = arith.constant 16 : index
        %get3A_635 = tpu.vector_load %arg14[%get3A_633, %get3A_634] {strides = array<i32>} : memref<80x64xf32, #tpu.memory_space<vmem>>, vector<1x16xf32>,
        %get3A_636 = vector.shape_cast %get3A_635 : vector<1x16xf32> to vector<16xf32>
        %mul3A_637 = arith.mulf %get3A_636, %get3A_622 : vector<16xf32>
        %swap3A_638 = arith.index_cast %add3A_618 : i32 to index
        %swap3A_639 = arith.constant 16 : index
        %swap3A_640 = tpu.vector_load %arg14[%swap3A_638, %swap3A_639] {strides = array<i32>} : memref<80x64xf32, #tpu.memory_space<vmem>>, vector<1x16xf32>,
        %swap3A_641 = vector.shape_cast %swap3A_640 : vector<1x16xf32> to vector<16xf32>
        %swap3A_642 = vector.shape_cast %mul3A_637 : vector<16xf32> to vector<1x16xf32>
        tpu.vector_store %arg14[%swap3A_638, %swap3A_639], %swap3A_642 {strides = array<i32>} : memref<80x64xf32, #tpu.memory_space<vmem>>, vector<1x16xf32>,
        %get3A_643 = arith.index_cast %add3A_618 : i32 to index
        %get3A_644 = arith.constant 32 : index
        %get3A_645 = tpu.vector_load %arg14[%get3A_643, %get3A_644] {strides = array<i32>} : memref<80x64xf32, #tpu.memory_space<vmem>>, vector<1x16xf32>,
        %get3A_646 = vector.shape_cast %get3A_645 : vector<1x16xf32> to vector<16xf32>
        %mul3A_647 = arith.mulf %get3A_646, %get3A_622 : vector<16xf32>
        %swap3A_648 = arith.index_cast %add3A_618 : i32 to index
        %swap3A_649 = arith.constant 32 : index
        %swap3A_650 = tpu.vector_load %arg14[%swap3A_648, %swap3A_649] {strides = array<i32>} : memref<80x64xf32, #tpu.memory_space<vmem>>, vector<1x16xf32>,
        %swap3A_651 = vector.shape_cast %swap3A_650 : vector<1x16xf32> to vector<16xf32>
        %swap3A_652 = vector.shape_cast %mul3A_647 : vector<16xf32> to vector<1x16xf32>
        tpu.vector_store %arg14[%swap3A_648, %swap3A_649], %swap3A_652 {strides = array<i32>} : memref<80x64xf32, #tpu.memory_space<vmem>>, vector<1x16xf32>,
        %get3A_653 = arith.index_cast %add3A_618 : i32 to index
        %get3A_654 = arith.constant 48 : index
        %get3A_655 = tpu.vector_load %arg14[%get3A_653, %get3A_654] {strides = array<i32>} : memref<80x64xf32, #tpu.memory_space<vmem>>, vector<1x16xf32>,
        %get3A_656 = vector.shape_cast %get3A_655 : vector<1x16xf32> to vector<16xf32>
        %mul3A_657 = arith.mulf %get3A_656, %get3A_622 : vector<16xf32>
        %swap3A_658 = arith.index_cast %add3A_618 : i32 to index
        %swap3A_659 = arith.constant 48 : index
        %swap3A_660 = tpu.vector_load %arg14[%swap3A_658, %swap3A_659] {strides = array<i32>} : memref<80x64xf32, #tpu.memory_space<vmem>>, vector<1x16xf32>,
        %swap3A_661 = vector.shape_cast %swap3A_660 : vector<1x16xf32> to vector<16xf32>
        %swap3A_662 = vector.shape_cast %mul3A_657 : vector<16xf32> to vector<1x16xf32>
        tpu.vector_store %arg14[%swap3A_658, %swap3A_659], %swap3A_662 {strides = array<i32>} : memref<80x64xf32, #tpu.memory_space<vmem>>, vector<1x16xf32>,
        %scan3A_663 = arith.constant 0 : i32
        scf.yield %scan3A_663 : i32
      }
      %scan3A_267 = arith.constant 10 : i32
      %lt3A_268 = arith.constant 91 : i32
      %lt3A_269 = arith.cmpi slt, %scan3A_174, %lt3A_268 : i32
      %convert_element_type3A_270 = arith.extui %lt3A_269 : i1 to i32
      %cond3A_271 = arith.constant 0 : i32
      %cond3A_272 = arith.cmpi ne, %convert_element_type3A_270, %cond3A_271 : i32
      scf.if %cond3A_272 {
        %add3A_279 = arith.constant 2 : i32
        %add3A_280 = arith.addi %mul3A_177, %add3A_279 : i32
        %mul3A_281 = arith.constant 14720 : i32
        %mul3A_282 = arith.muli %add3A, %mul3A_281 : i32
        %mul3A_283 = arith.constant 80 : i32
        %mul3A_284 = arith.muli %add3A_280, %mul3A_283 : i32
        %add3A_285 = arith.addi %mul3A_282, %mul3A_284 : i32
        %dma_wait3A_286 = arith.constant 0 : i32
        %dma_wait3A_287 = tpu.memref_slice %arg3[%dma_wait3A_286, %add3A_285] : memref<2x471040xi32, #tpu.memory_space<hbm>> -> memref<1x80xi32, #tpu.memory_space<hbm>>
        %dma_wait3A_288 = tpu.memref_squeeze %dma_wait3A_287 : memref<1x80xi32, #tpu.memory_space<hbm>> -> memref<80xi32, #tpu.memory_space<hbm>>
        %dma_wait3A_289 = tpu.memref_slice %arg3[%dma_wait3A_286, %add3A_285] : memref<2x471040xi32, #tpu.memory_space<hbm>> -> memref<1x80xi32, #tpu.memory_space<hbm>>
        %dma_wait3A_290 = tpu.memref_squeeze %dma_wait3A_289 : memref<1x80xi32, #tpu.memory_space<hbm>> -> memref<80xi32, #tpu.memory_space<hbm>>
        tpu.wait_dma2 semaphore(%arg15 : memref<!tpu.dma_semaphore, #tpu.memory_space<semaphore_mem>>) src(%dma_wait3A_290 : memref<80xi32, #tpu.memory_space<hbm>>) dst(%arg7 : memref<80xi32, #tpu.memory_space<vmem>>)
        %mul3A_291 = arith.constant 14720 : i32
        %mul3A_292 = arith.muli %add3A, %mul3A_291 : i32
        %mul3A_293 = arith.constant 80 : i32
        %mul3A_294 = arith.muli %add3A_280, %mul3A_293 : i32
        %add3A_295 = arith.addi %mul3A_292, %mul3A_294 : i32
        %dma_wait3A_296 = arith.constant 1 : i32
        %dma_wait3A_297 = tpu.memref_slice %arg3[%dma_wait3A_296, %add3A_295] : memref<2x471040xi32, #tpu.memory_space<hbm>> -> memref<1x80xi32, #tpu.memory_space<hbm>>
        %dma_wait3A_298 = tpu.memref_squeeze %dma_wait3A_297 : memref<1x80xi32, #tpu.memory_space<hbm>> -> memref<80xi32, #tpu.memory_space<hbm>>
        %dma_wait3A_299 = tpu.memref_slice %arg3[%dma_wait3A_296, %add3A_295] : memref<2x471040xi32, #tpu.memory_space<hbm>> -> memref<1x80xi32, #tpu.memory_space<hbm>>
        %dma_wait3A_300 = tpu.memref_squeeze %dma_wait3A_299 : memref<1x80xi32, #tpu.memory_space<hbm>> -> memref<80xi32, #tpu.memory_space<hbm>>
        tpu.wait_dma2 semaphore(%arg15 : memref<!tpu.dma_semaphore, #tpu.memory_space<semaphore_mem>>) src(%dma_wait3A_300 : memref<80xi32, #tpu.memory_space<hbm>>) dst(%arg9 : memref<80xi32, #tpu.memory_space<vmem>>)
        %mul3A_301 = arith.constant 14720 : i32
        %mul3A_302 = arith.muli %add3A, %mul3A_301 : i32
        %mul3A_303 = arith.constant 80 : i32
        %mul3A_304 = arith.muli %add3A_280, %mul3A_303 : i32
        %add3A_305 = arith.addi %mul3A_302, %mul3A_304 : i32
        %jit3A_306 = arith.constant 8 : i32
        %div3A_307 = arith.divsi %add3A_305, %jit3A_306 : i32
        %sign3A_308 = arith.constant 0 : i32
        %sign3A_309 = arith.cmpi sgt, %add3A_305, %sign3A_308 : i32
        %sign3A_310 = arith.extui %sign3A_309 : i1 to i32
        %sign3A_311 = arith.constant 0 : i32
        %sign3A_312 = arith.cmpi slt, %add3A_305, %sign3A_311 : i32
        %sign3A_313 = arith.extui %sign3A_312 : i1 to i32
        %sign3A_314 = arith.subi %sign3A_310, %sign3A_313 : i32
        %sign3A_315 = arith.constant 0 : i32
        %sign3A_316 = arith.cmpi sgt, %jit3A_306, %sign3A_315 : i32
        %sign3A_317 = arith.extui %sign3A_316 : i1 to i32
        %sign3A_318 = arith.constant 0 : i32
        %sign3A_319 = arith.cmpi slt, %jit3A_306, %sign3A_318 : i32
        %sign3A_320 = arith.extui %sign3A_319 : i1 to i32
        %sign3A_321 = arith.subi %sign3A_317, %sign3A_320 : i32
        %ne3A_322 = arith.cmpi ne, %sign3A_314, %sign3A_321 : i32
        %rem3A_323 = arith.remsi %add3A_305, %jit3A_306 : i32
        %ne3A_324 = arith.constant 0 : i32
        %ne3A_325 = arith.cmpi ne, %rem3A_323, %ne3A_324 : i32
        %and3A_326 = arith.andi %ne3A_322, %ne3A_325 : i1
        %sub3A_327 = arith.constant 1 : i32
        %sub3A_328 = arith.subi %div3A_307, %sub3A_327 : i32
        %select_n3A_329 = arith.select %and3A_326, %sub3A_328, %div3A_307 : i32
        %dma_wait3A_330 = arith.constant 0 : i32
        %dma_wait3A_331 = tpu.memref_slice %arg4[%select_n3A_329, %dma_wait3A_330] : memref<58880x128xf32, #tpu.memory_space<hbm>> -> memref<10x128xf32, #tpu.memory_space<hbm>>
        %dma_wait3A_332 = arith.constant 0 : i32
        %dma_wait3A_333 = tpu.memref_slice %arg4[%select_n3A_329, %dma_wait3A_332] : memref<58880x128xf32, #tpu.memory_space<hbm>> -> memref<10x128xf32, #tpu.memory_space<hbm>>
        tpu.wait_dma2 semaphore(%arg15 : memref<!tpu.dma_semaphore, #tpu.memory_space<semaphore_mem>>) src(%dma_wait3A_333 : memref<10x128xf32, #tpu.memory_space<hbm>>) dst(%arg11 : memref<10x128xf32, #tpu.memory_space<vmem>>)
        %dma_start3A_334 = arith.constant 0 : i32
        %dma_start3A_335 = arith.constant 0 : i32
        %dma_start3A_336 = tpu.memref_slice %arg2[%dma_start3A_334, %dma_start3A_335] : memref<29440x64xf32, #tpu.memory_space<hbm>> -> memref<29440x64xf32, #tpu.memory_space<hbm>>
        tpu.enqueue_indirect_dma source(%dma_start3A_336 : memref<29440x64xf32, #tpu.memory_space<hbm>>) target(%arg13 : memref<80x64xf32, #tpu.memory_space<vmem>>) offsets(%arg7 : memref<80xi32, #tpu.memory_space<vmem>>) semaphore(%arg17 : memref<!tpu.dma_semaphore, #tpu.memory_space<semaphore_mem>>)
      } else {
      }
      "tpu.region"() ({
        %run_scoped3A = tpu.sem_alloc : memref<!tpu.dma_semaphore, #tpu.memory_space<semaphore_mem>>
        %dma_start3A_279 = arith.constant 0 : i32
        %dma_start3A_280 = arith.constant 0 : i32
        %dma_start3A_281 = tpu.memref_slice %arg6[%dma_start3A_279, %dma_start3A_280] : memref<29440x64xf32, #tpu.memory_space<vmem_shared>> -> memref<29440x64xf32, #tpu.memory_space<vmem_shared>>
        tpu.enqueue_indirect_dma source(%arg14 : memref<80x64xf32, #tpu.memory_space<vmem>>) target(%dma_start3A_281 : memref<29440x64xf32, #tpu.memory_space<vmem_shared>>) offsets(%arg10 : memref<80xi32, #tpu.memory_space<vmem>>) semaphore(%run_scoped3A : memref<!tpu.dma_semaphore, #tpu.memory_space<semaphore_mem>>) {add = true}
        %dma_wait3A_282 = arith.constant 0 : i32
        %dma_wait3A_283 = arith.constant 0 : i32
        %dma_wait3A_284 = tpu.memref_slice %arg6[%dma_wait3A_282, %dma_wait3A_283] : memref<29440x64xf32, #tpu.memory_space<vmem_shared>> -> memref<29440x64xf32, #tpu.memory_space<vmem_shared>>
        tpu.wait_indirect_dma semaphore(%run_scoped3A : memref<!tpu.dma_semaphore, #tpu.memory_space<semaphore_mem>>) src(%arg14 : memref<80x64xf32, #tpu.memory_space<vmem>>) dst(%dma_wait3A_284 : memref<29440x64xf32, #tpu.memory_space<vmem_shared>>)
        tpu.yield
      }) : () -> ()
      %lt3A_273 = arith.constant 91 : i32
      %lt3A_274 = arith.cmpi slt, %scan3A_174, %lt3A_273 : i32
      %convert_element_type3A_275 = arith.extui %lt3A_274 : i1 to i32
      %cond3A_276 = arith.constant 0 : i32
      %cond3A_277 = arith.cmpi ne, %convert_element_type3A_275, %cond3A_276 : i32
      scf.if %cond3A_277 {
        %mul3A_279 = arith.constant 14720 : i32
        %mul3A_280 = arith.muli %add3A, %mul3A_279 : i32
        %add3A_281 = arith.constant 3 : i32
        %add3A_282 = arith.addi %mul3A_177, %add3A_281 : i32
        %mul3A_283 = arith.constant 80 : i32
        %mul3A_284 = arith.muli %add3A_282, %mul3A_283 : i32
        %add3A_285 = arith.addi %mul3A_280, %mul3A_284 : i32
        %dma_start3A_286 = arith.constant 1 : i32
        %dma_start3A_287 = tpu.memref_slice %arg3[%dma_start3A_286, %add3A_285] : memref<2x471040xi32, #tpu.memory_space<hbm>> -> memref<1x80xi32, #tpu.memory_space<hbm>>
        %dma_start3A_288 = tpu.memref_squeeze %dma_start3A_287 : memref<1x80xi32, #tpu.memory_space<hbm>> -> memref<80xi32, #tpu.memory_space<hbm>>
        %dma_start3A_289 = tpu.memref_slice %arg3[%dma_start3A_286, %add3A_285] : memref<2x471040xi32, #tpu.memory_space<hbm>> -> memref<1x80xi32, #tpu.memory_space<hbm>>
        %dma_start3A_290 = tpu.memref_squeeze %dma_start3A_289 : memref<1x80xi32, #tpu.memory_space<hbm>> -> memref<80xi32, #tpu.memory_space<hbm>>
        tpu.enqueue_dma source(%dma_start3A_290 : memref<80xi32, #tpu.memory_space<hbm>>) target(%arg10 : memref<80xi32, #tpu.memory_space<vmem>>) target_semaphore(%arg16 : memref<!tpu.dma_semaphore, #tpu.memory_space<semaphore_mem>>)
        %mul3A_291 = arith.constant 14720 : i32
        %mul3A_292 = arith.muli %add3A, %mul3A_291 : i32
        %add3A_293 = arith.constant 3 : i32
        %add3A_294 = arith.addi %mul3A_177, %add3A_293 : i32
        %mul3A_295 = arith.constant 80 : i32
        %mul3A_296 = arith.muli %add3A_294, %mul3A_295 : i32
        %add3A_297 = arith.addi %mul3A_292, %mul3A_296 : i32
        %jit3A_298 = arith.constant 8 : i32
        %div3A_299 = arith.divsi %add3A_297, %jit3A_298 : i32
        %sign3A_300 = arith.constant 0 : i32
        %sign3A_301 = arith.cmpi sgt, %add3A_297, %sign3A_300 : i32
        %sign3A_302 = arith.extui %sign3A_301 : i1 to i32
        %sign3A_303 = arith.constant 0 : i32
        %sign3A_304 = arith.cmpi slt, %add3A_297, %sign3A_303 : i32
        %sign3A_305 = arith.extui %sign3A_304 : i1 to i32
        %sign3A_306 = arith.subi %sign3A_302, %sign3A_305 : i32
        %sign3A_307 = arith.constant 0 : i32
        %sign3A_308 = arith.cmpi sgt, %jit3A_298, %sign3A_307 : i32
        %sign3A_309 = arith.extui %sign3A_308 : i1 to i32
        %sign3A_310 = arith.constant 0 : i32
        %sign3A_311 = arith.cmpi slt, %jit3A_298, %sign3A_310 : i32
        %sign3A_312 = arith.extui %sign3A_311 : i1 to i32
        %sign3A_313 = arith.subi %sign3A_309, %sign3A_312 : i32
        %ne3A_314 = arith.cmpi ne, %sign3A_306, %sign3A_313 : i32
        %rem3A_315 = arith.remsi %add3A_297, %jit3A_298 : i32
        %ne3A_316 = arith.constant 0 : i32
        %ne3A_317 = arith.cmpi ne, %rem3A_315, %ne3A_316 : i32
        %and3A_318 = arith.andi %ne3A_314, %ne3A_317 : i1
        %sub3A_319 = arith.constant 1 : i32
        %sub3A_320 = arith.subi %div3A_299, %sub3A_319 : i32
        %select_n3A_321 = arith.select %and3A_318, %sub3A_320, %div3A_299 : i32
        %dma_start3A_322 = arith.constant 0 : i32
        %dma_start3A_323 = tpu.memref_slice %arg4[%select_n3A_321, %dma_start3A_322] : memref<58880x128xf32, #tpu.memory_space<hbm>> -> memref<10x128xf32, #tpu.memory_space<hbm>>
        %dma_start3A_324 = arith.constant 0 : i32
        %dma_start3A_325 = tpu.memref_slice %arg4[%select_n3A_321, %dma_start3A_324] : memref<58880x128xf32, #tpu.memory_space<hbm>> -> memref<10x128xf32, #tpu.memory_space<hbm>>
        tpu.enqueue_dma source(%dma_start3A_325 : memref<10x128xf32, #tpu.memory_space<hbm>>) target(%arg12 : memref<10x128xf32, #tpu.memory_space<vmem>>) target_semaphore(%arg16 : memref<!tpu.dma_semaphore, #tpu.memory_space<semaphore_mem>>)
      } else {
      }
      %scan3A_278 = arith.constant 0 : i32
      scf.yield %scan3A_278 : i32
    }
    %scan3A_165 = arith.constant 92 : i32
    %barrier3A_166 = arith.constant 0 : index
    tpu.barrier barrier_id(%barrier3A_166)
    %scan3A_167 = arith.constant 0 : i32
    %scan3A_168 = arith.constant 0 : i32
    %scan3A_169 = arith.constant 23 : i32
    %scan3A_170 = arith.addi %scan3A_168, %scan3A_169 : i32
    %scan3A_171 = arith.constant 1 : i32
    %scan3A_172 = scf.for %scan3A_174 = %scan3A_168 to %scan3A_170 step %scan3A_171 iter_args(%scan3A_175 = %scan3A_167) -> (i32)  : i32 {
      %mul3A_176 = arith.constant 80 : i32
      %mul3A_177 = arith.muli %scan3A_174, %mul3A_176 : i32
      %add3A_178 = arith.addi %mul3A_2, %mul3A_177 : i32
      "tpu.region"() ({
        %run_scoped3A = tpu.sem_alloc : memref<!tpu.dma_semaphore, #tpu.memory_space<semaphore_mem>>
        %dma_start3A_183 = arith.constant 0 : i32
        %dma_start3A_184 = tpu.memref_slice %arg6[%add3A_178, %dma_start3A_183] : memref<29440x64xf32, #tpu.memory_space<vmem_shared>> -> memref<80x64xf32, #tpu.memory_space<vmem_shared>>
        %dma_start3A_185 = arith.constant 0 : i32
        %dma_start3A_186 = tpu.memref_slice %arg6[%add3A_178, %dma_start3A_185] : memref<29440x64xf32, #tpu.memory_space<vmem_shared>> -> memref<80x64xf32, #tpu.memory_space<vmem_shared>>
        tpu.enqueue_dma source(%dma_start3A_186 : memref<80x64xf32, #tpu.memory_space<vmem_shared>>) target(%arg13 : memref<80x64xf32, #tpu.memory_space<vmem>>) target_semaphore(%run_scoped3A : memref<!tpu.dma_semaphore, #tpu.memory_space<semaphore_mem>>)
        %dma_wait3A_187 = arith.constant 0 : i32
        %dma_wait3A_188 = tpu.memref_slice %arg6[%add3A_178, %dma_wait3A_187] : memref<29440x64xf32, #tpu.memory_space<vmem_shared>> -> memref<80x64xf32, #tpu.memory_space<vmem_shared>>
        %dma_wait3A_189 = arith.constant 0 : i32
        %dma_wait3A_190 = tpu.memref_slice %arg6[%add3A_178, %dma_wait3A_189] : memref<29440x64xf32, #tpu.memory_space<vmem_shared>> -> memref<80x64xf32, #tpu.memory_space<vmem_shared>>
        tpu.wait_dma2 semaphore(%run_scoped3A : memref<!tpu.dma_semaphore, #tpu.memory_space<semaphore_mem>>) src(%dma_wait3A_190 : memref<80x64xf32, #tpu.memory_space<vmem_shared>>) dst(%arg13 : memref<80x64xf32, #tpu.memory_space<vmem>>)
        tpu.yield
      }) : () -> ()
      %mul3A_179 = arith.constant 80 : i32
      %mul3A_180 = arith.muli %scan3A_174, %mul3A_179 : i32
      %add3A_181 = arith.addi %mul3A_2, %mul3A_180 : i32
      "tpu.region"() ({
        %run_scoped3A = tpu.sem_alloc : memref<!tpu.dma_semaphore, #tpu.memory_space<semaphore_mem>>
        %dma_start3A_183 = arith.constant 0 : i32
        %dma_start3A_184 = tpu.memref_slice %arg5[%arg0, %add3A_181, %dma_start3A_183] : memref<2x29440x64xf32, #tpu.memory_space<hbm>> -> memref<1x80x64xf32, #tpu.memory_space<hbm>>
        %dma_start3A_185 = tpu.memref_squeeze %dma_start3A_184 : memref<1x80x64xf32, #tpu.memory_space<hbm>> -> memref<80x64xf32, #tpu.memory_space<hbm>>
        %dma_start3A_186 = arith.constant 0 : i32
        %dma_start3A_187 = tpu.memref_slice %arg5[%arg0, %add3A_181, %dma_start3A_186] : memref<2x29440x64xf32, #tpu.memory_space<hbm>> -> memref<1x80x64xf32, #tpu.memory_space<hbm>>
        %dma_start3A_188 = tpu.memref_squeeze %dma_start3A_187 : memref<1x80x64xf32, #tpu.memory_space<hbm>> -> memref<80x64xf32, #tpu.memory_space<hbm>>
        tpu.enqueue_dma source(%arg13 : memref<80x64xf32, #tpu.memory_space<vmem>>) target(%dma_start3A_188 : memref<80x64xf32, #tpu.memory_space<hbm>>) target_semaphore(%run_scoped3A : memref<!tpu.dma_semaphore, #tpu.memory_space<semaphore_mem>>)
        %dma_wait3A_189 = arith.constant 0 : i32
        %dma_wait3A_190 = tpu.memref_slice %arg5[%arg0, %add3A_181, %dma_wait3A_189] : memref<2x29440x64xf32, #tpu.memory_space<hbm>> -> memref<1x80x64xf32, #tpu.memory_space<hbm>>
        %dma_wait3A_191 = tpu.memref_squeeze %dma_wait3A_190 : memref<1x80x64xf32, #tpu.memory_space<hbm>> -> memref<80x64xf32, #tpu.memory_space<hbm>>
        %dma_wait3A_192 = arith.constant 0 : i32
        %dma_wait3A_193 = tpu.memref_slice %arg5[%arg0, %add3A_181, %dma_wait3A_192] : memref<2x29440x64xf32, #tpu.memory_space<hbm>> -> memref<1x80x64xf32, #tpu.memory_space<hbm>>
        %dma_wait3A_194 = tpu.memref_squeeze %dma_wait3A_193 : memref<1x80x64xf32, #tpu.memory_space<hbm>> -> memref<80x64xf32, #tpu.memory_space<hbm>>
        tpu.wait_dma2 semaphore(%run_scoped3A : memref<!tpu.dma_semaphore, #tpu.memory_space<semaphore_mem>>) src(%arg13 : memref<80x64xf32, #tpu.memory_space<vmem>>) dst(%dma_wait3A_194 : memref<80x64xf32, #tpu.memory_space<hbm>>)
        tpu.yield
      }) : () -> ()
      %scan3A_182 = arith.constant 0 : i32
      scf.yield %scan3A_182 : i32
    }
    %scan3A_173 = arith.constant 23 : i32
    return
  }
}

#map = affine_map<(d0, d1) -> (0, 0, 0)>
#map1 = affine_map<(d0, d1) -> (0)>
module attributes {stable_mosaic.version = 14 : i64} {
  func.func @_k1_deg(%arg0: i32, %arg1: i32, %arg2: memref<32x115x128xi32, #tpu.memory_space<hbm>>, %arg3: memref<32x115x128xf32, #tpu.memory_space<hbm>>, %arg4: memref<58880xf32, #tpu.memory_space<hbm>>, %arg5: memref<29440xf32, #tpu.memory_space<vmem_shared>>, %arg6: memref<115x128xi32, #tpu.memory_space<vmem>>, %arg7: memref<115x128xf32, #tpu.memory_space<vmem>>, %arg8: memref<1840xf32, #tpu.memory_space<vmem>>) attributes {dimension_semantics = [#tpu.dimension_semantics<core_parallel>, #tpu.dimension_semantics<subcore_parallel>], iteration_bounds = array<i64: 2, 16>, scalar_prefetch = 0 : i64, scratch_operands = 4 : i64, tpu.core_type = #tpu.core_type<sc_vector_subcore>, window_params = [{transform_indices = #map}, {transform_indices = #map}, {transform_indices = #map1}]} {
    %mul3A = arith.constant 2 : i32
    %mul3A_0 = arith.muli %arg1, %mul3A : i32
    %add3A = arith.addi %mul3A_0, %arg0 : i32
    "tpu.region"() ({
      %run_scoped3A = tpu.sem_alloc : memref<!tpu.dma_semaphore, #tpu.memory_space<semaphore_mem>>
      %dma_start3A = arith.constant 0 : i32
      %dma_start3A_24 = arith.constant 0 : i32
      %dma_start3A_25 = tpu.memref_slice %arg2[%add3A, %dma_start3A, %dma_start3A_24] : memref<32x115x128xi32, #tpu.memory_space<hbm>> -> memref<1x115x128xi32, #tpu.memory_space<hbm>>
      %dma_start3A_26 = tpu.memref_squeeze %dma_start3A_25 : memref<1x115x128xi32, #tpu.memory_space<hbm>> -> memref<115x128xi32, #tpu.memory_space<hbm>>
      %dma_start3A_27 = arith.constant 0 : i32
      %dma_start3A_28 = arith.constant 0 : i32
      %dma_start3A_29 = tpu.memref_slice %arg2[%add3A, %dma_start3A_27, %dma_start3A_28] : memref<32x115x128xi32, #tpu.memory_space<hbm>> -> memref<1x115x128xi32, #tpu.memory_space<hbm>>
      %dma_start3A_30 = tpu.memref_squeeze %dma_start3A_29 : memref<1x115x128xi32, #tpu.memory_space<hbm>> -> memref<115x128xi32, #tpu.memory_space<hbm>>
      tpu.enqueue_dma source(%dma_start3A_30 : memref<115x128xi32, #tpu.memory_space<hbm>>) target(%arg6 : memref<115x128xi32, #tpu.memory_space<vmem>>) target_semaphore(%run_scoped3A : memref<!tpu.dma_semaphore, #tpu.memory_space<semaphore_mem>>)
      %dma_wait3A = arith.constant 0 : i32
      %dma_wait3A_31 = arith.constant 0 : i32
      %dma_wait3A_32 = tpu.memref_slice %arg2[%add3A, %dma_wait3A, %dma_wait3A_31] : memref<32x115x128xi32, #tpu.memory_space<hbm>> -> memref<1x115x128xi32, #tpu.memory_space<hbm>>
      %dma_wait3A_33 = tpu.memref_squeeze %dma_wait3A_32 : memref<1x115x128xi32, #tpu.memory_space<hbm>> -> memref<115x128xi32, #tpu.memory_space<hbm>>
      %dma_wait3A_34 = arith.constant 0 : i32
      %dma_wait3A_35 = arith.constant 0 : i32
      %dma_wait3A_36 = tpu.memref_slice %arg2[%add3A, %dma_wait3A_34, %dma_wait3A_35] : memref<32x115x128xi32, #tpu.memory_space<hbm>> -> memref<1x115x128xi32, #tpu.memory_space<hbm>>
      %dma_wait3A_37 = tpu.memref_squeeze %dma_wait3A_36 : memref<1x115x128xi32, #tpu.memory_space<hbm>> -> memref<115x128xi32, #tpu.memory_space<hbm>>
      tpu.wait_dma2 semaphore(%run_scoped3A : memref<!tpu.dma_semaphore, #tpu.memory_space<semaphore_mem>>) src(%dma_wait3A_37 : memref<115x128xi32, #tpu.memory_space<hbm>>) dst(%arg6 : memref<115x128xi32, #tpu.memory_space<vmem>>)
      tpu.yield
    }) : () -> ()
    "tpu.region"() ({
      %run_scoped3A = tpu.sem_alloc : memref<!tpu.dma_semaphore, #tpu.memory_space<semaphore_mem>>
      %dma_start3A = arith.constant 0 : i32
      %dma_start3A_24 = arith.constant 0 : i32
      %dma_start3A_25 = tpu.memref_slice %arg3[%add3A, %dma_start3A, %dma_start3A_24] : memref<32x115x128xf32, #tpu.memory_space<hbm>> -> memref<1x115x128xf32, #tpu.memory_space<hbm>>
      %dma_start3A_26 = tpu.memref_squeeze %dma_start3A_25 : memref<1x115x128xf32, #tpu.memory_space<hbm>> -> memref<115x128xf32, #tpu.memory_space<hbm>>
      %dma_start3A_27 = arith.constant 0 : i32
      %dma_start3A_28 = arith.constant 0 : i32
      %dma_start3A_29 = tpu.memref_slice %arg3[%add3A, %dma_start3A_27, %dma_start3A_28] : memref<32x115x128xf32, #tpu.memory_space<hbm>> -> memref<1x115x128xf32, #tpu.memory_space<hbm>>
      %dma_start3A_30 = tpu.memref_squeeze %dma_start3A_29 : memref<1x115x128xf32, #tpu.memory_space<hbm>> -> memref<115x128xf32, #tpu.memory_space<hbm>>
      tpu.enqueue_dma source(%dma_start3A_30 : memref<115x128xf32, #tpu.memory_space<hbm>>) target(%arg7 : memref<115x128xf32, #tpu.memory_space<vmem>>) target_semaphore(%run_scoped3A : memref<!tpu.dma_semaphore, #tpu.memory_space<semaphore_mem>>)
      %dma_wait3A = arith.constant 0 : i32
      %dma_wait3A_31 = arith.constant 0 : i32
      %dma_wait3A_32 = tpu.memref_slice %arg3[%add3A, %dma_wait3A, %dma_wait3A_31] : memref<32x115x128xf32, #tpu.memory_space<hbm>> -> memref<1x115x128xf32, #tpu.memory_space<hbm>>
      %dma_wait3A_33 = tpu.memref_squeeze %dma_wait3A_32 : memref<1x115x128xf32, #tpu.memory_space<hbm>> -> memref<115x128xf32, #tpu.memory_space<hbm>>
      %dma_wait3A_34 = arith.constant 0 : i32
      %dma_wait3A_35 = arith.constant 0 : i32
      %dma_wait3A_36 = tpu.memref_slice %arg3[%add3A, %dma_wait3A_34, %dma_wait3A_35] : memref<32x115x128xf32, #tpu.memory_space<hbm>> -> memref<1x115x128xf32, #tpu.memory_space<hbm>>
      %dma_wait3A_37 = tpu.memref_squeeze %dma_wait3A_36 : memref<1x115x128xf32, #tpu.memory_space<hbm>> -> memref<115x128xf32, #tpu.memory_space<hbm>>
      tpu.wait_dma2 semaphore(%run_scoped3A : memref<!tpu.dma_semaphore, #tpu.memory_space<semaphore_mem>>) src(%dma_wait3A_37 : memref<115x128xf32, #tpu.memory_space<hbm>>) dst(%arg7 : memref<115x128xf32, #tpu.memory_space<vmem>>)
      tpu.yield
    }) : () -> ()
    %scan3A = arith.constant 0 : i32
    %scan3A_1 = arith.constant 0 : i32
    %scan3A_2 = arith.constant 115 : i32
    %scan3A_3 = arith.addi %scan3A_1, %scan3A_2 : i32
    %scan3A_4 = arith.constant 1 : i32
    %scan3A_5 = scf.for %scan3A_24 = %scan3A_1 to %scan3A_3 step %scan3A_4 iter_args(%scan3A_25 = %scan3A) -> (i32)  : i32 {
      %broadcast_in_dim3A = arith.constant 0.000000e+00 : f32
      %broadcast_in_dim3A_26 = vector.broadcast %broadcast_in_dim3A : f32 to vector<16xf32>
      %mul3A_27 = arith.constant 16 : i32
      %mul3A_28 = arith.muli %scan3A_24, %mul3A_27 : i32
      %swap3A = arith.index_cast %mul3A_28 : i32 to index
      %swap3A_29 = tpu.vector_load %arg8[%swap3A] {strides = array<i32>} : memref<1840xf32, #tpu.memory_space<vmem>>, vector<16xf32>,
      %swap3A_30 = vector.shape_cast %swap3A_29 : vector<16xf32> to vector<16xf32>
      %swap3A_31 = vector.shape_cast %broadcast_in_dim3A_26 : vector<16xf32> to vector<16xf32>
      tpu.vector_store %arg8[%swap3A], %swap3A_31 {strides = array<i32>} : memref<1840xf32, #tpu.memory_space<vmem>>, vector<16xf32>,
      %scan3A_32 = arith.constant 0 : i32
      scf.yield %scan3A_32 : i32
    }
    %scan3A_6 = arith.constant 115 : i32
    %mul3A_7 = arith.constant 1840 : i32
    %mul3A_8 = arith.muli %arg1, %mul3A_7 : i32
    "tpu.region"() ({
      %run_scoped3A = tpu.sem_alloc : memref<!tpu.dma_semaphore, #tpu.memory_space<semaphore_mem>>
      %dma_start3A = tpu.memref_slice %arg5[%mul3A_8] : memref<29440xf32, #tpu.memory_space<vmem_shared>> -> memref<1840xf32, #tpu.memory_space<vmem_shared>>
      %dma_start3A_24 = tpu.memref_slice %arg5[%mul3A_8] : memref<29440xf32, #tpu.memory_space<vmem_shared>> -> memref<1840xf32, #tpu.memory_space<vmem_shared>>
      tpu.enqueue_dma source(%arg8 : memref<1840xf32, #tpu.memory_space<vmem>>) target(%dma_start3A_24 : memref<1840xf32, #tpu.memory_space<vmem_shared>>) target_semaphore(%run_scoped3A : memref<!tpu.dma_semaphore, #tpu.memory_space<semaphore_mem>>)
      %dma_wait3A = tpu.memref_slice %arg5[%mul3A_8] : memref<29440xf32, #tpu.memory_space<vmem_shared>> -> memref<1840xf32, #tpu.memory_space<vmem_shared>>
      %dma_wait3A_25 = tpu.memref_slice %arg5[%mul3A_8] : memref<29440xf32, #tpu.memory_space<vmem_shared>> -> memref<1840xf32, #tpu.memory_space<vmem_shared>>
      tpu.wait_dma2 semaphore(%run_scoped3A : memref<!tpu.dma_semaphore, #tpu.memory_space<semaphore_mem>>) src(%arg8 : memref<1840xf32, #tpu.memory_space<vmem>>) dst(%dma_wait3A_25 : memref<1840xf32, #tpu.memory_space<vmem_shared>>)
      tpu.yield
    }) : () -> ()
    %barrier3A = arith.constant 0 : index
    tpu.barrier barrier_id(%barrier3A)
    %scan3A_9 = arith.constant 0 : i32
    %scan3A_10 = arith.constant 0 : i32
    %scan3A_11 = arith.constant 115 : i32
    %scan3A_12 = arith.addi %scan3A_10, %scan3A_11 : i32
    %scan3A_13 = arith.constant 1 : i32
    %scan3A_14 = scf.for %scan3A_24 = %scan3A_10 to %scan3A_12 step %scan3A_13 iter_args(%scan3A_25 = %scan3A_9) -> (i32)  : i32 {
      "tpu.region"() ({
        %run_scoped3A = tpu.sem_alloc : memref<!tpu.dma_semaphore, #tpu.memory_space<semaphore_mem>>
        %dma_start3A = arith.constant 0 : i32
        %dma_start3A_27 = tpu.memref_slice %arg7[%scan3A_24, %dma_start3A] : memref<115x128xf32, #tpu.memory_space<vmem>> -> memref<1x128xf32, #tpu.memory_space<vmem>>
        %dma_start3A_28 = tpu.memref_squeeze %dma_start3A_27 : memref<1x128xf32, #tpu.memory_space<vmem>> -> memref<128xf32, #tpu.memory_space<vmem>>
        %dma_start3A_29 = arith.constant 0 : i32
        %dma_start3A_30 = tpu.memref_slice %arg6[%scan3A_24, %dma_start3A_29] : memref<115x128xi32, #tpu.memory_space<vmem>> -> memref<1x128xi32, #tpu.memory_space<vmem>>
        %dma_start3A_31 = tpu.memref_squeeze %dma_start3A_30 : memref<1x128xi32, #tpu.memory_space<vmem>> -> memref<128xi32, #tpu.memory_space<vmem>>
        %dma_start3A_32 = arith.constant 0 : i32
        %dma_start3A_33 = tpu.memref_slice %arg5[%dma_start3A_32] : memref<29440xf32, #tpu.memory_space<vmem_shared>> -> memref<29440xf32, #tpu.memory_space<vmem_shared>>
        tpu.enqueue_indirect_dma source(%dma_start3A_28 : memref<128xf32, #tpu.memory_space<vmem>>) target(%dma_start3A_33 : memref<29440xf32, #tpu.memory_space<vmem_shared>>) offsets(%dma_start3A_31 : memref<128xi32, #tpu.memory_space<vmem>>) semaphore(%run_scoped3A : memref<!tpu.dma_semaphore, #tpu.memory_space<semaphore_mem>>) {add = true}
        %dma_wait3A = arith.constant 0 : i32
        %dma_wait3A_34 = tpu.memref_slice %arg7[%scan3A_24, %dma_wait3A] : memref<115x128xf32, #tpu.memory_space<vmem>> -> memref<1x128xf32, #tpu.memory_space<vmem>>
        %dma_wait3A_35 = tpu.memref_squeeze %dma_wait3A_34 : memref<1x128xf32, #tpu.memory_space<vmem>> -> memref<128xf32, #tpu.memory_space<vmem>>
        %dma_wait3A_36 = arith.constant 0 : i32
        %dma_wait3A_37 = tpu.memref_slice %arg6[%scan3A_24, %dma_wait3A_36] : memref<115x128xi32, #tpu.memory_space<vmem>> -> memref<1x128xi32, #tpu.memory_space<vmem>>
        %dma_wait3A_38 = tpu.memref_squeeze %dma_wait3A_37 : memref<1x128xi32, #tpu.memory_space<vmem>> -> memref<128xi32, #tpu.memory_space<vmem>>
        %dma_wait3A_39 = arith.constant 0 : i32
        %dma_wait3A_40 = tpu.memref_slice %arg5[%dma_wait3A_39] : memref<29440xf32, #tpu.memory_space<vmem_shared>> -> memref<29440xf32, #tpu.memory_space<vmem_shared>>
        tpu.wait_indirect_dma semaphore(%run_scoped3A : memref<!tpu.dma_semaphore, #tpu.memory_space<semaphore_mem>>) src(%dma_wait3A_35 : memref<128xf32, #tpu.memory_space<vmem>>) dst(%dma_wait3A_40 : memref<29440xf32, #tpu.memory_space<vmem_shared>>)
        tpu.yield
      }) : () -> ()
      %scan3A_26 = arith.constant 0 : i32
      scf.yield %scan3A_26 : i32
    }
    %scan3A_15 = arith.constant 115 : i32
    %barrier3A_16 = arith.constant 0 : index
    tpu.barrier barrier_id(%barrier3A_16)
    %mul3A_17 = arith.constant 1840 : i32
    %mul3A_18 = arith.muli %arg1, %mul3A_17 : i32
    "tpu.region"() ({
      %run_scoped3A = tpu.sem_alloc : memref<!tpu.dma_semaphore, #tpu.memory_space<semaphore_mem>>
      %dma_start3A = tpu.memref_slice %arg5[%mul3A_18] : memref<29440xf32, #tpu.memory_space<vmem_shared>> -> memref<1840xf32, #tpu.memory_space<vmem_shared>>
      %dma_start3A_24 = tpu.memref_slice %arg5[%mul3A_18] : memref<29440xf32, #tpu.memory_space<vmem_shared>> -> memref<1840xf32, #tpu.memory_space<vmem_shared>>
      tpu.enqueue_dma source(%dma_start3A_24 : memref<1840xf32, #tpu.memory_space<vmem_shared>>) target(%arg8 : memref<1840xf32, #tpu.memory_space<vmem>>) target_semaphore(%run_scoped3A : memref<!tpu.dma_semaphore, #tpu.memory_space<semaphore_mem>>)
      %dma_wait3A = tpu.memref_slice %arg5[%mul3A_18] : memref<29440xf32, #tpu.memory_space<vmem_shared>> -> memref<1840xf32, #tpu.memory_space<vmem_shared>>
      %dma_wait3A_25 = tpu.memref_slice %arg5[%mul3A_18] : memref<29440xf32, #tpu.memory_space<vmem_shared>> -> memref<1840xf32, #tpu.memory_space<vmem_shared>>
      tpu.wait_dma2 semaphore(%run_scoped3A : memref<!tpu.dma_semaphore, #tpu.memory_space<semaphore_mem>>) src(%dma_wait3A_25 : memref<1840xf32, #tpu.memory_space<vmem_shared>>) dst(%arg8 : memref<1840xf32, #tpu.memory_space<vmem>>)
      tpu.yield
    }) : () -> ()
    %mul3A_19 = arith.constant 29440 : i32
    %mul3A_20 = arith.muli %arg0, %mul3A_19 : i32
    %mul3A_21 = arith.constant 1840 : i32
    %mul3A_22 = arith.muli %arg1, %mul3A_21 : i32
    %add3A_23 = arith.addi %mul3A_20, %mul3A_22 : i32
    "tpu.region"() ({
      %run_scoped3A = tpu.sem_alloc : memref<!tpu.dma_semaphore, #tpu.memory_space<semaphore_mem>>
      %dma_start3A = tpu.memref_slice %arg4[%add3A_23] : memref<58880xf32, #tpu.memory_space<hbm>> -> memref<1840xf32, #tpu.memory_space<hbm>>
      %dma_start3A_24 = tpu.memref_slice %arg4[%add3A_23] : memref<58880xf32, #tpu.memory_space<hbm>> -> memref<1840xf32, #tpu.memory_space<hbm>>
      tpu.enqueue_dma source(%arg8 : memref<1840xf32, #tpu.memory_space<vmem>>) target(%dma_start3A_24 : memref<1840xf32, #tpu.memory_space<hbm>>) target_semaphore(%run_scoped3A : memref<!tpu.dma_semaphore, #tpu.memory_space<semaphore_mem>>)
      %dma_wait3A = tpu.memref_slice %arg4[%add3A_23] : memref<58880xf32, #tpu.memory_space<hbm>> -> memref<1840xf32, #tpu.memory_space<hbm>>
      %dma_wait3A_25 = tpu.memref_slice %arg4[%add3A_23] : memref<58880xf32, #tpu.memory_space<hbm>> -> memref<1840xf32, #tpu.memory_space<hbm>>
      tpu.wait_dma2 semaphore(%run_scoped3A : memref<!tpu.dma_semaphore, #tpu.memory_space<semaphore_mem>>) src(%arg8 : memref<1840xf32, #tpu.memory_space<vmem>>) dst(%dma_wait3A_25 : memref<1840xf32, #tpu.memory_space<hbm>>)
      tpu.yield
    }) : () -> ()
    return
  }
}

module attributes {stable_mosaic.version = 14 : i64} {
  func.func @_k2_body(%arg0: i32, %arg1: memref<1840x115xf32, #tpu.memory_space<vmem>>, %arg2: memref<115x64xf32, #tpu.memory_space<vmem>>, %arg3: memref<1x2x1840xf32, #tpu.memory_space<vmem>>, %arg4: memref<3680x8xf32, #tpu.memory_space<vmem>>, %arg5: memref<1840x64xf32, #tpu.memory_space<vmem>>, %arg6: memref<1840x1xf32, #tpu.memory_space<vmem>>, %arg7: memref<3680x128xf32, #tpu.memory_space<vmem>>) attributes {dimension_semantics = [#tpu.dimension_semantics<arbitrary>], iteration_bounds = array<i64: 16>, scalar_prefetch = 0 : i64, scratch_operands = 0 : i64, tpu.core_type = #tpu.core_type<tc>, window_params = [{transform_indices = @transform_0, window_bounds = array<i64: 1840, 115>}, {pipeline_mode = #tpu.pipeline_mode<synchronous>, transform_indices = @transform_1, window_bounds = array<i64: 115, 64>}, {transform_indices = @transform_2, window_bounds = array<i64: 1, 2, 1840>}, {transform_indices = @transform_3, window_bounds = array<i64: 3680, 8>}, {transform_indices = @transform_4, window_bounds = array<i64: 1840, 64>}, {transform_indices = @transform_5, window_bounds = array<i64: 1840, 1>}, {transform_indices = @transform_6, window_bounds = array<i64: 3680, 128>}]} {
    %get3A = arith.constant 0 : index
    %get3A_0 = arith.constant 0 : index
    %get3A_1 = arith.constant 0 : index
    %get3A_2 = vector.load %arg3[%get3A, %get3A_0, %get3A_1] : memref<1x2x1840xf32, #tpu.memory_space<vmem>>, vector<1x1x1840xf32>
    %get3A_3 = vector.shape_cast %get3A_2 : vector<1x1x1840xf32> to vector<1840xf32>
    %get3A_4 = arith.constant 0 : index
    %get3A_5 = arith.constant 1 : index
    %get3A_6 = arith.constant 0 : index
    %get3A_7 = vector.load %arg3[%get3A_4, %get3A_5, %get3A_6] : memref<1x2x1840xf32, #tpu.memory_space<vmem>>, vector<1x1x1840xf32>
    %get3A_8 = vector.shape_cast %get3A_7 : vector<1x1x1840xf32> to vector<1840xf32>
    %add3A = arith.addf %get3A_3, %get3A_8 : vector<1840xf32>
    %add3A_9 = arith.constant 1.000000e+00 : f32
    %add3A_10 = vector.broadcast %add3A_9 : f32 to vector<1840xf32>
    %add3A_11 = arith.addf %add3A, %add3A_10 : vector<1840xf32>
    %rsqrt3A = math.rsqrt %add3A_11 : vector<1840xf32>
    %get3A_12 = arith.constant 0 : index
    %get3A_13 = arith.constant 0 : index
    %get3A_14 = vector.load %arg1[%get3A_12, %get3A_13] : memref<1840x115xf32, #tpu.memory_space<vmem>>, vector<1840x115xf32>
    %get3A_15 = arith.constant 0 : index
    %get3A_16 = arith.constant 0 : index
    %get3A_17 = vector.load %arg2[%get3A_15, %get3A_16] : memref<115x64xf32, #tpu.memory_space<vmem>>, vector<115x64xf32>
    %dot_general3A = arith.constant dense<0.000000e+00> : vector<1840x64xf32>
    %dot_general3A_18 = tpu.matmul %get3A_14, %get3A_17, %dot_general3A {dimension_numbers = #tpu.dot_dimension_numbers<[1], [0], [0], [1], [0, 0, 1, 1], [], []>, transpose_lhs_hint = false} : vector<1840x115xf32>, vector<115x64xf32>, vector<1840x64xf32> -> vector<1840x64xf32>
    %broadcast_in_dim3A = vector.shape_cast %rsqrt3A : vector<1840xf32> to vector<1840x1xf32>
    %mul3A = vector.broadcast %broadcast_in_dim3A : vector<1840x1xf32> to vector<1840x64xf32>
    %mul3A_19 = arith.mulf %dot_general3A_18, %mul3A : vector<1840x64xf32>
    %swap3A = arith.constant 0 : index
    %swap3A_20 = arith.constant 0 : index
    %swap3A_21 = vector.load %arg5[%swap3A, %swap3A_20] : memref<1840x64xf32, #tpu.memory_space<vmem>>, vector<1840x64xf32>
    tpu.vector_store %arg5[%swap3A, %swap3A_20], %mul3A_19 {strides = array<i32>} : memref<1840x64xf32, #tpu.memory_space<vmem>>, vector<1840x64xf32>,
    %broadcast_in_dim3A_22 = vector.shape_cast %rsqrt3A : vector<1840xf32> to vector<1840x1xf32>
    %swap3A_23 = arith.constant 0 : index
    %swap3A_24 = arith.constant 0 : index
    %swap3A_25 = vector.load %arg6[%swap3A_23, %swap3A_24] : memref<1840x1xf32, #tpu.memory_space<vmem>>, vector<1840x1xf32>
    tpu.vector_store %arg6[%swap3A_23, %swap3A_24], %broadcast_in_dim3A_22 {strides = array<i32>} : memref<1840x1xf32, #tpu.memory_space<vmem>>, vector<1840x1xf32>,
    %iota3A = tpu.iota {dimensions = array<i32: 0>} : vector<8x128xi32>
    %iota3A_26 = tpu.iota {dimensions = array<i32: 1>} : vector<8x128xi32>
    %jit3A = arith.constant 16 : i32
    %div3A = vector.broadcast %jit3A : i32 to vector<8x128xi32>
    %div3A_27 = arith.divsi %iota3A_26, %div3A : vector<8x128xi32>
    %sign3A = arith.constant 0 : i32
    %sign3A_28 = vector.broadcast %sign3A : i32 to vector<8x128xi32>
    %sign3A_29 = arith.cmpi sgt, %iota3A_26, %sign3A_28 : vector<8x128xi32>
    %sign3A_30 = arith.extui %sign3A_29 : vector<8x128xi1> to vector<8x128xi32>
    %sign3A_31 = arith.constant 0 : i32
    %sign3A_32 = vector.broadcast %sign3A_31 : i32 to vector<8x128xi32>
    %sign3A_33 = arith.cmpi slt, %iota3A_26, %sign3A_32 : vector<8x128xi32>
    %sign3A_34 = arith.extui %sign3A_33 : vector<8x128xi1> to vector<8x128xi32>
    %sign3A_35 = arith.subi %sign3A_30, %sign3A_34 : vector<8x128xi32>
    %sign3A_36 = arith.constant 0 : i32
    %sign3A_37 = arith.cmpi sgt, %jit3A, %sign3A_36 : i32
    %sign3A_38 = arith.extui %sign3A_37 : i1 to i32
    %sign3A_39 = arith.constant 0 : i32
    %sign3A_40 = arith.cmpi slt, %jit3A, %sign3A_39 : i32
    %sign3A_41 = arith.extui %sign3A_40 : i1 to i32
    %sign3A_42 = arith.subi %sign3A_38, %sign3A_41 : i32
    %ne3A = vector.broadcast %sign3A_42 : i32 to vector<8x128xi32>
    %ne3A_43 = arith.cmpi ne, %sign3A_35, %ne3A : vector<8x128xi32>
    %rem3A = vector.broadcast %jit3A : i32 to vector<8x128xi32>
    %rem3A_44 = arith.remsi %iota3A_26, %rem3A : vector<8x128xi32>
    %ne3A_45 = arith.constant 0 : i32
    %ne3A_46 = vector.broadcast %ne3A_45 : i32 to vector<8x128xi32>
    %ne3A_47 = arith.cmpi ne, %rem3A_44, %ne3A_46 : vector<8x128xi32>
    %and3A = arith.andi %ne3A_43, %ne3A_47 : vector<8x128xi1>
    %sub3A = arith.constant 1 : i32
    %sub3A_48 = vector.broadcast %sub3A : i32 to vector<8x128xi32>
    %sub3A_49 = arith.subi %div3A_27, %sub3A_48 : vector<8x128xi32>
    %select_n3A = arith.select %and3A, %sub3A_49, %div3A_27 : vector<8x128xi1>, vector<8x128xi32>
    %eq3A = arith.cmpi eq, %iota3A, %select_n3A : vector<8x128xi32>
    %convert_element_type3A = arith.extui %eq3A : vector<8x128xi1> to vector<8x128xi32>
    %convert_element_type3A_50 = arith.sitofp %convert_element_type3A : vector<8x128xi32> to vector<8x128xf32>
    %get3A_51 = arith.constant 0 : index
    %get3A_52 = arith.constant 0 : index
    %get3A_53 = vector.load %arg4[%get3A_51, %get3A_52] : memref<3680x8xf32, #tpu.memory_space<vmem>>, vector<3680x8xf32>
    %dot_general3A_54 = arith.constant dense<0.000000e+00> : vector<3680x128xf32>
    %dot_general3A_55 = tpu.matmul %get3A_53, %convert_element_type3A_50, %dot_general3A_54 {dimension_numbers = #tpu.dot_dimension_numbers<[1], [0], [0], [1], [0, 0, 1, 1], [], []>, transpose_lhs_hint = false} : vector<3680x8xf32>, vector<8x128xf32>, vector<3680x128xf32> -> vector<3680x128xf32>
    %swap3A_56 = arith.constant 0 : index
    %swap3A_57 = arith.constant 0 : index
    %swap3A_58 = vector.load %arg7[%swap3A_56, %swap3A_57] : memref<3680x128xf32, #tpu.memory_space<vmem>>, vector<3680x128xf32>
    tpu.vector_store %arg7[%swap3A_56, %swap3A_57], %dot_general3A_55 {strides = array<i32>} : memref<3680x128xf32, #tpu.memory_space<vmem>>, vector<3680x128xf32>,
    return
  }
  func.func @transform_0(%arg0: i32) -> (i32, i32) {
    %c0_i32 = arith.constant 0 : i32
    %c0_i32_0 = arith.constant 0 : i32
    return %arg0, %c0_i32 : i32, i32
  }
  func.func @transform_1(%arg0: i32) -> (i32, i32) {
    %c0_i32 = arith.constant 0 : i32
    %c0_i32_0 = arith.constant 0 : i32
    %c0_i32_1 = arith.constant 0 : i32
    return %c0_i32, %c0_i32_0 : i32, i32
  }
  func.func @transform_2(%arg0: i32) -> (i32, i32, i32) {
    %c0_i32 = arith.constant 0 : i32
    %c0_i32_0 = arith.constant 0 : i32
    %c0_i32_1 = arith.constant 0 : i32
    return %arg0, %c0_i32, %c0_i32_0 : i32, i32, i32
  }
  func.func @transform_3(%arg0: i32) -> (i32, i32) {
    %c0_i32 = arith.constant 0 : i32
    %c0_i32_0 = arith.constant 0 : i32
    return %arg0, %c0_i32 : i32, i32
  }
  func.func @transform_4(%arg0: i32) -> (i32, i32) {
    %c0_i32 = arith.constant 0 : i32
    %c0_i32_0 = arith.constant 0 : i32
    return %arg0, %c0_i32 : i32, i32
  }
  func.func @transform_5(%arg0: i32) -> (i32, i32) {
    %c0_i32 = arith.constant 0 : i32
    %c0_i32_0 = arith.constant 0 : i32
    return %arg0, %c0_i32 : i32, i32
  }
  func.func @transform_6(%arg0: i32) -> (i32, i32) {
    %c0_i32 = arith.constant 0 : i32
    %c0_i32_0 = arith.constant 0 : i32
    return %arg0, %c0_i32 : i32, i32
  }
}

module attributes {stable_mosaic.version = 14 : i64} {
  func.func @_k0_body(%arg0: memref<7360x256xf32, #tpu.memory_space<vmem>>, %arg1: memref<1x256xf32, #tpu.memory_space<vmem>>, %arg2: memref<1x256xf32, #tpu.memory_space<vmem>>, %arg3: memref<1x1xf32, #tpu.memory_space<vmem>>, %arg4: memref<7360x1xf32, #tpu.memory_space<vmem>>, %arg5: memref<1x1xf32, #tpu.memory_space<vmem>>) attributes {dimension_semantics = [], scalar_prefetch = 0 : i64, scratch_operands = 0 : i64, tpu.core_type = #tpu.core_type<tc>} {
    %get3A = arith.constant 0 : index
    %get3A_0 = arith.constant 0 : index
    %get3A_1 = vector.load %arg1[%get3A, %get3A_0] : memref<1x256xf32, #tpu.memory_space<vmem>>, vector<1x256xf32>
    %get3A_2 = arith.constant 0 : index
    %get3A_3 = arith.constant 0 : index
    %get3A_4 = vector.load %arg0[%get3A_2, %get3A_3] : memref<7360x256xf32, #tpu.memory_space<vmem>>, vector<7360x256xf32>
    %mul3A = vector.broadcast %get3A_1 : vector<1x256xf32> to vector<7360x256xf32>
    %mul3A_5 = arith.mulf %get3A_4, %mul3A : vector<7360x256xf32>
    %reduce_sum3A = arith.constant dense<0.000000e+00> : vector<7360xf32>
    %reduce_sum3A_6 = vector.multi_reduction <add>, %mul3A_5, %reduce_sum3A [1] : vector<7360x256xf32> to vector<7360xf32>
    %broadcast_in_dim3A = vector.shape_cast %reduce_sum3A_6 : vector<7360xf32> to vector<7360x1xf32>
    %swap3A = arith.constant 0 : index
    %swap3A_7 = arith.constant 0 : index
    %swap3A_8 = vector.load %arg4[%swap3A, %swap3A_7] : memref<7360x1xf32, #tpu.memory_space<vmem>>, vector<7360x1xf32>
    tpu.vector_store %arg4[%swap3A, %swap3A_7], %broadcast_in_dim3A {strides = array<i32>} : memref<7360x1xf32, #tpu.memory_space<vmem>>, vector<7360x1xf32>,
    %get3A_9 = arith.constant 0 : index
    %get3A_10 = arith.constant 0 : index
    %get3A_11 = vector.load %arg2[%get3A_9, %get3A_10] : memref<1x256xf32, #tpu.memory_space<vmem>>, vector<1x256xf32>
    %mul3A_12 = arith.mulf %get3A_11, %get3A_1 : vector<1x256xf32>
    %reduce_sum3A_13 = arith.constant dense<0.000000e+00> : vector<1xf32>
    %reduce_sum3A_14 = vector.multi_reduction <add>, %mul3A_12, %reduce_sum3A_13 [1] : vector<1x256xf32> to vector<1xf32>
    %broadcast_in_dim3A_15 = vector.shape_cast %reduce_sum3A_14 : vector<1xf32> to vector<1x1xf32>
    %get3A_16 = arith.constant 0 : index
    %get3A_17 = arith.constant 0 : index
    %get3A_18 = vector.load %arg3[%get3A_16, %get3A_17] : memref<1x1xf32, #tpu.memory_space<vmem>>, vector<1x1xf32>
    %add3A = arith.addf %broadcast_in_dim3A_15, %get3A_18 : vector<1x1xf32>
    %swap3A_19 = arith.constant 0 : index
    %swap3A_20 = arith.constant 0 : index
    %swap3A_21 = vector.load %arg5[%swap3A_19, %swap3A_20] : memref<1x1xf32, #tpu.memory_space<vmem>>, vector<1x1xf32>
    tpu.vector_store %arg5[%swap3A_19, %swap3A_20], %add3A {strides = array<i32>} : memref<1x1xf32, #tpu.memory_space<vmem>>, vector<1x1xf32>,
    return
  }
}

module attributes {stable_mosaic.version = 14 : i64} {
  func.func @_k4_body(%arg0: i32, %arg1: memref<2x920x64xf32, #tpu.memory_space<vmem>>, %arg2: memref<920x64xf32, #tpu.memory_space<vmem>>, %arg3: memref<920x1xf32, #tpu.memory_space<vmem>>, %arg4: memref<1x64xf32, #tpu.memory_space<vmem>>, %arg5: memref<920x64xf32, #tpu.memory_space<vmem>>, %arg6: memref<1x1xf32, #tpu.memory_space<vmem>>, %arg7: memref<8x1xf32, #tpu.memory_space<vmem>>) attributes {dimension_semantics = [#tpu.dimension_semantics<arbitrary>], iteration_bounds = array<i64: 32>, scalar_prefetch = 0 : i64, scratch_operands = 0 : i64, tpu.core_type = #tpu.core_type<tc>, window_params = [{transform_indices = @transform_0, window_bounds = array<i64: 2, 920, 64>}, {transform_indices = @transform_1, window_bounds = array<i64: 920, 64>}, {transform_indices = @transform_2, window_bounds = array<i64: 920, 1>}, {pipeline_mode = #tpu.pipeline_mode<synchronous>, transform_indices = @transform_3, window_bounds = array<i64: 1, 64>}, {pipeline_mode = #tpu.pipeline_mode<synchronous>, transform_indices = @transform_4, window_bounds = array<i64: 920, 64>}, {pipeline_mode = #tpu.pipeline_mode<synchronous>, transform_indices = @transform_5, window_bounds = array<i64: 1, 1>}, {transform_indices = @transform_6, window_bounds = array<i64: 8, 1>}]} {
    %get3A = arith.constant 0 : index
    %get3A_0 = arith.constant 0 : index
    %get3A_1 = arith.constant 0 : index
    %get3A_2 = vector.load %arg1[%get3A, %get3A_0, %get3A_1] : memref<2x920x64xf32, #tpu.memory_space<vmem>>, vector<1x920x64xf32>
    %get3A_3 = vector.shape_cast %get3A_2 : vector<1x920x64xf32> to vector<920x64xf32>
    %get3A_4 = arith.constant 1 : index
    %get3A_5 = arith.constant 0 : index
    %get3A_6 = arith.constant 0 : index
    %get3A_7 = vector.load %arg1[%get3A_4, %get3A_5, %get3A_6] : memref<2x920x64xf32, #tpu.memory_space<vmem>>, vector<1x920x64xf32>
    %get3A_8 = vector.shape_cast %get3A_7 : vector<1x920x64xf32> to vector<920x64xf32>
    %add3A = arith.addf %get3A_3, %get3A_8 : vector<920x64xf32>
    %get3A_9 = arith.constant 0 : index
    %get3A_10 = arith.constant 0 : index
    %get3A_11 = vector.load %arg2[%get3A_9, %get3A_10] : memref<920x64xf32, #tpu.memory_space<vmem>>, vector<920x64xf32>
    %add3A_12 = arith.addf %add3A, %get3A_11 : vector<920x64xf32>
    %get3A_13 = arith.constant 0 : index
    %get3A_14 = arith.constant 0 : index
    %get3A_15 = vector.load %arg3[%get3A_13, %get3A_14] : memref<920x1xf32, #tpu.memory_space<vmem>>, vector<920x1xf32>
    %mul3A = vector.broadcast %get3A_15 : vector<920x1xf32> to vector<920x64xf32>
    %mul3A_16 = arith.mulf %add3A_12, %mul3A : vector<920x64xf32>
    %get3A_17 = arith.constant 0 : index
    %get3A_18 = arith.constant 0 : index
    %get3A_19 = vector.load %arg4[%get3A_17, %get3A_18] : memref<1x64xf32, #tpu.memory_space<vmem>>, vector<1x64xf32>
    %add3A_20 = vector.broadcast %get3A_19 : vector<1x64xf32> to vector<920x64xf32>
    %add3A_21 = arith.addf %mul3A_16, %add3A_20 : vector<920x64xf32>
    %max3A = arith.constant 0.000000e+00 : f32
    %max3A_22 = vector.broadcast %max3A : f32 to vector<920x64xf32>
    %max3A_23 = arith.maximumf %add3A_21, %max3A_22 : vector<920x64xf32>
    %get3A_24 = arith.constant 0 : index
    %get3A_25 = arith.constant 0 : index
    %get3A_26 = vector.load %arg5[%get3A_24, %get3A_25] : memref<920x64xf32, #tpu.memory_space<vmem>>, vector<920x64xf32>
    %mul3A_27 = arith.mulf %max3A_23, %get3A_26 : vector<920x64xf32>
    %reduce_sum3A = arith.constant dense<0.000000e+00> : vector<920xf32>
    %reduce_sum3A_28 = vector.multi_reduction <add>, %mul3A_27, %reduce_sum3A [1] : vector<920x64xf32> to vector<920xf32>
    %broadcast_in_dim3A = vector.shape_cast %reduce_sum3A_28 : vector<920xf32> to vector<920x1xf32>
    %iota3A = tpu.iota {dimensions = array<i32: 0>} : vector<8x920xi32>
    %iota3A_29 = tpu.iota {dimensions = array<i32: 1>} : vector<8x920xi32>
    %jit3A = arith.constant 115 : i32
    %div3A = vector.broadcast %jit3A : i32 to vector<8x920xi32>
    %div3A_30 = arith.divsi %iota3A_29, %div3A : vector<8x920xi32>
    %sign3A = arith.constant 0 : i32
    %sign3A_31 = vector.broadcast %sign3A : i32 to vector<8x920xi32>
    %sign3A_32 = arith.cmpi sgt, %iota3A_29, %sign3A_31 : vector<8x920xi32>
    %sign3A_33 = arith.extui %sign3A_32 : vector<8x920xi1> to vector<8x920xi32>
    %sign3A_34 = arith.constant 0 : i32
    %sign3A_35 = vector.broadcast %sign3A_34 : i32 to vector<8x920xi32>
    %sign3A_36 = arith.cmpi slt, %iota3A_29, %sign3A_35 : vector<8x920xi32>
    %sign3A_37 = arith.extui %sign3A_36 : vector<8x920xi1> to vector<8x920xi32>
    %sign3A_38 = arith.subi %sign3A_33, %sign3A_37 : vector<8x920xi32>
    %sign3A_39 = arith.constant 0 : i32
    %sign3A_40 = arith.cmpi sgt, %jit3A, %sign3A_39 : i32
    %sign3A_41 = arith.extui %sign3A_40 : i1 to i32
    %sign3A_42 = arith.constant 0 : i32
    %sign3A_43 = arith.cmpi slt, %jit3A, %sign3A_42 : i32
    %sign3A_44 = arith.extui %sign3A_43 : i1 to i32
    %sign3A_45 = arith.subi %sign3A_41, %sign3A_44 : i32
    %ne3A = vector.broadcast %sign3A_45 : i32 to vector<8x920xi32>
    %ne3A_46 = arith.cmpi ne, %sign3A_38, %ne3A : vector<8x920xi32>
    %rem3A = vector.broadcast %jit3A : i32 to vector<8x920xi32>
    %rem3A_47 = arith.remsi %iota3A_29, %rem3A : vector<8x920xi32>
    %ne3A_48 = arith.constant 0 : i32
    %ne3A_49 = vector.broadcast %ne3A_48 : i32 to vector<8x920xi32>
    %ne3A_50 = arith.cmpi ne, %rem3A_47, %ne3A_49 : vector<8x920xi32>
    %and3A = arith.andi %ne3A_46, %ne3A_50 : vector<8x920xi1>
    %sub3A = arith.constant 1 : i32
    %sub3A_51 = vector.broadcast %sub3A : i32 to vector<8x920xi32>
    %sub3A_52 = arith.subi %div3A_30, %sub3A_51 : vector<8x920xi32>
    %select_n3A = arith.select %and3A, %sub3A_52, %div3A_30 : vector<8x920xi1>, vector<8x920xi32>
    %eq3A = arith.cmpi eq, %iota3A, %select_n3A : vector<8x920xi32>
    %convert_element_type3A = arith.extui %eq3A : vector<8x920xi1> to vector<8x920xi32>
    %convert_element_type3A_53 = arith.sitofp %convert_element_type3A : vector<8x920xi32> to vector<8x920xf32>
    %dot_general3A = arith.constant dense<0.000000e+00> : vector<8x1xf32>
    %dot_general3A_54 = tpu.matmul %convert_element_type3A_53, %broadcast_in_dim3A, %dot_general3A {dimension_numbers = #tpu.dot_dimension_numbers<[1], [0], [0], [1], [0, 0, 1, 1], [], []>, transpose_lhs_hint = false} : vector<8x920xf32>, vector<920x1xf32>, vector<8x1xf32> -> vector<8x1xf32>
    %get3A_55 = arith.constant 0 : index
    %get3A_56 = arith.constant 0 : index
    %get3A_57 = vector.load %arg6[%get3A_55, %get3A_56] : memref<1x1xf32, #tpu.memory_space<vmem>>, vector<1x1xf32>
    %add3A_58 = vector.broadcast %get3A_57 : vector<1x1xf32> to vector<8x1xf32>
    %add3A_59 = arith.addf %dot_general3A_54, %add3A_58 : vector<8x1xf32>
    %swap3A = arith.constant 0 : index
    %swap3A_60 = arith.constant 0 : index
    %swap3A_61 = vector.load %arg7[%swap3A, %swap3A_60] : memref<8x1xf32, #tpu.memory_space<vmem>>, vector<8x1xf32>
    tpu.vector_store %arg7[%swap3A, %swap3A_60], %add3A_59 {strides = array<i32>} : memref<8x1xf32, #tpu.memory_space<vmem>>, vector<8x1xf32>,
    return
  }
  func.func @transform_0(%arg0: i32) -> (i32, i32, i32) {
    %c0_i32 = arith.constant 0 : i32
    %c0_i32_0 = arith.constant 0 : i32
    %c0_i32_1 = arith.constant 0 : i32
    return %c0_i32, %arg0, %c0_i32_0 : i32, i32, i32
  }
  func.func @transform_1(%arg0: i32) -> (i32, i32) {
    %c0_i32 = arith.constant 0 : i32
    %c0_i32_0 = arith.constant 0 : i32
    return %arg0, %c0_i32 : i32, i32
  }
  func.func @transform_2(%arg0: i32) -> (i32, i32) {
    %c0_i32 = arith.constant 0 : i32
    %c0_i32_0 = arith.constant 0 : i32
    return %arg0, %c0_i32 : i32, i32
  }
  func.func @transform_3(%arg0: i32) -> (i32, i32) {
    %c0_i32 = arith.constant 0 : i32
    %c0_i32_0 = arith.constant 0 : i32
    %c0_i32_1 = arith.constant 0 : i32
    return %c0_i32, %c0_i32_0 : i32, i32
  }
  func.func @transform_4(%arg0: i32) -> (i32, i32) {
    %c0_i32 = arith.constant 0 : i32
    %c0_i32_0 = arith.constant 0 : i32
    %c0_i32_1 = arith.constant 0 : i32
    return %c0_i32, %c0_i32_0 : i32, i32
  }
  func.func @transform_5(%arg0: i32) -> (i32, i32) {
    %c0_i32 = arith.constant 0 : i32
    %c0_i32_0 = arith.constant 0 : i32
    %c0_i32_1 = arith.constant 0 : i32
    return %c0_i32, %c0_i32_0 : i32, i32
  }
  func.func @transform_6(%arg0: i32) -> (i32, i32) {
    %c0_i32 = arith.constant 0 : i32
    %c0_i32_0 = arith.constant 0 : i32
    return %arg0, %c0_i32 : i32, i32
  }
}

</mosaic_0001>

<sc_bundles>
// kernel: kernel.10.cloned.1.call-start
scs
__scs_entry_jumppad:
0x0: {  	(pc) =	sbr.rel $0x88, $3  }
0x1: {  	(tag) =	ssettag $0x0;
	lr =	simm.s32 $0x1  }
0x2: {  	[smem:$0x3F98] =	sst lr;
	_ =	strace $0xD0000000  }
0x3: {  	_ = 	snop  }
0x4: {  	_ = 	snop  }
0x5: {  	_ = 	snop  }
0x6: {  	_ = 	snop  }
0x7: {  	_ = 	snop  }
__scs_overlays_trampoline_lowered:
0x8: {  	[smem:$0x3FA7] =	sst s0  }
0x9: {  	[smem:$0x3FA8] =	sst s1  }
0xa: {  	[smem:$0x3FA9] =	sst s2  }
0xb: {  	[smem:$0x3FAA] =	sst s3  }
0xc: {  	[smem:$0x3FAB] =	sst s4  }
0xd: {  	[smem:$0x3FAC] =	sst s5  }
0xe: {  	[smem:$0x3FAD] =	sst s6  }
0xf: {  	[smem:$0x3FAE] =	sst s7  }
0x10: {  	[smem:$0x3FAF] =	sst s8  }
0x11: {  	[smem:$0x3FB0] =	sst s9;
	s0 =	simm.s32 @!p0 $0x0  }
0x12: {  	s1 =	sld [smem:$0x3F96];
	s0 =	simm.s32 @p0 $0x1  }
0x13: {  	[smem:$0x3FB1] =	sst s0;
	s0 =	simm.s32 @!p1 $0x0  }
0x14: {  	s2 =	sld [smem:$0x3F95];
	s0 =	simm.s32 @p1 $0x1  }
0x15: {  	[smem:$0x3FB2] =	sst s0;
	s0 =	simm.s32 @!p2 $0x0  }
0x16: {  	s3 =	sld [smem:$0x3FDB];
	s0 =	simm.s32 @p2 $0x1  }
0x17: {  	s4 =	simm.s32 $0x1BF5;
	[smem:$0x3FB4] =	sst s0  }
0x18: {  	s0 =	sld [smem:$0x3F97];
	_ =	swait.ge [sflag:s4], $0x0  }
0x19: {  	s7 =	sld [smem:$0x3F98]  }
0x1a: {  	s8 =	sadd.s32 $0xFFFFE003, lr  }
0x1b: {  	s9 =	sadd.s32 $0xFFFFFEF7, lr;
	s5 =	simm.s32 $0xFFFFFFFF;
	p2 =	slt.u32 s8, $0xFFFFF086  }
0x1c: {  	p1 =	slt.u32 s9, $0xF7A;
	s5 =	simm.s32 @!p2 $0x0  }
0x1d: {  	s5 =	simm.s32 @p1 $0x1;
	p0 =	seq.s32 s7, s2  }
0x1e: {  	s7 =	smul.u32 @!p0 $0xF7A, s2;
	p2 =	seq.s32 @!p0 s5, $0x0  }
0x1f: {  	s9 =	smul.u32 $0xF7A, s1;
	s8 =	simm.s32 @!p0 $0x1BF5;
	p2 =	por !p2, p0  }
0x20: {  	[sflag:s8] =	ssyncset.s32 @!p0 $0xFFFFF086;
	s6 =	sadd.s32 @!p0 s3, s7;
	s7 =	simm.s32 @!p0 $0x108  }
0x21: {  	s3 =	sadd.s32 s3, s9;
	s6 =	sadd.s32 @!p0 $0x88, s6;
	s7 =	simm.s32 @p2 $0x1082  }
0x22: {  	[simem:s7], [sflag:s8] =	dma.local @!p0 [hbm:s6], $0xF7A  }
0x23: {  	s9 =	sor.u32 $0xD0000000, s2;
	s6 =	simm.s32 $0x108;
	_ =	swait.ge @!p0 [sflag:s8], $0x0  }
0x24: {  	s3 =	sadd.s32 $0x88, s3;
	s6 =	simm.s32 @!p1 $0x1082;
	[sflag:s4] =	ssyncset.s32 $0xFFFFF086  }
0x25: {  	[simem:s6], [sflag:s4] =	dma.local [hbm:s3], $0xF7A  }
0x26: {  	[smem:$0x3F98] =	sst s1;
	(tag) =	ssettag s2;
	_ =	strace s9  }
0x27: {  	s1 =	sld [smem:$0x3FA8]  }
0x28: {  	s2 =	sld [smem:$0x3FA9]  }
0x29: {  	s4 =	sld [smem:$0x3FAB]  }
0x2a: {  	p0 =	seq.s32 s5, $0x0;
	s5 =	sld [smem:$0x3FAC]  }
0x2b: {  	s6 =	sld [smem:$0x3FAD]  }
0x2c: {  	s7 =	sld [smem:$0x3FAE]  }
0x2d: {  	s3 =	simm.s32 $0x108;
	s8 =	sld [smem:$0x3FAF]  }
0x2e: {  	s3 =	simm.s32 @!p0 $0x1082;
	s9 =	sld [smem:$0x3FB0]  }
0x2f: {  	lr =	sadd.s32 s0, s3;
	s0 =	sld [smem:$0x3FA7]  }
0x30: {  	s3 =	sld [smem:$0x3FAA]  }
0x31: {  	[smem:$0x3FB3] =	sst s10  }
0x32: {  	s10 =	sld [smem:$0x3FB1];
	_ =	sdelay $0x3  }
0x33: {  	p0 =	seq.s32 s10, $0x1;
	s10 =	sld [smem:$0x3FB3];
	_ =	sdelay $0x3  }
0x34: {  	[smem:$0x3FB3] =	sst s10  }
0x35: {  	s10 =	sld [smem:$0x3FB2];
	_ =	sdelay $0x3  }
0x36: {  	p1 =	seq.s32 s10, $0x1;
	s10 =	sld [smem:$0x3FB3];
	_ =	sdelay $0x3  }
0x37: {  	[smem:$0x3FB3] =	sst s10  }
0x38: {  	s10 =	sld [smem:$0x3FB4]  }
0x39: {  	_ = 	snop;
	(pc) =	sbr.ind lr, $3  }
0x3a: {  	_ = 	snop  }
0x3b: {  	_ = 	snop  }
0x3c: {  	p2 =	seq.s32 s10, $0x1;
	s10 =	sld [smem:$0x3FB3]  }
0x3d: {  	_ =	shalt  }
0x3e: {  	_ =	shalt  }
0x3f: {  	_ =	shalt  }
0x40: {  	_ =	shalt  }
0x41: {  	_ =	shalt  }
0x42: {  	_ =	shalt  }
0x43: {  	_ =	shalt  }
0x44: {  	_ =	shalt  }
0x45: {  	_ =	shalt  }
0x46: {  	_ =	shalt  }
0x47: {  	_ =	shalt  }
0x48: {  	_ =	shalt  }
0x49: {  	_ =	shalt  }
0x4a: {  	_ =	shalt  }
0x4b: {  	_ =	shalt  }
0x4c: {  	_ =	shalt  }
0x4d: {  	_ =	shalt  }
0x4e: {  	_ =	shalt  }
0x4f: {  	_ =	shalt  }
0x50: {  	_ =	shalt  }
0x51: {  	_ =	shalt  }
0x52: {  	_ =	shalt  }
0x53: {  	_ =	shalt  }
0x54: {  	_ =	shalt  }
0x55: {  	_ =	shalt  }
0x56: {  	_ =	shalt  }
0x57: {  	_ =	shalt  }
0x58: {  	_ =	shalt  }
0x59: {  	_ =	shalt  }
0x5a: {  	_ =	shalt  }
0x5b: {  	_ =	shalt  }
0x5c: {  	_ =	shalt  }
0x5d: {  	_ =	shalt  }
0x5e: {  	_ =	shalt  }
0x5f: {  	_ =	shalt  }
0x60: {  	_ =	shalt  }
0x61: {  	_ =	shalt  }
0x62: {  	_ =	shalt  }
0x63: {  	_ =	shalt  }
0x64: {  	_ =	shalt  }
0x65: {  	_ =	shalt  }
0x66: {  	_ =	shalt  }
0x67: {  	_ =	shalt  }
0x68: {  	_ =	shalt  }
0x69: {  	_ =	shalt  }
0x6a: {  	_ =	shalt  }
0x6b: {  	_ =	shalt  }
0x6c: {  	_ =	shalt  }
0x6d: {  	_ =	shalt  }
0x6e: {  	_ =	shalt  }
0x6f: {  	_ =	shalt  }
0x70: {  	_ =	shalt  }
0x71: {  	_ =	shalt  }
0x72: {  	_ =	shalt  }
0x73: {  	_ =	shalt  }
0x74: {  	_ =	shalt  }
0x75: {  	_ =	shalt  }
0x76: {  	_ =	shalt  }
0x77: {  	_ =	shalt  }
0x78: {  	_ =	shalt  }
0x79: {  	_ =	shalt  }
0x7a: {  	_ =	shalt  }
0x7b: {  	_ =	shalt  }
0x7c: {  	_ =	shalt  }
0x7d: {  	_ =	shalt  }
0x7e: {  	_ =	shalt  }
0x7f: {  	_ =	shalt  }
0x80: {  	_ =	shalt  }
0x81: {  	_ =	shalt  }
0x82: {  	_ =	shalt  }
0x83: {  	_ =	shalt  }
0x84: {  	_ =	shalt  }
0x85: {  	_ =	shalt  }
0x86: {  	_ =	shalt  }
0x87: {  	_ =	shalt  }
.Lfunc_end0:
.L_simem_size_0:
called_computation.1_lowered:
.L_overlay_start_0:
0x88: {  	s2 =	sld [smem:$0x3FD9]  }
0x89: {  	s3 =	sld [smem:$0x3FFE];
	_ =	sdelay $0x1  }
0x8a: {  	s1 =	srdreg.scid  }
0x8b: {  	s0 =	sand.u32 $0x1, s1  }
0x8c: {  	s16 =	sshll.u32 s0, $0xA;
	s2 =	sadd.s32 s3, s2  }
0x8d: {  	s2 =	sadd.s32 s2, s16  }
0x8e: {  	[smem:$0x3FBF] =	sst s2  }
0x8f: {  	_ = 	snop  }
0x90: {  	(tm) =	ssettm $0x1  }
0x91: {  	s17 =	sld [smem:$0x3FFB];
	_ =	sdelay $0x3  }
0x92: {  	_ =	strace s17  }
0x93: {  	s2 =	sld [smem:$0x3FFC];
	_ =	sdelay $0x3  }
0x94: {  	_ =	strace s2  }
0x95: {  	s2 =	sld [smem:$0x3FFD];
	_ =	sdelay $0x3  }
0x96: {  	_ =	strace s2  }
0x97: {  	_ =	strace $0x8FFFFFFF  }
0x98: {  	s18 =	sld [smem:$0x3FDB];
	_ =	sdelay $0x1  }
0x99: {  	s19 =	simm.s32 $_scs_section_size  }
0x9a: {  	s4 =	simm.s32 $_size__tile_overlayer_lowered;
	s5 =	simm.s32 $_tile_overlayer_lowered  }
0x9b: {  	s22 =	simm.s32 $0x1BFF;
	s21 =	sshll.u32 s5, $0x1;
	s2 =	sadd.s32 s19, s18  }
0x9c: {  	s6 =	simm.s32 $0x0;
	s20 =	sshll.u32 s4, $0x1;
	s4 =	sadd.s32 s21, s2  }
0x9d: {  	[timem:s6], [sflag:s22] =	dma.local [hbm:s4], s20  }
0x9e: {  	_ =	swait.ge [sflag:s22], s20  }
0x9f: {  	s3 =	ssub.s32 $0x0, s20;
	[sflag:s22] =	ssyncset.done $0x0  }
0xa0: {  	[sflag:s22] =	ssyncadd.s32 s3;
	_ =	sdelay $0x1  }
0xa1: {  	s23 =	simm.s32 $0x1B8B  }
0xa2: {  	_ =	swait.ge [sflag:s23], $0x1  }
0xa3: {  	[sflag:s23] =	ssyncset.done $0x0  }
0xa4: {  	s25 =	simm.s32 $0x1B8E;
	s24 =	sld [smem:$0x3FFE];
	[sflag:s23] =	ssyncadd.s32 $0xFFFFFFFF  }
0xa5: {  	s26 =	simm.s32 $execute0_lowered;
	[smem:$0x3FD2] =	sst s25  }
0xa6: {  	s4 =	sshll.u32 s26, $0x1;
	_ =	strace $0x80000049;
	[dreg:$0x1] =	wrdreg $0xFFFFFFFF  }
0xa7: {  	s28 =	simm.s32 $_size_execute0_lowered;
	s2 =	sadd.s32 s2, s4;
	[dreg:$0x0] =	wrdreg $0x0  }
0xa8: {  	s4 =	sshll.u32 s28, $0x1;
	[dreg:$0x2] =	wrdreg s2  }
0xa9: {  	[dreg:$0x3] =	wrdreg s4  }
0xaa: {  	[dreg:$0x4] =	wrdreg $0xC0  }
0xab: {  	_ =	task [dreg:s6], $0x5FFFF  }
0xac: {  	[dreg:$0x1] =	wrdreg $0xFFFFFFFF  }
0xad: {  	[dreg:$0x0] =	wrdreg $0x60  }
0xae: {  	[dreg:$0x2] =	wrdreg s24  }
0xaf: {  	[dreg:$0x3] =	wrdreg $0x0  }
0xb0: {  	[dreg:$0x4] =	wrdreg $0x9  }
0xb1: {  	_ =	task.clear_ibuf [dreg:s6], $0x5FFFF;
	_ =	strace $0x90000049  }
0xb2: {  	s29 =	simm.s32 $0x9;
	_ =	strace $0x8000004B  }
0xb3: {  	_ =	swait.ge [sflag:s29], $0x1  }
0xb4: {  	[sflag:s29] =	ssyncadd.s32 $0xFFFFFFFF  }
0xb5: {  	_ =	strace $0x9000004B  }
0xb6: {  	_ =	sfence  }
0xb7: {  	s30 =	sld [smem:$0x0];
	_ =	sdelay $0x2  }
0xb8: {  	s31 =	sshll.u32 s1, $0xD;
	s1 =	sshrl.u32 s1, $0x2  }
0xb9: {  	s3 =	sand.u32 $0x4000, s31;
	s1 =	sadd.s32 s1, s30  }
0xba: {  	s0 =	sor.u32 s3, s0;
	s1 =	sshll.u32 s1, $0x11  }
0xbb: {  	s0 =	sor.u32 s1, s0  }
0xbc: {  	s0 =	sadd.s32 $0x8F2B, s0  }
0xbd: {  	[sflag:s0] =	ssyncadd.remote.s32 $0x1  }
0xbe: {  	_ =	sfence.sel $0xFFFF  }
0xbf: {  	[dreg:$0x0] =	wrdreg $0xFFFFFFFF;
	(pc) =	sbr.abs _section_cstart, $3  }
0xc0: {  	[dreg:$0x1] =	wrdreg $0xFFFFFFFF  }
0xc1: {  	_ =	task.clear_ibuf [dreg:s6], $0x2FFFF;
	_ =	strace $0x9FFFFFFF  }
0xc2: {  	(tm) =	ssettm $0x7FFFFFFF  }
0xc3: {  	_ =	shalt  }
tec
execute0_lowered:
.L_overlay_start_1:
0x0: {  	(tag) =	ssettag $0x1  }
0x1: {  	s0 =	rddreg [dreg:$0x0]  }
0x2: {  	s1 =	rddreg [dreg:$0x1];
	s2 =	srdreg.scid  }
0x3: {  	s3 =	simm.s32 $0x0;
	s11 =	stileid.u32;
	s18 =	simm.s32 $0x1D740  }
0x4: {  	s19 =	simm.s32 $0x5;
	s28 =	simm.s32 $0x50;
	s29 =	simm.s32 $0x2  }
0x5: {  	s30 =	simm.s32 $0x1EB40;
	s31 =	simm.s32 $0x3;
	s6 =	smul.u32 $0x1CC00, s11  }
0x6: {  	s2 =	sand.u32 $0x1, s2;
	s4 =	sshll.u32 s11, $0x1;
	s11 =	smul.u32 $0x73000, s11  }
0x7: {  	[smem:$0x7FF] =	sst s3;
	s5 =	smul.u32 $0x1CC000, s2;
	s8 =	sor.u32 s2, s4  }
0x8: {  	_ =	strace $0x8000004A;
	s2 =	ssub.s32 $0x2, s2;
	s9 =	smul.u32 $0x3980, s8  }
0x9: {  	s4 =	sadd.s32 $0x2600, s0;
	s10 =	sshrl.u32 s2, $0x1;
	s8 =	smul.u32 $0x7300, s8  }
0xa: {  	s26 =	sshrl.u32 s11, $0x2;
	s7 =	sadd.s32 s6, s5;
	s5 =	sadd.s32 $0x17B400, s0  }
0xb: {  	s6 =	sadd.s32 $0x198000, s0;
	s2 =	ssub.s32 s2, s10;
	s16 =	sadd.s32 s26, s1  }
0xc: {  	s26 =	simm.s32 $0x1;
	s7 =	sshrl.u32 s7, $0x3;
	s20 =	sshrl.u32 s9, $0x3  }
0xd: {  	s22 =	sor.u32 $0x50, s9;
	s8 =	sadd.s32 s6, s8;
	s13 =	sadd.s32 $0xA0, s9  }
0xe: {  	s14 =	sadd.s32 $0xF0, s9;
	s2 =	smax.u32 s2, $0x1;
	s0 =	sadd.s32 s7, s0  }
0xf: {  	s7 =	sadd.s32 s5, s20;
	[dreg:$0x5] =	wrdreg s8;
	s23 =	sshrl.u32 s22, $0x3  }
0x10: {  	s24 =	sshll.u32 s22, $0x1;
	[dreg:$0x9] =	wrdreg s2;
	s20 =	simm.s32 $0x1CC00  }
0x11: {  	s21 =	sadd.s32 $0xE600, s7;
	s8 =	sadd.s32 s5, s23;
	[dreg:$0x3] =	wrdreg s7  }
0x12: {  	s7 =	sadd.s32 $0xE60A, s7;
	s25 =	sadd.s32 s6, s24;
	[dreg:$0x4] =	wrdreg s21  }
0x13: {  	s17 =	sadd.s32 $0x3BE00, s0;
	s23 =	simm.s32 $0x1CC50;
	[dreg:$0x6] =	wrdreg s8  }
0x14: {  	s24 =	simm.s32 $0x1CCF0;
	s0 =	simm.s32 $0x0;
	[dreg:$0x7] =	wrdreg s7  }
0x15: {  	v0 =	vimm.f32 $0.0e+00;
	[dreg:$0x8] =	wrdreg s25;
	s21 =	simm.s32 $0x1CCA0;
	s25 =	simm.s32 $0x1D240  }
.LBB2_1:
0x16: {  	s2 =	simm.s32 $0x0  }
.LBB2_2:
0x17: {  	p0 =	sne.s32 s2, $0x4F00  }
.Ltmp0:
0x18: {  	s8 =	sshra.s32 s2, $0x2;
	(pc) =	sbr.rel @p0 .LBB2_2-.Ltmp0, $4  }
0x19: {  	[tilespmem:s8+$0x1D740] =	vst v0  }
0x1a: {  	[tilespmem:s8+$0x1D750] =	vst v0  }
0x1b: {  	[tilespmem:s8+$0x1D760] =	vst v0  }
0x1c: {  	s2 =	sadd.s32 $0x100, s2;
	[tilespmem:s8+$0x1D770] =	vst v0  }
0x1d: {  	s2 =	sadd.s32 $0x0, s16  }
0x1e: {  	[spmem:s2] =	stream.linear.scatter [tilespmem:s18], [sflag:$0x5], $0x1400, $0x38;
	[tilespmem:$0x1FF40] =	vst v63  }
0x1f: {  	s2 =	simm.s32 $0x5000;
	_ =	swait.ge [sflag:s19], $0x1400  }
.LBB2_4:
0x20: {  	s8 =	sshra.s32 s2, $0x2;
	[sflag:s19] =	ssyncset.done $0x0;
	p0 =	sne.s32 s2, $0x6E000  }
.Ltmp1:
0x21: {  	s8 =	sadd.s32 s8, s16;
	[sflag:s19] =	ssyncadd.s32 $0xFFFFEC00;
	(pc) =	sbr.rel @p0 .LBB2_4-.Ltmp1, $3  }
0x22: {  	[spmem:s8] =	stream.linear.scatter [tilespmem:s18], [sflag:$0x5], $0x1400, $0x38;
	[tilespmem:$0x1FF40] =	vst v63  }
0x23: {  	s2 =	sadd.s32 $0x5000, s2;
	_ =	sdelay $0x1  }
0x24: {  	_ =	swait.ge [sflag:s19], $0x1400  }
0x25: {  	[sflag:s19] =	ssyncset.done $0x0  }
0x26: {  	[sflag:s19] =	ssyncadd.s32 $0xFFFFEC00  }
0x27: {  	[bflag:$0x0] =	sbarrier.arrive $0xFFFF  }
0x28: {  	s2 =	simm.s32 $0x0;
	s7 =	rddreg [dreg:$0x3]  }
0x29: {  	[tilespmem:s20], [sflag:$0x1] =	stream.linear.gather [hbm4b:s7+s2], $0x50, $0x38;
	[tilespmem:$0x1FF40] =	vst v63  }
0x2a: {  	s10 =	rddreg [dreg:$0x4]  }
0x2b: {  	[tilespmem:s21], [sflag:$0x1] =	stream.linear.gather [hbm4b:s10+s2], $0x50, $0x38;
	[tilespmem:$0x1FF40] =	vst v63  }
0x2c: {  	s8 =	simm.s32 $0x1CD40;
	s11 =	rddreg [dreg:$0x5]  }
0x2d: {  	[tilespmem:s8], [sflag:$0x1] =	stream.linear.gather [hbm4b:s11+s2], $0x500, $0x38;
	[tilespmem:$0x1FF40] =	vst v63  }
0x2e: {  	s12 =	rddreg [dreg:$0x6]  }
0x2f: {  	[tilespmem:s23], [sflag:$0x2] =	stream.linear.gather [hbm4b:s12+s2], $0x50, $0x38;
	[tilespmem:$0x1FF40] =	vst v63  }
0x30: {  	s15 =	rddreg [dreg:$0x7]  }
0x31: {  	[tilespmem:s24], [sflag:$0x2] =	stream.linear.gather [hbm4b:s15+s2], $0x50, $0x38;
	[tilespmem:$0x1FF40] =	vst v63  }
0x32: {  	s22 =	rddreg [dreg:$0x8]  }
0x33: {  	[tilespmem:s25], [sflag:$0x2] =	stream.linear.gather [hbm4b:s22+s2], $0x500, $0x38;
	[tilespmem:$0x1FF40] =	vst v63  }
0x34: {  	_ =	swait.ge [sflag:s26], $0x50  }
0x35: {  	[sflag:s26] =	ssyncset.done $0x0  }
0x36: {  	[sflag:s26] =	ssyncadd.s32 $0xFFFFFFB0  }
0x37: {  	_ =	swait.ge [sflag:s26], $0x50  }
0x38: {  	[sflag:s26] =	ssyncset.done $0x0  }
0x39: {  	[sflag:s26] =	ssyncadd.s32 $0xFFFFFFB0  }
0x3a: {  	_ =	swait.ge [sflag:s26], $0x500  }
0x3b: {  	[sflag:s26] =	ssyncset.done $0x0  }
0x3c: {  	[sflag:s26] =	ssyncadd.s32 $0xFFFFFB00  }
0x3d: {  	[tilespmem:s18], [sflag:$0x3] =	stream.indirect.gather [hbm4b:s4+s28], $0x40, s20, s28, $0xb8;
	[tilespmem:$0x1FF40] =	vst v63  }
.LBB2_6:
0x3e: {  	_ =	swait.ge [sflag:s29], $0x50  }
0x3f: {  	[sflag:s29] =	ssyncset.done $0x0  }
0x40: {  	[sflag:s29] =	ssyncadd.s32 $0xFFFFFFB0  }
0x41: {  	_ =	swait.ge [sflag:s29], $0x50  }
0x42: {  	[sflag:s29] =	ssyncset.done $0x0  }
0x43: {  	[sflag:s29] =	ssyncadd.s32 $0xFFFFFFB0  }
0x44: {  	_ =	swait.ge [sflag:s29], $0x500  }
0x45: {  	p0 =	seq.s32 s2, $0x5B;
	[sflag:s29] =	ssyncset.done $0x0  }
0x46: {  	s22 =	smul.u32 @!p0 $0xA0, s2;
	[sflag:s29] =	ssyncadd.s32 $0xFFFFFB00  }
0x47: {  	[tilespmem:s30], [sflag:$0x4] =	stream.indirect.gather [hbm4b:s4+s28], $0x40, s23, s28, $0xb8;
	[tilespmem:$0x1FF40] =	vst v63  }
0x48: {  	s8 =	sadd.s32 @!p0 s22, s13;
	_ =	swait.ge [sflag:s31], $0x1400  }
0x49: {  	s10 =	simm.s32 @!p0 $0x0;
	s9 =	sshrl.u32 @!p0 s8, $0x3;
	[sflag:s31] =	ssyncset.done $0x0  }
0x4a: {  	s11 =	simm.s32 @!p0 $0x1CC00;
	s9 =	sadd.s32 @!p0 s5, s9;
	[sflag:s31] =	ssyncadd.s32 $0xFFFFEC00  }
0x4b: {  	[tilespmem:s11], [sflag:$0x1] =	stream.linear.gather @!p0 [hbm4b:s9+s10], $0x50, $0x38;
	[tilespmem:$0x1FF40] =	vst v63  }
0x4c: {  	s10 =	simm.s32 $0x1D840  }
0x4d: {  	s11 =	simm.s32 $0x0;
	v1 =	vld [tilespmem:s10+$0xFFFFFF30]  }
0x4e: {  	v2 =	vld [tilespmem:s11+$0x1CD40]  }
0x4f: {  	v3 =	vld [tilespmem:s10+$0xFFFFFF00]  }
0x50: {  	v4 =	vld [tilespmem:s10+$0xFFFFFF10]  }
0x51: {  	v5 =	vld [tilespmem:s10+$0xFFFFFF20];
	_ =	sdelay $0x1  }
0x52: {  	v1 =	vmul.f32 v1, v2  }
0x53: {  	v3 =	vmul.f32 v3, v2  }
0x54: {  	v4 =	vmul.f32 v4, v2;
	[tilespmem:s10+$0xFFFFFF30] =	vst v1  }
0x55: {  	v1 =	vmul.f32 v5, v2;
	[tilespmem:s10+$0xFFFFFF00] =	vst v3  }
0x56: {  	[tilespmem:s10+$0xFFFFFF10] =	vst v4  }
0x57: {  	[tilespmem:s10+$0xFFFFFF20] =	vst v1;
	v1 =	vld [tilespmem:s10+$0xFFFFFF40]  }
0x58: {  	v3 =	vld [tilespmem:s11+$0x1CD50]  }
0x59: {  	v2 =	vld [tilespmem:s10+$0xFFFFFF50]  }
0x5a: {  	v4 =	vld [tilespmem:s10+$0xFFFFFF70]  }
0x5b: {  	v5 =	vld [tilespmem:s10+$0xFFFFFF60];
	_ =	sdelay $0x1  }
0x5c: {  	v1 =	vmul.f32 v1, v3  }
0x5d: {  	v2 =	vmul.f32 v2, v3  }
0x5e: {  	v4 =	vmul.f32 v4, v3;
	[tilespmem:s10+$0xFFFFFF40] =	vst v1  }
0x5f: {  	[tilespmem:s10+$0xFFFFFF50] =	vst v2;
	v1 =	vmul.f32 v5, v3  }
0x60: {  	[tilespmem:s10+$0xFFFFFF70] =	vst v4  }
0x61: {  	[tilespmem:s10+$0xFFFFFF60] =	vst v1;
	v1 =	vld [tilespmem:s10+$0xFFFFFF80]  }
0x62: {  	v3 =	vld [tilespmem:s11+$0x1CD60]  }
0x63: {  	v4 =	vld [tilespmem:s10+$0xFFFFFFB0]  }
0x64: {  	v2 =	vld [tilespmem:s10+$0xFFFFFF90]  }
0x65: {  	v5 =	vld [tilespmem:s10+$0xFFFFFFA0];
	_ =	sdelay $0x1  }
0x66: {  	v1 =	vmul.f32 v1, v3  }
0x67: {  	v4 =	vmul.f32 v4, v3  }
0x68: {  	v2 =	vmul.f32 v2, v3;
	[tilespmem:s10+$0xFFFFFF80] =	vst v1  }
0x69: {  	v1 =	vmul.f32 v5, v3;
	[tilespmem:s10+$0xFFFFFFB0] =	vst v4  }
0x6a: {  	[tilespmem:s10+$0xFFFFFF90] =	vst v2  }
0x6b: {  	[tilespmem:s10+$0xFFFFFFA0] =	vst v1;
	v1 =	vld [tilespmem:s10+$0xFFFFFFC0]  }
0x6c: {  	v3 =	vld [tilespmem:s11+$0x1CD70]  }
0x6d: {  	v2 =	vld [tilespmem:s10+$0xFFFFFFD0]  }
0x6e: {  	v4 =	vld [tilespmem:s10+$0xFFFFFFF0]  }
0x6f: {  	v5 =	vld [tilespmem:s10+$0xFFFFFFE0];
	_ =	sdelay $0x1  }
0x70: {  	v1 =	vmul.f32 v1, v3  }
0x71: {  	v2 =	vmul.f32 v2, v3  }
0x72: {  	v4 =	vmul.f32 v4, v3;
	[tilespmem:s10+$0xFFFFFFC0] =	vst v1  }
0x73: {  	[tilespmem:s10+$0xFFFFFFD0] =	vst v2;
	v1 =	vmul.f32 v5, v3  }
0x74: {  	[tilespmem:s10+$0xFFFFFFF0] =	vst v4  }
0x75: {  	[tilespmem:s10+$0xFFFFFFE0] =	vst v1;
	v1 =	vld [tilespmem:s10+$0x0]  }
0x76: {  	v3 =	vld [tilespmem:s11+$0x1CD80]  }
0x77: {  	v4 =	vld [tilespmem:s10+$0x30]  }
0x78: {  	v2 =	vld [tilespmem:s10+$0x10]  }
0x79: {  	v5 =	vld [tilespmem:s10+$0x20];
	_ =	sdelay $0x1  }
0x7a: {  	v1 =	vmul.f32 v1, v3  }
0x7b: {  	v4 =	vmul.f32 v4, v3  }
0x7c: {  	[tilespmem:s10+$0x0] =	vst v1;
	v1 =	vmul.f32 v2, v3  }
0x7d: {  	[tilespmem:s10+$0x30] =	vst v4;
	v2 =	vmul.f32 v5, v3  }
0x7e: {  	v3 =	vld [tilespmem:s10+$0x40];
	[tilespmem:s10+$0x10] =	vst v1  }
0x7f: {  	v4 =	vld [tilespmem:s10+$0x70];
	[tilespmem:s10+$0x20] =	vst v2  }
0x80: {  	v2 =	vld [tilespmem:s11+$0x1CD90]  }
0x81: {  	v1 =	vld [tilespmem:s10+$0x50]  }
0x82: {  	v5 =	vld [tilespmem:s10+$0x60];
	_ =	sdelay $0x2  }
0x83: {  	v6 =	vmul.f32 v3, v2  }
0x84: {  	v3 =	vmul.f32 v1, v2  }
0x85: {  	s12 =	simm.s32 $0x200;
	s15 =	simm.s32 $0x1D840;
	v1 =	vmul.f32 v5, v2;
	v2 =	vmul.f32 v4, v2;
	[tilespmem:s10+$0x40] =	vst v6  }
.LBB2_7:
0x86: {  	p1 =	sne.s32 s12, $0x1200  }
0x87: {  	[tilespmem:s10+$0x50] =	vst v3;
	v3 =	vld [tilespmem:s10+$0x80];
	s15 =	sadd.s32 $0x200, s15;
	s7 =	smov.u32 s12;
	s12 =	sadd.s32 $0x200, s12  }
0x88: {  	[tilespmem:s10+$0x70] =	vst v2;
	v2 =	vld [tilespmem:s10+$0xB0]  }
0x89: {  	[tilespmem:s10+$0x60] =	vst v1;
	v1 =	vld [tilespmem:s10+$0x90]  }
0x8a: {  	v4 =	vld [tilespmem:s11+$0x1CDA0]  }
0x8b: {  	v5 =	vld [tilespmem:s10+$0xA0];
	_ =	sdelay $0x3  }
0x8c: {  	v3 =	vmul.f32 v3, v4;
	v1 =	vmul.f32 v1, v4  }
0x8d: {  	v2 =	vmul.f32 v2, v4;
	v5 =	vmul.f32 v5, v4  }
0x8e: {  	[tilespmem:s10+$0x80] =	vst v3  }
0x8f: {  	[tilespmem:s10+$0xB0] =	vst v2;
	v2 =	vld [tilespmem:s10+$0xC0]  }
0x90: {  	[tilespmem:s10+$0x90] =	vst v1;
	v1 =	vld [tilespmem:s10+$0xF0]  }
0x91: {  	[tilespmem:s10+$0xA0] =	vst v5;
	v3 =	vld [tilespmem:s10+$0xD0]  }
0x92: {  	v4 =	vld [tilespmem:s11+$0x1CDB0]  }
0x93: {  	v5 =	vld [tilespmem:s10+$0xE0];
	_ =	sdelay $0x3  }
0x94: {  	v2 =	vmul.f32 v2, v4;
	v3 =	vmul.f32 v3, v4  }
0x95: {  	v1 =	vmul.f32 v1, v4;
	v5 =	vmul.f32 v5, v4  }
0x96: {  	[tilespmem:s10+$0xC0] =	vst v2  }
0x97: {  	v2 =	vld [tilespmem:s15+$0xFFFFFF20];
	[tilespmem:s10+$0xD0] =	vst v3  }
0x98: {  	v3 =	vld [tilespmem:s15+$0xFFFFFF30];
	[tilespmem:s10+$0xF0] =	vst v1  }
0x99: {  	s11 =	sshra.s32 s7, $0x2;
	v1 =	vld [tilespmem:s15+$0xFFFFFF00];
	[tilespmem:s10+$0xE0] =	vst v5;
	s10 =	smov.u32 s15  }
0x9a: {  	v4 =	vld [tilespmem:s11+$0x1CD40]  }
0x9b: {  	v5 =	vld [tilespmem:s15+$0xFFFFFF10];
	_ =	sdelay $0x3  }
0x9c: {  	v1 =	vmul.f32 v1, v4;
	v3 =	vmul.f32 v3, v4  }
0x9d: {  	v2 =	vmul.f32 v2, v4;
	v5 =	vmul.f32 v5, v4  }
0x9e: {  	[tilespmem:s15+$0xFFFFFF30] =	vst v3  }
0x9f: {  	[tilespmem:s15+$0xFFFFFF00] =	vst v1;
	v1 =	vld [tilespmem:s15+$0xFFFFFF70]  }
0xa0: {  	[tilespmem:s15+$0xFFFFFF10] =	vst v5;
	v3 =	vld [tilespmem:s15+$0xFFFFFF50]  }
0xa1: {  	[tilespmem:s15+$0xFFFFFF20] =	vst v2;
	v2 =	vld [tilespmem:s15+$0xFFFFFF40]  }
0xa2: {  	v4 =	vld [tilespmem:s11+$0x1CD50]  }
0xa3: {  	v5 =	vld [tilespmem:s15+$0xFFFFFF60];
	_ =	sdelay $0x3  }
0xa4: {  	v2 =	vmul.f32 v2, v4;
	v3 =	vmul.f32 v3, v4  }
0xa5: {  	v1 =	vmul.f32 v1, v4;
	v5 =	vmul.f32 v5, v4  }
0xa6: {  	[tilespmem:s15+$0xFFFFFF40] =	vst v2  }
0xa7: {  	[tilespmem:s15+$0xFFFFFF50] =	vst v3;
	v2 =	vld [tilespmem:s15+$0xFFFFFFB0]  }
0xa8: {  	[tilespmem:s15+$0xFFFFFF70] =	vst v1;
	v1 =	vld [tilespmem:s15+$0xFFFFFF90]  }
0xa9: {  	[tilespmem:s15+$0xFFFFFF60] =	vst v5;
	v3 =	vld [tilespmem:s15+$0xFFFFFF80]  }
0xaa: {  	v4 =	vld [tilespmem:s11+$0x1CD60]  }
0xab: {  	v5 =	vld [tilespmem:s15+$0xFFFFFFA0];
	_ =	sdelay $0x3  }
0xac: {  	v3 =	vmul.f32 v3, v4;
	v1 =	vmul.f32 v1, v4  }
0xad: {  	v2 =	vmul.f32 v2, v4;
	v5 =	vmul.f32 v5, v4  }
0xae: {  	[tilespmem:s15+$0xFFFFFF80] =	vst v3  }
0xaf: {  	[tilespmem:s15+$0xFFFFFFB0] =	vst v2;
	v2 =	vld [tilespmem:s15+$0xFFFFFFF0]  }
0xb0: {  	[tilespmem:s15+$0xFFFFFF90] =	vst v1;
	v1 =	vld [tilespmem:s15+$0xFFFFFFD0]  }
0xb1: {  	[tilespmem:s15+$0xFFFFFFA0] =	vst v5;
	v3 =	vld [tilespmem:s15+$0xFFFFFFC0]  }
0xb2: {  	v4 =	vld [tilespmem:s11+$0x1CD70]  }
0xb3: {  	v5 =	vld [tilespmem:s15+$0xFFFFFFE0];
	_ =	sdelay $0x3  }
0xb4: {  	v3 =	vmul.f32 v3, v4;
	v1 =	vmul.f32 v1, v4  }
0xb5: {  	v2 =	vmul.f32 v2, v4;
	v5 =	vmul.f32 v5, v4  }
0xb6: {  	[tilespmem:s15+$0xFFFFFFC0] =	vst v3  }
0xb7: {  	[tilespmem:s15+$0xFFFFFFD0] =	vst v1;
	v1 =	vld [tilespmem:s15+$0x30]  }
0xb8: {  	[tilespmem:s15+$0xFFFFFFF0] =	vst v2;
	v2 =	vld [tilespmem:s15+$0x10]  }
0xb9: {  	[tilespmem:s15+$0xFFFFFFE0] =	vst v5;
	v3 =	vld [tilespmem:s15+$0x0]  }
0xba: {  	v4 =	vld [tilespmem:s11+$0x1CD80]  }
0xbb: {  	v5 =	vld [tilespmem:s15+$0x20];
	_ =	sdelay $0x3  }
0xbc: {  	v3 =	vmul.f32 v3, v4;
	v2 =	vmul.f32 v2, v4  }
0xbd: {  	v1 =	vmul.f32 v1, v4;
	v5 =	vmul.f32 v5, v4  }
0xbe: {  	[tilespmem:s15+$0x0] =	vst v3  }
0xbf: {  	[tilespmem:s15+$0x30] =	vst v1;
	v1 =	vld [tilespmem:s15+$0x40]  }
0xc0: {  	[tilespmem:s15+$0x10] =	vst v2;
	v2 =	vld [tilespmem:s15+$0x70]  }
0xc1: {  	[tilespmem:s15+$0x20] =	vst v5;
	v3 =	vld [tilespmem:s15+$0x50]  }
0xc2: {  	v4 =	vld [tilespmem:s11+$0x1CD90]  }
0xc3: {  	v5 =	vld [tilespmem:s15+$0x60];
	_ =	sdelay $0x1  }
.Ltmp2:
0xc4: {  	(pc) =	sbr.rel @p1 .LBB2_7-.Ltmp2, $4  }
0xc5: {  	_ = 	snop  }
0xc6: {  	v6 =	vmul.f32 v1, v4;
	v3 =	vmul.f32 v3, v4  }
0xc7: {  	v2 =	vmul.f32 v2, v4;
	v1 =	vmul.f32 v5, v4  }
0xc8: {  	[tilespmem:s15+$0x40] =	vst v6  }
0xc9: {  	[tilespmem:s10+$0x50] =	vst v3  }
0xca: {  	[tilespmem:s10+$0x70] =	vst v2  }
0xcb: {  	v3 =	vld [tilespmem:s10+$0x80];
	[tilespmem:s10+$0x60] =	vst v1  }
0xcc: {  	v1 =	vld [tilespmem:s11+$0x1CDA0]  }
0xcd: {  	v2 =	vld [tilespmem:s10+$0xB0]  }
0xce: {  	v4 =	vld [tilespmem:s10+$0x90]  }
0xcf: {  	v5 =	vld [tilespmem:s10+$0xA0];
	_ =	sdelay $0x1  }
0xd0: {  	v3 =	vmul.f32 v3, v1  }
0xd1: {  	v2 =	vmul.f32 v2, v1  }
0xd2: {  	[tilespmem:s10+$0x80] =	vst v3;
	v3 =	vmul.f32 v4, v1  }
0xd3: {  	[tilespmem:s10+$0xB0] =	vst v2;
	v1 =	vmul.f32 v5, v1  }
0xd4: {  	[tilespmem:s10+$0x90] =	vst v3  }
0xd5: {  	v2 =	vld [tilespmem:s10+$0xC0];
	[tilespmem:s10+$0xA0] =	vst v1  }
0xd6: {  	v1 =	vld [tilespmem:s11+$0x1CDB0]  }
0xd7: {  	v3 =	vld [tilespmem:s10+$0xD0]  }
0xd8: {  	v4 =	vld [tilespmem:s10+$0xF0]  }
0xd9: {  	v5 =	vld [tilespmem:s10+$0xE0];
	_ =	sdelay $0x1  }
0xda: {  	v2 =	vmul.f32 v2, v1  }
0xdb: {  	v3 =	vmul.f32 v3, v1  }
0xdc: {  	v4 =	vmul.f32 v4, v1;
	[tilespmem:s10+$0xC0] =	vst v2  }
0xdd: {  	v1 =	vmul.f32 v5, v1;
	[tilespmem:s10+$0xD0] =	vst v3  }
0xde: {  	[tilespmem:s10+$0xF0] =	vst v4  }
0xdf: {  	[tilespmem:s10+$0xE0] =	vst v1  }
0xe0: {  	[spmem:s1] =	stream.indirect.scatter.add.f32 [tilespmem:s18], [sflag:$0x5], $0x40, s21, s28, $0xb8;
	[tilespmem:$0x1FF40] =	vst v63  }
0xe1: {  	_ =	swait.ge [sflag:s19], $0x1400  }
0xe2: {  	[sflag:s19] =	ssyncset.done $0x0  }
0xe3: {  	s7 =	simm.s32 @p0 $0x4;
	[sflag:s19] =	ssyncadd.s32 $0xFFFFEC00  }
0xe4: {  	_ =	swait.ge @p0 [sflag:s7], $0x1400  }
0xe5: {  	s10 =	simm.s32 @!p0 $0x1CCA0;
	[sflag:s7] =	ssyncset.done @p0 $0x0  }
0xe6: {  	[sflag:s7] =	ssyncadd.s32 @p0 $0xFFFFEC00;
	s7 =	sadd.s32 @!p0 $0xE600, s9;
	s9 =	simm.s32 @!p0 $0x0  }
0xe7: {  	[tilespmem:s10], [sflag:$0x1] =	stream.linear.gather @!p0 [hbm4b:s7+s9], $0x50, $0x38;
	[tilespmem:$0x1FF40] =	vst v63  }
0xe8: {  	s7 =	sshll.u32 @!p0 s8, $0x1  }
0xe9: {  	s7 =	sand.u32 @!p0 $0x1FFFFFC0, s7  }
0xea: {  	s8 =	simm.s32 @!p0 $0x1CD40;
	s7 =	sadd.s32 @!p0 s6, s7  }
0xeb: {  	[tilespmem:s8], [sflag:$0x1] =	stream.linear.gather @!p0 [hbm4b:s7+s9], $0x500, $0x38;
	[tilespmem:$0x1FF40] =	vst v63  }
0xec: {  	s7 =	simm.s32 @!p0 $0x4  }
0xed: {  	s8 =	sadd.s32 @!p0 s22, s14;
	_ =	swait.ge @!p0 [sflag:s7], $0x1400  }
0xee: {  	s8 =	sshrl.u32 @!p0 s8, $0x3;
	[sflag:s7] =	ssyncset.done @!p0 $0x0  }
0xef: {  	[sflag:s7] =	ssyncadd.s32 @!p0 $0xFFFFEC00;
	s7 =	sadd.s32 @!p0 s5, s8;
	s8 =	simm.s32 @!p0 $0x1CC50  }
0xf0: {  	[tilespmem:s8], [sflag:$0x2] =	stream.linear.gather @!p0 [hbm4b:s7+s9], $0x50, $0x38;
	[tilespmem:$0x1FF40] =	vst v63  }
0xf1: {  	s8 =	simm.s32 $0x1EC40  }
0xf2: {  	s9 =	simm.s32 $0x0;
	v1 =	vld [tilespmem:s8+$0xFFFFFF30]  }
0xf3: {  	v2 =	vld [tilespmem:s9+$0x1D240]  }
0xf4: {  	v3 =	vld [tilespmem:s8+$0xFFFFFF00]  }
0xf5: {  	v4 =	vld [tilespmem:s8+$0xFFFFFF10]  }
0xf6: {  	v5 =	vld [tilespmem:s8+$0xFFFFFF20];
	_ =	sdelay $0x1  }
0xf7: {  	v1 =	vmul.f32 v1, v2  }
0xf8: {  	v3 =	vmul.f32 v3, v2  }
0xf9: {  	v4 =	vmul.f32 v4, v2;
	[tilespmem:s8+$0xFFFFFF30] =	vst v1  }
0xfa: {  	v1 =	vmul.f32 v5, v2;
	[tilespmem:s8+$0xFFFFFF00] =	vst v3  }
0xfb: {  	[tilespmem:s8+$0xFFFFFF10] =	vst v4  }
0xfc: {  	[tilespmem:s8+$0xFFFFFF20] =	vst v1;
	v1 =	vld [tilespmem:s8+$0xFFFFFF40]  }
0xfd: {  	v3 =	vld [tilespmem:s9+$0x1D250]  }
0xfe: {  	v2 =	vld [tilespmem:s8+$0xFFFFFF50]  }
0xff: {  	v4 =	vld [tilespmem:s8+$0xFFFFFF70]  }
0x100: {  	v5 =	vld [tilespmem:s8+$0xFFFFFF60];
	_ =	sdelay $0x1  }
0x101: {  	v1 =	vmul.f32 v1, v3  }
0x102: {  	v2 =	vmul.f32 v2, v3  }
0x103: {  	v4 =	vmul.f32 v4, v3;
	[tilespmem:s8+$0xFFFFFF40] =	vst v1  }
0x104: {  	[tilespmem:s8+$0xFFFFFF50] =	vst v2;
	v1 =	vmul.f32 v5, v3  }
0x105: {  	[tilespmem:s8+$0xFFFFFF70] =	vst v4  }
0x106: {  	[tilespmem:s8+$0xFFFFFF60] =	vst v1;
	v1 =	vld [tilespmem:s8+$0xFFFFFF80]  }
0x107: {  	v3 =	vld [tilespmem:s9+$0x1D260]  }
0x108: {  	v4 =	vld [tilespmem:s8+$0xFFFFFFB0]  }
0x109: {  	v2 =	vld [tilespmem:s8+$0xFFFFFF90]  }
0x10a: {  	v5 =	vld [tilespmem:s8+$0xFFFFFFA0];
	_ =	sdelay $0x1  }
0x10b: {  	v1 =	vmul.f32 v1, v3  }
0x10c: {  	v4 =	vmul.f32 v4, v3  }
0x10d: {  	v2 =	vmul.f32 v2, v3;
	[tilespmem:s8+$0xFFFFFF80] =	vst v1  }
0x10e: {  	v1 =	vmul.f32 v5, v3;
	[tilespmem:s8+$0xFFFFFFB0] =	vst v4  }
0x10f: {  	[tilespmem:s8+$0xFFFFFF90] =	vst v2  }
0x110: {  	[tilespmem:s8+$0xFFFFFFA0] =	vst v1;
	v1 =	vld [tilespmem:s8+$0xFFFFFFC0]  }
0x111: {  	v3 =	vld [tilespmem:s9+$0x1D270]  }
0x112: {  	v2 =	vld [tilespmem:s8+$0xFFFFFFD0]  }
0x113: {  	v4 =	vld [tilespmem:s8+$0xFFFFFFF0]  }
0x114: {  	v5 =	vld [tilespmem:s8+$0xFFFFFFE0];
	_ =	sdelay $0x1  }
0x115: {  	v1 =	vmul.f32 v1, v3  }
0x116: {  	v2 =	vmul.f32 v2, v3  }
0x117: {  	v4 =	vmul.f32 v4, v3;
	[tilespmem:s8+$0xFFFFFFC0] =	vst v1  }
0x118: {  	[tilespmem:s8+$0xFFFFFFD0] =	vst v2;
	v1 =	vmul.f32 v5, v3  }
0x119: {  	[tilespmem:s8+$0xFFFFFFF0] =	vst v4  }
0x11a: {  	[tilespmem:s8+$0xFFFFFFE0] =	vst v1;
	v1 =	vld [tilespmem:s8+$0x0]  }
0x11b: {  	v3 =	vld [tilespmem:s9+$0x1D280]  }
0x11c: {  	v4 =	vld [tilespmem:s8+$0x30]  }
0x11d: {  	v2 =	vld [tilespmem:s8+$0x10]  }
0x11e: {  	v5 =	vld [tilespmem:s8+$0x20];
	_ =	sdelay $0x1  }
0x11f: {  	v1 =	vmul.f32 v1, v3  }
0x120: {  	v4 =	vmul.f32 v4, v3  }
0x121: {  	[tilespmem:s8+$0x0] =	vst v1;
	v1 =	vmul.f32 v2, v3  }
0x122: {  	[tilespmem:s8+$0x30] =	vst v4;
	v2 =	vmul.f32 v5, v3  }
0x123: {  	v3 =	vld [tilespmem:s8+$0x40];
	[tilespmem:s8+$0x10] =	vst v1  }
0x124: {  	v4 =	vld [tilespmem:s8+$0x70];
	[tilespmem:s8+$0x20] =	vst v2  }
0x125: {  	v2 =	vld [tilespmem:s9+$0x1D290]  }
0x126: {  	v1 =	vld [tilespmem:s8+$0x50]  }
0x127: {  	v5 =	vld [tilespmem:s8+$0x60];
	_ =	sdelay $0x2  }
0x128: {  	v6 =	vmul.f32 v3, v2  }
0x129: {  	v3 =	vmul.f32 v1, v2  }
0x12a: {  	s11 =	simm.s32 $0x1EC40;
	s10 =	simm.s32 $0x200;
	v1 =	vmul.f32 v5, v2;
	v2 =	vmul.f32 v4, v2;
	[tilespmem:s8+$0x40] =	vst v6  }
.LBB2_9:
0x12b: {  	p1 =	sne.s32 s10, $0x1200  }
0x12c: {  	[tilespmem:s8+$0x50] =	vst v3;
	v3 =	vld [tilespmem:s8+$0x80];
	s11 =	sadd.s32 $0x200, s11;
	s7 =	smov.u32 s10;
	s10 =	sadd.s32 $0x200, s10  }
0x12d: {  	[tilespmem:s8+$0x70] =	vst v2;
	v2 =	vld [tilespmem:s8+$0xB0]  }
0x12e: {  	[tilespmem:s8+$0x60] =	vst v1;
	v1 =	vld [tilespmem:s8+$0x90]  }
0x12f: {  	v4 =	vld [tilespmem:s9+$0x1D2A0]  }
0x130: {  	v5 =	vld [tilespmem:s8+$0xA0];
	_ =	sdelay $0x3  }
0x131: {  	v3 =	vmul.f32 v3, v4;
	v1 =	vmul.f32 v1, v4  }
0x132: {  	v2 =	vmul.f32 v2, v4;
	v5 =	vmul.f32 v5, v4  }
0x133: {  	[tilespmem:s8+$0x80] =	vst v3  }
0x134: {  	[tilespmem:s8+$0xB0] =	vst v2;
	v2 =	vld [tilespmem:s8+$0xC0]  }
0x135: {  	[tilespmem:s8+$0x90] =	vst v1;
	v1 =	vld [tilespmem:s8+$0xF0]  }
0x136: {  	[tilespmem:s8+$0xA0] =	vst v5;
	v3 =	vld [tilespmem:s8+$0xD0]  }
0x137: {  	v4 =	vld [tilespmem:s9+$0x1D2B0]  }
0x138: {  	v5 =	vld [tilespmem:s8+$0xE0];
	_ =	sdelay $0x3  }
0x139: {  	v2 =	vmul.f32 v2, v4;
	v3 =	vmul.f32 v3, v4  }
0x13a: {  	v1 =	vmul.f32 v1, v4;
	v5 =	vmul.f32 v5, v4  }
0x13b: {  	[tilespmem:s8+$0xC0] =	vst v2  }
0x13c: {  	v2 =	vld [tilespmem:s11+$0xFFFFFF20];
	[tilespmem:s8+$0xD0] =	vst v3  }
0x13d: {  	v3 =	vld [tilespmem:s11+$0xFFFFFF30];
	[tilespmem:s8+$0xF0] =	vst v1  }
0x13e: {  	s9 =	sshra.s32 s7, $0x2;
	v1 =	vld [tilespmem:s11+$0xFFFFFF00];
	[tilespmem:s8+$0xE0] =	vst v5;
	s8 =	smov.u32 s11  }
0x13f: {  	v4 =	vld [tilespmem:s9+$0x1D240]  }
0x140: {  	v5 =	vld [tilespmem:s11+$0xFFFFFF10];
	_ =	sdelay $0x3  }
0x141: {  	v1 =	vmul.f32 v1, v4;
	v3 =	vmul.f32 v3, v4  }
0x142: {  	v2 =	vmul.f32 v2, v4;
	v5 =	vmul.f32 v5, v4  }
0x143: {  	[tilespmem:s11+$0xFFFFFF30] =	vst v3  }
0x144: {  	[tilespmem:s11+$0xFFFFFF00] =	vst v1;
	v1 =	vld [tilespmem:s11+$0xFFFFFF70]  }
0x145: {  	[tilespmem:s11+$0xFFFFFF10] =	vst v5;
	v3 =	vld [tilespmem:s11+$0xFFFFFF50]  }
0x146: {  	[tilespmem:s11+$0xFFFFFF20] =	vst v2;
	v2 =	vld [tilespmem:s11+$0xFFFFFF40]  }
0x147: {  	v4 =	vld [tilespmem:s9+$0x1D250]  }
0x148: {  	v5 =	vld [tilespmem:s11+$0xFFFFFF60];
	_ =	sdelay $0x3  }
0x149: {  	v2 =	vmul.f32 v2, v4;
	v3 =	vmul.f32 v3, v4  }
0x14a: {  	v1 =	vmul.f32 v1, v4;
	v5 =	vmul.f32 v5, v4  }
0x14b: {  	[tilespmem:s11+$0xFFFFFF40] =	vst v2  }
0x14c: {  	[tilespmem:s11+$0xFFFFFF50] =	vst v3;
	v2 =	vld [tilespmem:s11+$0xFFFFFFB0]  }
0x14d: {  	[tilespmem:s11+$0xFFFFFF70] =	vst v1;
	v1 =	vld [tilespmem:s11+$0xFFFFFF90]  }
0x14e: {  	[tilespmem:s11+$0xFFFFFF60] =	vst v5;
	v3 =	vld [tilespmem:s11+$0xFFFFFF80]  }
0x14f: {  	v4 =	vld [tilespmem:s9+$0x1D260]  }
0x150: {  	v5 =	vld [tilespmem:s11+$0xFFFFFFA0];
	_ =	sdelay $0x3  }
0x151: {  	v3 =	vmul.f32 v3, v4;
	v1 =	vmul.f32 v1, v4  }
0x152: {  	v2 =	vmul.f32 v2, v4;
	v5 =	vmul.f32 v5, v4  }
0x153: {  	[tilespmem:s11+$0xFFFFFF80] =	vst v3  }
0x154: {  	[tilespmem:s11+$0xFFFFFFB0] =	vst v2;
	v2 =	vld [tilespmem:s11+$0xFFFFFFF0]  }
0x155: {  	[tilespmem:s11+$0xFFFFFF90] =	vst v1;
	v1 =	vld [tilespmem:s11+$0xFFFFFFD0]  }
0x156: {  	[tilespmem:s11+$0xFFFFFFA0] =	vst v5;
	v3 =	vld [tilespmem:s11+$0xFFFFFFC0]  }
0x157: {  	v4 =	vld [tilespmem:s9+$0x1D270]  }
0x158: {  	v5 =	vld [tilespmem:s11+$0xFFFFFFE0];
	_ =	sdelay $0x3  }
0x159: {  	v3 =	vmul.f32 v3, v4;
	v1 =	vmul.f32 v1, v4  }
0x15a: {  	v2 =	vmul.f32 v2, v4;
	v5 =	vmul.f32 v5, v4  }
0x15b: {  	[tilespmem:s11+$0xFFFFFFC0] =	vst v3  }
0x15c: {  	[tilespmem:s11+$0xFFFFFFD0] =	vst v1;
	v1 =	vld [tilespmem:s11+$0x30]  }
0x15d: {  	[tilespmem:s11+$0xFFFFFFF0] =	vst v2;
	v2 =	vld [tilespmem:s11+$0x10]  }
0x15e: {  	[tilespmem:s11+$0xFFFFFFE0] =	vst v5;
	v3 =	vld [tilespmem:s11+$0x0]  }
0x15f: {  	v4 =	vld [tilespmem:s9+$0x1D280]  }
0x160: {  	v5 =	vld [tilespmem:s11+$0x20];
	_ =	sdelay $0x3  }
0x161: {  	v3 =	vmul.f32 v3, v4;
	v2 =	vmul.f32 v2, v4  }
0x162: {  	v1 =	vmul.f32 v1, v4;
	v5 =	vmul.f32 v5, v4  }
0x163: {  	[tilespmem:s11+$0x0] =	vst v3  }
0x164: {  	[tilespmem:s11+$0x30] =	vst v1;
	v1 =	vld [tilespmem:s11+$0x40]  }
0x165: {  	[tilespmem:s11+$0x10] =	vst v2;
	v2 =	vld [tilespmem:s11+$0x70]  }
0x166: {  	[tilespmem:s11+$0x20] =	vst v5;
	v3 =	vld [tilespmem:s11+$0x50]  }
0x167: {  	v4 =	vld [tilespmem:s9+$0x1D290]  }
0x168: {  	v5 =	vld [tilespmem:s11+$0x60];
	_ =	sdelay $0x1  }
.Ltmp3:
0x169: {  	(pc) =	sbr.rel @p1 .LBB2_9-.Ltmp3, $4  }
0x16a: {  	_ = 	snop  }
0x16b: {  	v6 =	vmul.f32 v1, v4;
	v3 =	vmul.f32 v3, v4  }
0x16c: {  	v2 =	vmul.f32 v2, v4;
	v1 =	vmul.f32 v5, v4  }
0x16d: {  	[tilespmem:s11+$0x40] =	vst v6  }
0x16e: {  	[tilespmem:s8+$0x50] =	vst v3  }
0x16f: {  	[tilespmem:s8+$0x70] =	vst v2  }
0x170: {  	v3 =	vld [tilespmem:s8+$0x80];
	[tilespmem:s8+$0x60] =	vst v1  }
0x171: {  	v1 =	vld [tilespmem:s9+$0x1D2A0]  }
0x172: {  	v2 =	vld [tilespmem:s8+$0xB0]  }
0x173: {  	v4 =	vld [tilespmem:s8+$0x90]  }
0x174: {  	v5 =	vld [tilespmem:s8+$0xA0];
	_ =	sdelay $0x1  }
0x175: {  	v3 =	vmul.f32 v3, v1  }
0x176: {  	v2 =	vmul.f32 v2, v1  }
0x177: {  	[tilespmem:s8+$0x80] =	vst v3;
	v3 =	vmul.f32 v4, v1  }
0x178: {  	[tilespmem:s8+$0xB0] =	vst v2;
	v1 =	vmul.f32 v5, v1  }
0x179: {  	[tilespmem:s8+$0x90] =	vst v3  }
0x17a: {  	v2 =	vld [tilespmem:s8+$0xC0];
	[tilespmem:s8+$0xA0] =	vst v1  }
0x17b: {  	v1 =	vld [tilespmem:s9+$0x1D2B0]  }
0x17c: {  	v3 =	vld [tilespmem:s8+$0xD0]  }
0x17d: {  	v62 =	vld [tilespmem:s8+$0xF0]  }
0x17e: {  	v63 =	vld [tilespmem:s8+$0xE0];
	_ =	sdelay $0x1  }
0x17f: {  	v2 =	vmul.f32 v2, v1  }
.Ltmp4:
0x180: {  	v3 =	vmul.f32 v3, v1;
	(pc) =	sbr.rel @p0 .LBB2_12-.Ltmp4, $4  }
0x181: {  	v4 =	vmul.f32 v62, v1;
	[tilespmem:s8+$0xC0] =	vst v2  }
0x182: {  	v1 =	vmul.f32 v63, v1;
	[tilespmem:s8+$0xD0] =	vst v3  }
0x183: {  	[tilespmem:s8+$0xF0] =	vst v4  }
0x184: {  	[tilespmem:s8+$0xE0] =	vst v1  }
0x185: {  	_ =	swait.ge [sflag:s26], $0x50  }
0x186: {  	[sflag:s26] =	ssyncset.done $0x0  }
0x187: {  	[sflag:s26] =	ssyncadd.s32 $0xFFFFFFB0  }
0x188: {  	_ =	swait.ge [sflag:s26], $0x50  }
0x189: {  	[sflag:s26] =	ssyncset.done $0x0  }
0x18a: {  	[sflag:s26] =	ssyncadd.s32 $0xFFFFFFB0  }
0x18b: {  	_ =	swait.ge [sflag:s26], $0x500  }
0x18c: {  	[sflag:s26] =	ssyncset.done $0x0  }
0x18d: {  	s7 =	smul.u32 $0xA0, s2;
	[sflag:s26] =	ssyncadd.s32 $0xFFFFFB00  }
0x18e: {  	[tilespmem:s18], [sflag:$0x3] =	stream.indirect.gather [hbm4b:s4+s28], $0x40, s20, s28, $0xb8;
	[tilespmem:$0x1FF40] =	vst v63  }
0x18f: {  	s7 =	sadd.s32 s7, s14  }
0x190: {  	[spmem:s1] =	stream.indirect.scatter.add.f32 [tilespmem:s30], [sflag:$0x5], $0x40, s24, s28, $0xb8;
	[tilespmem:$0x1FF40] =	vst v63  }
0x191: {  	s8 =	sshrl.u32 s7, $0x3;
	s7 =	sshll.u32 s7, $0x1;
	_ =	swait.ge [sflag:s19], $0x1400  }
.Ltmp5:
0x192: {  	s8 =	sadd.s32 s5, s8;
	[sflag:s19] =	ssyncset.done $0x0;
	(pc) =	sbr.rel .LBB2_6-.Ltmp5, $4  }
0x193: {  	s7 =	sand.u32 $0x1FFFFFE0, s7;
	s8 =	sadd.s32 $0xE600, s8;
	[sflag:s19] =	ssyncadd.s32 $0xFFFFEC00  }
0x194: {  	[tilespmem:s24], [sflag:$0x2] =	stream.linear.gather [hbm4b:s8+s3], $0x50, $0x38;
	[tilespmem:$0x1FF40] =	vst v63  }
0x195: {  	s2 =	sadd.s32 $0x1, s2;
	s7 =	sadd.s32 s6, s7  }
0x196: {  	[tilespmem:s25], [sflag:$0x2] =	stream.linear.gather [hbm4b:s7+s3], $0x500, $0x38;
	[tilespmem:$0x1FF40] =	vst v63  }
.LBB2_12:
0x197: {  	[spmem:s1] =	stream.indirect.scatter.add.f32 [tilespmem:s30], [sflag:$0x5], $0x40, s24, s28, $0xb8;
	[tilespmem:$0x1FF40] =	vst v63  }
0x198: {  	_ =	swait.ge [sflag:s19], $0x1400  }
0x199: {  	[sflag:s19] =	ssyncset.done $0x0  }
0x19a: {  	[sflag:s19] =	ssyncadd.s32 $0xFFFFEC00  }
0x19b: {  	[bflag:$0x0] =	sbarrier.arrive $0xFFFF  }
0x19c: {  	[tilespmem:s18], [sflag:$0x5] =	stream.linear.gather [spmem:s16], $0x1400, $0x38;
	[tilespmem:$0x1FF40] =	vst v63  }
0x19d: {  	_ =	swait.ge [sflag:s19], $0x1400  }
0x19e: {  	[sflag:s19] =	ssyncset.done $0x0  }
0x19f: {  	s2 =	sadd.s32 $0x0, s17;
	[sflag:s19] =	ssyncadd.s32 $0xFFFFEC00  }
0x1a0: {  	[hbm4b:s2+s3] =	stream.linear.scatter [tilespmem:s18], [sflag:$0x5], $0x1400, $0x38;
	[tilespmem:$0x1FF40] =	vst v63  }
0x1a1: {  	_ =	swait.ge [sflag:s19], $0x1400  }
0x1a2: {  	s8 =	smov.u32 s16;
	s2 =	simm.s32 $0x280;
	[sflag:s19] =	ssyncset.done $0x0  }
.LBB2_13:
0x1a3: {  	p0 =	sne.s32 s2, $0x3700;
	[sflag:s19] =	ssyncadd.s32 $0xFFFFEC00;
	s8 =	sadd.s32 $0x1400, s8  }
0x1a4: {  	[tilespmem:s18], [sflag:$0x5] =	stream.linear.gather [spmem:s8], $0x1400, $0x38;
	[tilespmem:$0x1FF40] =	vst v63  }
0x1a5: {  	s7 =	smov.u32 s2;
	s2 =	sadd.s32 $0x280, s2;
	_ =	swait.ge [sflag:s19], $0x1400  }
.Ltmp6:
0x1a6: {  	[sflag:s19] =	ssyncset.done $0x0;
	(pc) =	sbr.rel @p0 .LBB2_13-.Ltmp6, $4  }
0x1a7: {  	s7 =	sadd.s32 s7, s17;
	[sflag:s19] =	ssyncadd.s32 $0xFFFFEC00  }
0x1a8: {  	[hbm4b:s7+s3] =	stream.linear.scatter [tilespmem:s18], [sflag:$0x5], $0x1400, $0x38;
	[tilespmem:$0x1FF40] =	vst v63  }
0x1a9: {  	_ =	swait.ge [sflag:s19], $0x1400  }
0x1aa: {  	[sflag:s19] =	ssyncset.done $0x0  }
0x1ab: {  	s0 =	sadd.s32 $0x1, s0;
	s2 =	rddreg [dreg:$0x9]  }
0x1ac: {  	p0 =	sne.s32 s0, s2  }
.Ltmp7:
0x1ad: {  	_ = 	snop;
	(pc) =	sbr.rel @p0 .LBB2_1-.Ltmp7, $2  }
0x1ae: {  	_ =	sdelay $0x2  }
0x1af: {  	[sflag:s19] =	ssyncadd.s32 $0xFFFFEC00  }
0x1b0: {  	_ =	sfence.sel $0x180000  }
0x1b1: {  	[bflag:$0x0] =	sbarrier.arrive $0xFFFF  }
0x1b2: {  	_ =	strace $0x9000004A  }
0x1b3: {  	s0 =	stileid.u32;
	[bflag:$0x2] =	sbarrier.arrive $0xFFFF  }
0x1b4: {  	p0 =	sne.s32 s0, $0x0;
	s0 =	rddreg [dreg:$0x2]  }
0x1b5: {  	s0 =	sadd.s32 @!p0 $0x100000, s0  }
0x1b6: {  	[sflag:s0] =	ssyncadd.tile.s32 @!p0 $0x1;
	_ =	shalt  }
.Lfunc_end2:
_tile_overlayer_lowered:
.L_overlay_start_2:
0x1b7: {  	(tag) =	ssettag $0x2  }
0x1b8: {  	s0 =	rddreg [dreg:$0x0];
	s2 =	stileid.u32  }
0x1b9: {  	s1 =	rddreg [dreg:$0x1];
	p0 =	sne.s32 s2, $0x0  }
0x1ba: {  	s3 =	rddreg [dreg:$0x2];
	[bflag:$0x3] =	sbarrier.arrive $0xFFFF;
	s2 =	simm.s32 @!p0 $0x1C05  }
0x1bb: {  	[timem:s3], [sflag:s2] =	dma.local @!p0 [hbm:s0], s1  }
0x1bc: {  	s0 =	simm.s32 @!p0 $0x5  }
0x1bd: {  	_ =	swait.ge @!p0 [sflag:s0], s1  }
0x1be: {  	s1 =	ssub.s32 @!p0 $0x0, s1;
	[sflag:s0] =	ssyncset.done @!p0 $0x0  }
0x1bf: {  	[sflag:s0] =	ssyncadd.s32 @!p0 s1  }
0x1c0: {  	[bflag:$0x3] =	sbarrier.arrive $0xFFFF  }
0x1c1: {  	_ =	shalt  }

// kernel: kernel.7.cloned.1.call-start
scs
__scs_entry_jumppad:
0x0: {  	(pc) =	sbr.rel $0x88, $3  }
0x1: {  	(tag) =	ssettag $0x0;
	lr =	simm.s32 $0x1  }
0x2: {  	[smem:$0x3F98] =	sst lr;
	_ =	strace $0xD0000000  }
0x3: {  	_ = 	snop  }
0x4: {  	_ = 	snop  }
0x5: {  	_ = 	snop  }
0x6: {  	_ = 	snop  }
0x7: {  	_ = 	snop  }
__scs_overlays_trampoline_lowered:
0x8: {  	[smem:$0x3FA7] =	sst s0  }
0x9: {  	[smem:$0x3FA8] =	sst s1  }
0xa: {  	[smem:$0x3FA9] =	sst s2  }
0xb: {  	[smem:$0x3FAA] =	sst s3  }
0xc: {  	[smem:$0x3FAB] =	sst s4  }
0xd: {  	[smem:$0x3FAC] =	sst s5  }
0xe: {  	[smem:$0x3FAD] =	sst s6  }
0xf: {  	[smem:$0x3FAE] =	sst s7  }
0x10: {  	[smem:$0x3FAF] =	sst s8  }
0x11: {  	[smem:$0x3FB0] =	sst s9;
	s0 =	simm.s32 @!p0 $0x0  }
0x12: {  	s1 =	sld [smem:$0x3F96];
	s0 =	simm.s32 @p0 $0x1  }
0x13: {  	[smem:$0x3FB1] =	sst s0;
	s0 =	simm.s32 @!p1 $0x0  }
0x14: {  	s2 =	sld [smem:$0x3F95];
	s0 =	simm.s32 @p1 $0x1  }
0x15: {  	[smem:$0x3FB2] =	sst s0;
	s0 =	simm.s32 @!p2 $0x0  }
0x16: {  	s3 =	sld [smem:$0x3FDB];
	s0 =	simm.s32 @p2 $0x1  }
0x17: {  	s4 =	simm.s32 $0x1BF5;
	[smem:$0x3FB4] =	sst s0  }
0x18: {  	s0 =	sld [smem:$0x3F97];
	_ =	swait.ge [sflag:s4], $0x0  }
0x19: {  	s7 =	sld [smem:$0x3F98]  }
0x1a: {  	s8 =	sadd.s32 $0xFFFFE003, lr  }
0x1b: {  	s9 =	sadd.s32 $0xFFFFFEF7, lr;
	s5 =	simm.s32 $0xFFFFFFFF;
	p2 =	slt.u32 s8, $0xFFFFF086  }
0x1c: {  	p1 =	slt.u32 s9, $0xF7A;
	s5 =	simm.s32 @!p2 $0x0  }
0x1d: {  	s5 =	simm.s32 @p1 $0x1;
	p0 =	seq.s32 s7, s2  }
0x1e: {  	s7 =	smul.u32 @!p0 $0xF7A, s2;
	p2 =	seq.s32 @!p0 s5, $0x0  }
0x1f: {  	s9 =	smul.u32 $0xF7A, s1;
	s8 =	simm.s32 @!p0 $0x1BF5;
	p2 =	por !p2, p0  }
0x20: {  	[sflag:s8] =	ssyncset.s32 @!p0 $0xFFFFF086;
	s6 =	sadd.s32 @!p0 s3, s7;
	s7 =	simm.s32 @!p0 $0x108  }
0x21: {  	s3 =	sadd.s32 s3, s9;
	s6 =	sadd.s32 @!p0 $0x88, s6;
	s7 =	simm.s32 @p2 $0x1082  }
0x22: {  	[simem:s7], [sflag:s8] =	dma.local @!p0 [hbm:s6], $0xF7A  }
0x23: {  	s9 =	sor.u32 $0xD0000000, s2;
	s6 =	simm.s32 $0x108;
	_ =	swait.ge @!p0 [sflag:s8], $0x0  }
0x24: {  	s3 =	sadd.s32 $0x88, s3;
	s6 =	simm.s32 @!p1 $0x1082;
	[sflag:s4] =	ssyncset.s32 $0xFFFFF086  }
0x25: {  	[simem:s6], [sflag:s4] =	dma.local [hbm:s3], $0xF7A  }
0x26: {  	[smem:$0x3F98] =	sst s1;
	(tag) =	ssettag s2;
	_ =	strace s9  }
0x27: {  	s1 =	sld [smem:$0x3FA8]  }
0x28: {  	s2 =	sld [smem:$0x3FA9]  }
0x29: {  	s4 =	sld [smem:$0x3FAB]  }
0x2a: {  	p0 =	seq.s32 s5, $0x0;
	s5 =	sld [smem:$0x3FAC]  }
0x2b: {  	s6 =	sld [smem:$0x3FAD]  }
0x2c: {  	s7 =	sld [smem:$0x3FAE]  }
0x2d: {  	s3 =	simm.s32 $0x108;
	s8 =	sld [smem:$0x3FAF]  }
0x2e: {  	s3 =	simm.s32 @!p0 $0x1082;
	s9 =	sld [smem:$0x3FB0]  }
0x2f: {  	lr =	sadd.s32 s0, s3;
	s0 =	sld [smem:$0x3FA7]  }
0x30: {  	s3 =	sld [smem:$0x3FAA]  }
0x31: {  	[smem:$0x3FB3] =	sst s10  }
0x32: {  	s10 =	sld [smem:$0x3FB1];
	_ =	sdelay $0x3  }
0x33: {  	p0 =	seq.s32 s10, $0x1;
	s10 =	sld [smem:$0x3FB3];
	_ =	sdelay $0x3  }
0x34: {  	[smem:$0x3FB3] =	sst s10  }
0x35: {  	s10 =	sld [smem:$0x3FB2];
	_ =	sdelay $0x3  }
0x36: {  	p1 =	seq.s32 s10, $0x1;
	s10 =	sld [smem:$0x3FB3];
	_ =	sdelay $0x3  }
0x37: {  	[smem:$0x3FB3] =	sst s10  }
0x38: {  	s10 =	sld [smem:$0x3FB4]  }
0x39: {  	_ = 	snop;
	(pc) =	sbr.ind lr, $3  }
0x3a: {  	_ = 	snop  }
0x3b: {  	_ = 	snop  }
0x3c: {  	p2 =	seq.s32 s10, $0x1;
	s10 =	sld [smem:$0x3FB3]  }
0x3d: {  	_ =	shalt  }
0x3e: {  	_ =	shalt  }
0x3f: {  	_ =	shalt  }
0x40: {  	_ =	shalt  }
0x41: {  	_ =	shalt  }
0x42: {  	_ =	shalt  }
0x43: {  	_ =	shalt  }
0x44: {  	_ =	shalt  }
0x45: {  	_ =	shalt  }
0x46: {  	_ =	shalt  }
0x47: {  	_ =	shalt  }
0x48: {  	_ =	shalt  }
0x49: {  	_ =	shalt  }
0x4a: {  	_ =	shalt  }
0x4b: {  	_ =	shalt  }
0x4c: {  	_ =	shalt  }
0x4d: {  	_ =	shalt  }
0x4e: {  	_ =	shalt  }
0x4f: {  	_ =	shalt  }
0x50: {  	_ =	shalt  }
0x51: {  	_ =	shalt  }
0x52: {  	_ =	shalt  }
0x53: {  	_ =	shalt  }
0x54: {  	_ =	shalt  }
0x55: {  	_ =	shalt  }
0x56: {  	_ =	shalt  }
0x57: {  	_ =	shalt  }
0x58: {  	_ =	shalt  }
0x59: {  	_ =	shalt  }
0x5a: {  	_ =	shalt  }
0x5b: {  	_ =	shalt  }
0x5c: {  	_ =	shalt  }
0x5d: {  	_ =	shalt  }
0x5e: {  	_ =	shalt  }
0x5f: {  	_ =	shalt  }
0x60: {  	_ =	shalt  }
0x61: {  	_ =	shalt  }
0x62: {  	_ =	shalt  }
0x63: {  	_ =	shalt  }
0x64: {  	_ =	shalt  }
0x65: {  	_ =	shalt  }
0x66: {  	_ =	shalt  }
0x67: {  	_ =	shalt  }
0x68: {  	_ =	shalt  }
0x69: {  	_ =	shalt  }
0x6a: {  	_ =	shalt  }
0x6b: {  	_ =	shalt  }
0x6c: {  	_ =	shalt  }
0x6d: {  	_ =	shalt  }
0x6e: {  	_ =	shalt  }
0x6f: {  	_ =	shalt  }
0x70: {  	_ =	shalt  }
0x71: {  	_ =	shalt  }
0x72: {  	_ =	shalt  }
0x73: {  	_ =	shalt  }
0x74: {  	_ =	shalt  }
0x75: {  	_ =	shalt  }
0x76: {  	_ =	shalt  }
0x77: {  	_ =	shalt  }
0x78: {  	_ =	shalt  }
0x79: {  	_ =	shalt  }
0x7a: {  	_ =	shalt  }
0x7b: {  	_ =	shalt  }
0x7c: {  	_ =	shalt  }
0x7d: {  	_ =	shalt  }
0x7e: {  	_ =	shalt  }
0x7f: {  	_ =	shalt  }
0x80: {  	_ =	shalt  }
0x81: {  	_ =	shalt  }
0x82: {  	_ =	shalt  }
0x83: {  	_ =	shalt  }
0x84: {  	_ =	shalt  }
0x85: {  	_ =	shalt  }
0x86: {  	_ =	shalt  }
0x87: {  	_ =	shalt  }
.Lfunc_end0:
.L_simem_size_0:
called_computation_lowered:
.L_overlay_start_0:
0x88: {  	s2 =	sld [smem:$0x3FD9]  }
0x89: {  	s3 =	sld [smem:$0x3FFE];
	_ =	sdelay $0x1  }
0x8a: {  	s1 =	srdreg.scid  }
0x8b: {  	s0 =	sand.u32 $0x1, s1  }
0x8c: {  	s16 =	sshll.u32 s0, $0xA;
	s2 =	sadd.s32 s3, s2  }
0x8d: {  	s2 =	sadd.s32 s2, s16  }
0x8e: {  	[smem:$0x3FBF] =	sst s2  }
0x8f: {  	_ = 	snop  }
0x90: {  	(tm) =	ssettm $0x1  }
0x91: {  	s17 =	sld [smem:$0x3FFB];
	_ =	sdelay $0x3  }
0x92: {  	_ =	strace s17  }
0x93: {  	s2 =	sld [smem:$0x3FFC];
	_ =	sdelay $0x3  }
0x94: {  	_ =	strace s2  }
0x95: {  	s2 =	sld [smem:$0x3FFD];
	_ =	sdelay $0x3  }
0x96: {  	_ =	strace s2  }
0x97: {  	_ =	strace $0x8FFFFFFF  }
0x98: {  	s18 =	sld [smem:$0x3FDB];
	_ =	sdelay $0x1  }
0x99: {  	s19 =	simm.s32 $_scs_section_size  }
0x9a: {  	s4 =	simm.s32 $_size__tile_overlayer_lowered;
	s5 =	simm.s32 $_tile_overlayer_lowered  }
0x9b: {  	s22 =	simm.s32 $0x1BFF;
	s21 =	sshll.u32 s5, $0x1;
	s2 =	sadd.s32 s19, s18  }
0x9c: {  	s6 =	simm.s32 $0x0;
	s20 =	sshll.u32 s4, $0x1;
	s4 =	sadd.s32 s21, s2  }
0x9d: {  	[timem:s6], [sflag:s22] =	dma.local [hbm:s4], s20  }
0x9e: {  	_ =	swait.ge [sflag:s22], s20  }
0x9f: {  	s3 =	ssub.s32 $0x0, s20;
	[sflag:s22] =	ssyncset.done $0x0  }
0xa0: {  	[sflag:s22] =	ssyncadd.s32 s3;
	_ =	sdelay $0x1  }
0xa1: {  	s23 =	simm.s32 $0x1B8B  }
0xa2: {  	_ =	swait.ge [sflag:s23], $0x1  }
0xa3: {  	[sflag:s23] =	ssyncset.done $0x0  }
0xa4: {  	s25 =	simm.s32 $0x1B8E;
	s24 =	sld [smem:$0x3FFE];
	[sflag:s23] =	ssyncadd.s32 $0xFFFFFFFF  }
0xa5: {  	s26 =	simm.s32 $execute0_lowered;
	[smem:$0x3FD2] =	sst s25  }
0xa6: {  	s4 =	sshll.u32 s26, $0x1;
	_ =	strace $0x80000046;
	[dreg:$0x1] =	wrdreg $0xFFFFFFFF  }
0xa7: {  	s28 =	simm.s32 $_size_execute0_lowered;
	s2 =	sadd.s32 s2, s4;
	[dreg:$0x0] =	wrdreg $0x0  }
0xa8: {  	s4 =	sshll.u32 s28, $0x1;
	[dreg:$0x2] =	wrdreg s2  }
0xa9: {  	[dreg:$0x3] =	wrdreg s4  }
0xaa: {  	[dreg:$0x4] =	wrdreg $0xC0  }
0xab: {  	_ =	task [dreg:s6], $0x5FFFF  }
0xac: {  	[dreg:$0x1] =	wrdreg $0xFFFFFFFF  }
0xad: {  	[dreg:$0x0] =	wrdreg $0x60  }
0xae: {  	[dreg:$0x2] =	wrdreg s24  }
0xaf: {  	[dreg:$0x3] =	wrdreg $0x0  }
0xb0: {  	[dreg:$0x4] =	wrdreg $0x9  }
0xb1: {  	_ =	task.clear_ibuf [dreg:s6], $0x5FFFF;
	_ =	strace $0x90000046  }
0xb2: {  	s29 =	simm.s32 $0x9;
	_ =	strace $0x80000048  }
0xb3: {  	_ =	swait.ge [sflag:s29], $0x1  }
0xb4: {  	[sflag:s29] =	ssyncadd.s32 $0xFFFFFFFF  }
0xb5: {  	_ =	strace $0x90000048  }
0xb6: {  	_ =	sfence  }
0xb7: {  	s30 =	sld [smem:$0x0];
	_ =	sdelay $0x2  }
0xb8: {  	s31 =	sshll.u32 s1, $0xD;
	s1 =	sshrl.u32 s1, $0x2  }
0xb9: {  	s3 =	sand.u32 $0x4000, s31;
	s1 =	sadd.s32 s1, s30  }
0xba: {  	s0 =	sor.u32 s3, s0;
	s1 =	sshll.u32 s1, $0x11  }
0xbb: {  	s0 =	sor.u32 s1, s0  }
0xbc: {  	s0 =	sadd.s32 $0x8F2B, s0  }
0xbd: {  	[sflag:s0] =	ssyncadd.remote.s32 $0x1  }
0xbe: {  	_ =	sfence.sel $0xFFFF  }
0xbf: {  	[dreg:$0x0] =	wrdreg $0xFFFFFFFF;
	(pc) =	sbr.abs _section_cstart, $3  }
0xc0: {  	[dreg:$0x1] =	wrdreg $0xFFFFFFFF  }
0xc1: {  	_ =	task.clear_ibuf [dreg:s6], $0x2FFFF;
	_ =	strace $0x9FFFFFFF  }
0xc2: {  	(tm) =	ssettm $0x7FFFFFFF  }
0xc3: {  	_ =	shalt  }
tec
execute0_lowered:
.L_overlay_start_1:
0x0: {  	(tag) =	ssettag $0x1  }
0x1: {  	s1 =	srdreg.scid;
	s4 =	rddreg [dreg:$0x0]  }
0x2: {  	s0 =	stileid.u32;
	s2 =	rddreg [dreg:$0x1];
	s3 =	simm.s32 $0x0  }
0x3: {  	s10 =	simm.s32 $0x1;
	s11 =	simm.s32 $0x4330;
	s12 =	simm.s32 $0x7F30  }
0x4: {  	s13 =	simm.s32 $0x80;
	s14 =	simm.s32 $0x0;
	s5 =	sand.u32 $0x1, s1  }
0x5: {  	s6 =	smul.u32 $0x730, s0;
	s7 =	sshll.u32 s0, $0x1;
	s1 =	rddreg [dreg:$0x2]  }
0x6: {  	s8 =	smul.u32 $0x7300, s5;
	s7 =	sor.u32 s5, s7;
	s5 =	ssub.s32 $0x2, s5  }
0x7: {  	[smem:$0x7FF] =	sst s3;
	s7 =	smul.u32 $0x780, s7;
	s31 =	sshrl.u32 s5, $0x1  }
0x8: {  	_ =	strace $0x80000047;
	s8 =	sadd.s32 s6, s8;
	s9 =	ssub.s32 s5, s31  }
0x9: {  	s6 =	sadd.s32 s6, s2;
	s8 =	sshrl.u32 s8, $0x3;
	s7 =	sadd.s32 s7, s4  }
0xa: {  	s8 =	sadd.s32 s8, s4;
	s4 =	sadd.s32 $0x2600, s7;
	s5 =	sadd.s32 $0x11600, s7  }
0xb: {  	v0 =	vimm.f32 $0.0e+00;
	s7 =	sadd.s32 $0x20600, s8;
	s8 =	smax.u32 s9, $0x1;
	s9 =	simm.s32 $0x730  }
.LBB2_1:
0xc: {  	[tilespmem:s9], [sflag:$0x1] =	stream.linear.gather [hbm4b:s4+s3], $0x3980, $0x38;
	[tilespmem:$0x86B0] =	vst v63  }
0xd: {  	_ =	swait.ge [sflag:s10], $0x3980  }
0xe: {  	[sflag:s10] =	ssyncset.done $0x0  }
0xf: {  	[sflag:s10] =	ssyncadd.s32 $0xFFFFC680  }
0x10: {  	[tilespmem:s11], [sflag:$0x1] =	stream.linear.gather [hbm4b:s5+s3], $0x3980, $0x38;
	[tilespmem:$0x86B0] =	vst v63  }
0x11: {  	_ =	swait.ge [sflag:s10], $0x3980  }
0x12: {  	[sflag:s10] =	ssyncset.done $0x0  }
0x13: {  	s15 =	simm.s32 $0x40;
	s16 =	simm.s32 $0x0;
	[sflag:s10] =	ssyncadd.s32 $0xFFFFC680  }
.LBB2_2:
0x14: {  	p0 =	sne.s32 s15, $0x1C80;
	[tilespmem:s16+$0x7F30] =	vst v0;
	s16 =	smov.u32 s15;
	s15 =	sadd.s32 $0x40, s15  }
.Ltmp0:
0x15: {  	(pc) =	sbr.rel @p0 .LBB2_2-.Ltmp0, $2  }
0x16: {  	_ =	sdelay $0x2  }
0x17: {  	s16 =	sshra.s32 s16, $0x2  }
0x18: {  	[tilespmem:s16+$0x7F30] =	vst v0  }
0x19: {  	[spmem:s6] =	stream.linear.scatter [tilespmem:s12], [sflag:$0x1], $0x730, $0x38;
	[tilespmem:$0x86B0] =	vst v63  }
0x1a: {  	_ =	swait.ge [sflag:s10], $0x730  }
0x1b: {  	[sflag:s10] =	ssyncset.done $0x0  }
0x1c: {  	[sflag:s10] =	ssyncadd.s32 $0xFFFFF8D0  }
0x1d: {  	s15 =	simm.s32 $0x4330;
	s31 =	simm.s32 $0x730;
	[bflag:$0x0] =	sbarrier.arrive $0xFFFF  }
0x1e: {  	[spmem:s2] =	stream.indirect.scatter.add.f32 [tilespmem:s15], [sflag:$0x1], $0x1, s31, s13, $0xb8;
	[tilespmem:$0x86B0] =	vst v63  }
0x1f: {  	s15 =	simm.s32 $0x200;
	_ =	swait.ge [sflag:s10], $0x80  }
.LBB2_4:
0x20: {  	s16 =	sshra.s32 s15, $0x2  }
0x21: {  	[sflag:s10] =	ssyncset.done $0x0;
	p0 =	sne.s32 s15, $0xE400;
	s17 =	sadd.s32 $0x4330, s16  }
.Ltmp1:
0x22: {  	s16 =	sadd.s32 $0x730, s16;
	[sflag:s10] =	ssyncadd.s32 $0xFFFFFF80;
	(pc) =	sbr.rel @p0 .LBB2_4-.Ltmp1, $3  }
0x23: {  	[spmem:s2] =	stream.indirect.scatter.add.f32 [tilespmem:s17], [sflag:$0x1], $0x1, s16, s13, $0xb8;
	[tilespmem:$0x86B0] =	vst v63  }
0x24: {  	s15 =	sadd.s32 $0x200, s15;
	_ =	sdelay $0x1  }
0x25: {  	_ =	swait.ge [sflag:s10], $0x80  }
0x26: {  	[sflag:s10] =	ssyncset.done $0x0  }
0x27: {  	[sflag:s10] =	ssyncadd.s32 $0xFFFFFF80  }
0x28: {  	[bflag:$0x0] =	sbarrier.arrive $0xFFFF  }
0x29: {  	[tilespmem:s12], [sflag:$0x1] =	stream.linear.gather [spmem:s6], $0x730, $0x38;
	[tilespmem:$0x86B0] =	vst v63  }
0x2a: {  	s14 =	sadd.s32 $0x1, s14;
	_ =	swait.ge [sflag:s10], $0x730  }
0x2b: {  	p0 =	sne.s32 s14, s8;
	[sflag:s10] =	ssyncset.done $0x0  }
.Ltmp2:
0x2c: {  	[sflag:s10] =	ssyncadd.s32 $0xFFFFF8D0;
	(pc) =	sbr.rel @p0 .LBB2_1-.Ltmp2, $4  }
0x2d: {  	[hbm4b:s7+s3] =	stream.linear.scatter [tilespmem:s12], [sflag:$0x1], $0x730, $0x38;
	[tilespmem:$0x86B0] =	vst v63  }
0x2e: {  	_ =	swait.ge [sflag:s10], $0x730  }
0x2f: {  	[sflag:s10] =	ssyncset.done $0x0  }
0x30: {  	[sflag:s10] =	ssyncadd.s32 $0xFFFFF8D0  }
0x31: {  	_ =	sfence.sel $0x180000  }
0x32: {  	[bflag:$0x0] =	sbarrier.arrive $0xFFFF  }
0x33: {  	p0 =	sne.s32 s0, $0x0;
	_ =	strace $0x90000047  }
0x34: {  	s0 =	sadd.s32 @!p0 $0x100000, s1;
	[bflag:$0x2] =	sbarrier.arrive $0xFFFF  }
0x35: {  	[sflag:s0] =	ssyncadd.tile.s32 @!p0 $0x1;
	_ =	shalt  }
.Lfunc_end2:
_tile_overlayer_lowered:
.L_overlay_start_2:
0x36: {  	(tag) =	ssettag $0x2  }
0x37: {  	s0 =	rddreg [dreg:$0x0];
	s2 =	stileid.u32  }
0x38: {  	s1 =	rddreg [dreg:$0x1];
	p0 =	sne.s32 s2, $0x0  }
0x39: {  	s3 =	rddreg [dreg:$0x2];
	[bflag:$0x3] =	sbarrier.arrive $0xFFFF;
	s2 =	simm.s32 @!p0 $0x1C01  }
0x3a: {  	[timem:s3], [sflag:s2] =	dma.local @!p0 [hbm:s0], s1  }
0x3b: {  	s0 =	simm.s32 @!p0 $0x1  }
0x3c: {  	_ =	swait.ge @!p0 [sflag:s0], s1  }
0x3d: {  	s1 =	ssub.s32 @!p0 $0x0, s1;
	[sflag:s0] =	ssyncset.done @!p0 $0x0  }
0x3e: {  	[sflag:s0] =	ssyncadd.s32 @!p0 s1  }
0x3f: {  	[bflag:$0x3] =	sbarrier.arrive $0xFFFF  }
0x40: {  	_ =	shalt  }

</sc_bundles>
